<compile_context>
chip_gen: v7x
topology: tpu7x:2x2x1
jax: 0.10.2.dev20260603
libtpu: 0.0.44.dev20260713+nightly
codegen_flags: <defaults>
</compile_context>

<pallas_src>
import functools

import jax
import jax.numpy as jnp
from jax import lax
from jax.experimental import pallas as pl
from jax.experimental.pallas import tpu as pltpu
from jax.experimental.pallas import tpu_sc as plsc

D = 128
L = 16
NC = 2
NS = 16
NW = NC * NS
CHUNK = 64
K = 5
NCHUNKS = NW * K
BATCH_PAD = NCHUNKS * CHUNK
VPR = D // L


def _make_sc_call(batch, fan_out, scale_val):
    nfull = batch // CHUNK
    rem = batch - nfull * CHUNK
    mesh = plsc.VectorSubcoreMesh(core_axis_name="c", subcore_axis_name="s",
                                  num_cores=NC, num_subcores=NS)

    @functools.partial(
        pl.kernel,
        out_type=jax.ShapeDtypeStruct((batch, D), jnp.float32),
        mesh=mesh,
        scratch_types=[
            pltpu.VMEM((K, fan_out, CHUNK), jnp.int32),
            pltpu.VMEM((CHUNK, D), jnp.float32),
            pltpu.VMEM((CHUNK, D), jnp.float32),
            pltpu.VMEM((CHUNK, D), jnp.float32),
            pltpu.VMEM((CHUNK, D), jnp.float32),
            pltpu.SemaphoreType.DMA,
            pltpu.SemaphoreType.DMA,
            pltpu.SemaphoreType.DMA,
            pltpu.SemaphoreType.DMA,
        ],
    )
    def sc_call(feat_hbm, idx_hbm, out_hbm, idx_v, acc0, acc1, st0, st1,
                sg0, sg1, so0, so1):
        c = lax.axis_index("c")
        s = lax.axis_index("s")
        wid = s * NC + c
        base = wid * K
        accs = (acc0, acc1)
        stages = (st0, st1)
        sgs = (sg0, sg1)
        sos = (so0, so1)
        zvec = jnp.zeros((L,), jnp.float32)

        pltpu.sync_copy(idx_hbm.at[pl.ds(base, K)], idx_v)

        def zero(acc):
            def zbody(r, carry):
                for v in range(VPR):
                    acc[r, pl.ds(v * L, L)] = zvec
                return carry
            lax.fori_loop(0, CHUNK, zbody, 0)

        def issue(j, acc, sem):
            def ibody(n, carry):
                pltpu.async_copy(feat_hbm.at[idx_v.at[j, n]], acc, sem,
                                 add=True)
                return carry
            lax.fori_loop(0, fan_out, ibody, 0)

        def drain(j, acc, sem):
            def dbody(n, carry):
                pltpu.make_async_copy(feat_hbm.at[idx_v.at[j, n]], acc,
                                      sem).wait()
                return carry
            lax.fori_loop(0, fan_out, dbody, 0)

        def scale_to(acc, stage):
            def sbody(r, carry):
                for v in range(VPR):
                    stage[r, pl.ds(v * L, L)] = (
                        acc[r, pl.ds(v * L, L)] * scale_val)
                return carry
            lax.fori_loop(0, CHUNK, sbody, 0)

        def full_copy(j, stage, sem):
            return pltpu.make_async_copy(
                stage, out_hbm.at[pl.ds((base + j) * CHUNK, CHUNK)], sem)

        def part_copy(stage, sem):
            return pltpu.make_async_copy(
                stage.at[pl.ds(0, rem)],
                out_hbm.at[pl.ds(nfull * CHUNK, rem)], sem)

        def out_start(j, stage, sem):
            k = base + j

            @pl.when(k < nfull)
            def _():
                full_copy(j, stage, sem).start()

            if rem:
                @pl.when(k == nfull)
                def _():
                    part_copy(stage, sem).start()

        def out_wait(j, stage, sem):
            k = base + j

            @pl.when(k < nfull)
            def _():
                full_copy(j, stage, sem).wait()

            if rem:
                @pl.when(k == nfull)
                def _():
                    part_copy(stage, sem).wait()

        def live(j):
            return (base + j) < nfull + (1 if rem else 0)

        for slot in range(2):
            @pl.when(live(slot))
            def _():
                zero(accs[slot])
                issue(slot, accs[slot], sgs[slot])

        for j in range(K):
            p = j % 2

            @pl.when(live(j))
            def _():
                drain(j, accs[p], sgs[p])

            if j >= 2:
                out_wait(j - 2, stages[p], sos[p])

            @pl.when(live(j))
            def _():
                scale_to(accs[p], stages[p])

            out_start(j, stages[p], sos[p])

            if j + 2 < K:
                @pl.when(live(j + 2))
                def _():
                    zero(accs[p])
                    issue(j + 2, accs[p], sgs[p])

        for j in (K - 2, K - 1):
            out_wait(j, stages[j % 2], sos[j % 2])

    return sc_call


def kernel(features, neigh_idx, num_sample):
    n_nodes, d = features.shape
    batch, fan_out = neigh_idx.shape
    assert d == D
    idx = neigh_idx.astype(jnp.int32)
    pad = BATCH_PAD - batch
    if pad:
        fill = (jnp.arange(pad * fan_out, dtype=jnp.int32) % n_nodes
                ).reshape(pad, fan_out)
        idx = jnp.concatenate([idx, fill], axis=0)
    idx3 = idx.reshape(NCHUNKS, CHUNK, fan_out).transpose(0, 2, 1)
    scale = jnp.float32(1.0 / fan_out)
    sc_call = _make_sc_call(batch, fan_out, scale)
    return sc_call(features, idx3)

# --- scband reference (transcript-rebuilt; emitter-appended) ---
"""Pipeline reference for scband-mean-aggregator-46024869544579 (READ-ONLY COPY).

The authoritative reference and input builder live on the scoring server;
editing this copy changes nothing except your own understanding.
"""

import jax, jax.numpy as jnp
import numpy as np

N_NODES = 100000
D_FEAT = 128
BATCH = 10000
NUM_SAMPLE = 32


def setup_inputs(seed: int = 0) -> dict:
    key = jax.random.key(seed)
    k1, k2 = jax.random.split(key)
    # 'features' plays the role of the features() lookup function in the torch
    # module: a node-id -> embedding table of shape [n_nodes, d_feat].
    features = jax.random.normal(k1, (N_NODES, D_FEAT), dtype=jnp.float32)
    # Tensorized form of `samp_neighs`: each of the BATCH nodes has a fixed
    # fan-out of NUM_SAMPLE sampled neighbor ids (random.sample equivalent).
    neigh_idx = jax.random.randint(k2, (BATCH, NUM_SAMPLE), 0, N_NODES).astype(jnp.int64)
    return {"features": features, "neigh_idx": neigh_idx, "num_sample": NUM_SAMPLE}


def reference(features, neigh_idx, num_sample=NUM_SAMPLE):
    # Torch module builds a normalized incidence mask and computes
    # mask.mm(embed_matrix), i.e. the MEAN of each node's sampled neighbors'
    # embeddings. With a fixed fan-out of num_sample neighbors per node the
    # row-normalized sparse matmul is exactly a gather followed by a mean.
    gathered = jnp.take(features, neigh_idx, axis=0)  # [BATCH, num_sample, D_FEAT]
    to_feats = gathered.mean(axis=1)                   # [BATCH, D_FEAT]
    return to_feats

if __name__ == "__main__":
    import jax
    _d = setup_inputs()
    print(jax.jit(kernel)(*tuple(_d.values())))

</pallas_src>

<mosaic_0001>
#map = affine_map<(d0, d1) -> (0, 0)>
#map1 = affine_map<(d0, d1) -> (0, 0, 0)>
#map2 = affine_map<(d0, d1) -> (0)>
module attributes {stable_mosaic.version = 14 : i64} {
  func.func @_rewritten_body(%arg0: i32, %arg1: i32, %arg2: memref<100000x128xf32, #tpu.memory_space<hbm>>, %arg3: memref<160x32x64xi32, #tpu.memory_space<hbm>>, %arg4: memref<1xf32, #tpu.memory_space<hbm>>, %arg5: memref<10000x128xf32, #tpu.memory_space<hbm>>, %arg6: memref<5x32x64xi32, #tpu.memory_space<vmem>>, %arg7: memref<64x128xf32, #tpu.memory_space<vmem>>, %arg8: memref<64x128xf32, #tpu.memory_space<vmem>>, %arg9: memref<64x128xf32, #tpu.memory_space<vmem>>, %arg10: memref<64x128xf32, #tpu.memory_space<vmem>>, %arg11: memref<!tpu.dma_semaphore, #tpu.memory_space<semaphore_mem>>, %arg12: memref<!tpu.dma_semaphore, #tpu.memory_space<semaphore_mem>>, %arg13: memref<!tpu.dma_semaphore, #tpu.memory_space<semaphore_mem>>, %arg14: memref<!tpu.dma_semaphore, #tpu.memory_space<semaphore_mem>>) attributes {dimension_semantics = [#tpu.dimension_semantics<core_parallel>, #tpu.dimension_semantics<subcore_parallel>], iteration_bounds = array<i64: 2, 16>, scalar_prefetch = 0 : i64, scratch_operands = 9 : i64, tpu.core_type = #tpu.core_type<sc_vector_subcore>, window_params = [{transform_indices = #map}, {transform_indices = #map1}, {transform_indices = #map2}, {transform_indices = #map}]} {
    %empty_ref3A = memref.alloca() : memref<16xf32, #tpu.memory_space<vmem>>
    "tpu.region"() ({
      %run_scoped3A = tpu.sem_alloc : memref<!tpu.dma_semaphore, #tpu.memory_space<semaphore_mem>>
      %dma_start3A = arith.constant 0 : i32
      %dma_start3A_227 = tpu.memref_slice %empty_ref3A[%dma_start3A] : memref<16xf32, #tpu.memory_space<vmem>> -> memref<1xf32, #tpu.memory_space<vmem>>
      %dma_start3A_228 = arith.constant 0 : i32
      %dma_start3A_229 = tpu.memref_slice %empty_ref3A[%dma_start3A_228] : memref<16xf32, #tpu.memory_space<vmem>> -> memref<1xf32, #tpu.memory_space<vmem>>
      tpu.enqueue_dma source(%arg4 : memref<1xf32, #tpu.memory_space<hbm>>) target(%dma_start3A_229 : memref<1xf32, #tpu.memory_space<vmem>>) target_semaphore(%run_scoped3A : memref<!tpu.dma_semaphore, #tpu.memory_space<semaphore_mem>>)
      %dma_wait3A = arith.constant 0 : i32
      %dma_wait3A_230 = tpu.memref_slice %empty_ref3A[%dma_wait3A] : memref<16xf32, #tpu.memory_space<vmem>> -> memref<1xf32, #tpu.memory_space<vmem>>
      %dma_wait3A_231 = arith.constant 0 : i32
      %dma_wait3A_232 = tpu.memref_slice %empty_ref3A[%dma_wait3A_231] : memref<16xf32, #tpu.memory_space<vmem>> -> memref<1xf32, #tpu.memory_space<vmem>>
      tpu.wait_dma2 semaphore(%run_scoped3A : memref<!tpu.dma_semaphore, #tpu.memory_space<semaphore_mem>>) src(%arg4 : memref<1xf32, #tpu.memory_space<hbm>>) dst(%dma_wait3A_232 : memref<1xf32, #tpu.memory_space<vmem>>)
      tpu.yield
    }) : () -> ()
    %get3A = arith.constant 0 : index
    %get3A_0 = tpu.vector_load %empty_ref3A[%get3A] {strides = array<i32>} : memref<16xf32, #tpu.memory_space<vmem>>, vector<16xf32>,
    %get3A_1 = vector.shape_cast %get3A_0 : vector<16xf32> to vector<16xf32>
    %slice3A = vector.extract_strided_slice %get3A_1 {offsets = [0], sizes = [1], strides = [1]} : vector<16xf32> to vector<1xf32>
    %squeeze3A = vector.extract %slice3A[0] : f32 from vector<1xf32>
    %mul3A = arith.constant 2 : i32
    %mul3A_2 = arith.muli %arg1, %mul3A : i32
    %add3A = arith.addi %mul3A_2, %arg0 : i32
    %mul3A_3 = arith.constant 5 : i32
    %mul3A_4 = arith.muli %add3A, %mul3A_3 : i32
    %broadcast_in_dim3A = arith.constant 0.000000e+00 : f32
    %broadcast_in_dim3A_5 = vector.broadcast %broadcast_in_dim3A : f32 to vector<16xf32>
    "tpu.region"() ({
      %run_scoped3A = tpu.sem_alloc : memref<!tpu.dma_semaphore, #tpu.memory_space<semaphore_mem>>
      %dma_start3A = arith.constant 0 : i32
      %dma_start3A_227 = arith.constant 0 : i32
      %dma_start3A_228 = tpu.memref_slice %arg3[%mul3A_4, %dma_start3A, %dma_start3A_227] : memref<160x32x64xi32, #tpu.memory_space<hbm>> -> memref<5x32x64xi32, #tpu.memory_space<hbm>>
      %dma_start3A_229 = arith.constant 0 : i32
      %dma_start3A_230 = arith.constant 0 : i32
      %dma_start3A_231 = tpu.memref_slice %arg3[%mul3A_4, %dma_start3A_229, %dma_start3A_230] : memref<160x32x64xi32, #tpu.memory_space<hbm>> -> memref<5x32x64xi32, #tpu.memory_space<hbm>>
      tpu.enqueue_dma source(%dma_start3A_231 : memref<5x32x64xi32, #tpu.memory_space<hbm>>) target(%arg6 : memref<5x32x64xi32, #tpu.memory_space<vmem>>) target_semaphore(%run_scoped3A : memref<!tpu.dma_semaphore, #tpu.memory_space<semaphore_mem>>)
      %dma_wait3A = arith.constant 0 : i32
      %dma_wait3A_232 = arith.constant 0 : i32
      %dma_wait3A_233 = tpu.memref_slice %arg3[%mul3A_4, %dma_wait3A, %dma_wait3A_232] : memref<160x32x64xi32, #tpu.memory_space<hbm>> -> memref<5x32x64xi32, #tpu.memory_space<hbm>>
      %dma_wait3A_234 = arith.constant 0 : i32
      %dma_wait3A_235 = arith.constant 0 : i32
      %dma_wait3A_236 = tpu.memref_slice %arg3[%mul3A_4, %dma_wait3A_234, %dma_wait3A_235] : memref<160x32x64xi32, #tpu.memory_space<hbm>> -> memref<5x32x64xi32, #tpu.memory_space<hbm>>
      tpu.wait_dma2 semaphore(%run_scoped3A : memref<!tpu.dma_semaphore, #tpu.memory_space<semaphore_mem>>) src(%dma_wait3A_236 : memref<5x32x64xi32, #tpu.memory_space<hbm>>) dst(%arg6 : memref<5x32x64xi32, #tpu.memory_space<vmem>>)
      tpu.yield
    }) : () -> ()
    %add3A_6 = arith.constant 0 : i32
    %add3A_7 = arith.addi %mul3A_4, %add3A_6 : i32
    %lt3A = arith.constant 157 : i32
    %lt3A_8 = arith.cmpi slt, %add3A_7, %lt3A : i32
    %convert_element_type3A = arith.extui %lt3A_8 : i1 to i32
    %cond3A = arith.constant 0 : i32
    %cond3A_9 = arith.cmpi ne, %convert_element_type3A, %cond3A : i32
    scf.if %cond3A_9 {
      %scan3A = arith.constant 0 : i32
      %scan3A_227 = arith.constant 0 : i32
      %scan3A_228 = arith.constant 64 : i32
      %scan3A_229 = arith.addi %scan3A_227, %scan3A_228 : i32
      %scan3A_230 = arith.constant 1 : i32
      scf.for %scan3A_238 = %scan3A_227 to %scan3A_229 step %scan3A_230  : i32 {
        %swap3A = arith.index_cast %scan3A_238 : i32 to index
        %swap3A_239 = arith.constant 0 : index
        %swap3A_240 = tpu.vector_load %arg7[%swap3A, %swap3A_239] {strides = array<i32>} : memref<64x128xf32, #tpu.memory_space<vmem>>, vector<1x16xf32>,
        %swap3A_241 = vector.shape_cast %swap3A_240 : vector<1x16xf32> to vector<16xf32>
        %swap3A_242 = vector.shape_cast %broadcast_in_dim3A_5 : vector<16xf32> to vector<1x16xf32>
        tpu.vector_store %arg7[%swap3A, %swap3A_239], %swap3A_242 {strides = array<i32>} : memref<64x128xf32, #tpu.memory_space<vmem>>, vector<1x16xf32>,
        %swap3A_243 = arith.index_cast %scan3A_238 : i32 to index
        %swap3A_244 = arith.constant 16 : index
        %swap3A_245 = tpu.vector_load %arg7[%swap3A_243, %swap3A_244] {strides = array<i32>} : memref<64x128xf32, #tpu.memory_space<vmem>>, vector<1x16xf32>,
        %swap3A_246 = vector.shape_cast %swap3A_245 : vector<1x16xf32> to vector<16xf32>
        %swap3A_247 = vector.shape_cast %broadcast_in_dim3A_5 : vector<16xf32> to vector<1x16xf32>
        tpu.vector_store %arg7[%swap3A_243, %swap3A_244], %swap3A_247 {strides = array<i32>} : memref<64x128xf32, #tpu.memory_space<vmem>>, vector<1x16xf32>,
        %swap3A_248 = arith.index_cast %scan3A_238 : i32 to index
        %swap3A_249 = arith.constant 32 : index
        %swap3A_250 = tpu.vector_load %arg7[%swap3A_248, %swap3A_249] {strides = array<i32>} : memref<64x128xf32, #tpu.memory_space<vmem>>, vector<1x16xf32>,
        %swap3A_251 = vector.shape_cast %swap3A_250 : vector<1x16xf32> to vector<16xf32>
        %swap3A_252 = vector.shape_cast %broadcast_in_dim3A_5 : vector<16xf32> to vector<1x16xf32>
        tpu.vector_store %arg7[%swap3A_248, %swap3A_249], %swap3A_252 {strides = array<i32>} : memref<64x128xf32, #tpu.memory_space<vmem>>, vector<1x16xf32>,
        %swap3A_253 = arith.index_cast %scan3A_238 : i32 to index
        %swap3A_254 = arith.constant 48 : index
        %swap3A_255 = tpu.vector_load %arg7[%swap3A_253, %swap3A_254] {strides = array<i32>} : memref<64x128xf32, #tpu.memory_space<vmem>>, vector<1x16xf32>,
        %swap3A_256 = vector.shape_cast %swap3A_255 : vector<1x16xf32> to vector<16xf32>
        %swap3A_257 = vector.shape_cast %broadcast_in_dim3A_5 : vector<16xf32> to vector<1x16xf32>
        tpu.vector_store %arg7[%swap3A_253, %swap3A_254], %swap3A_257 {strides = array<i32>} : memref<64x128xf32, #tpu.memory_space<vmem>>, vector<1x16xf32>,
        %swap3A_258 = arith.index_cast %scan3A_238 : i32 to index
        %swap3A_259 = arith.constant 64 : index
        %swap3A_260 = tpu.vector_load %arg7[%swap3A_258, %swap3A_259] {strides = array<i32>} : memref<64x128xf32, #tpu.memory_space<vmem>>, vector<1x16xf32>,
        %swap3A_261 = vector.shape_cast %swap3A_260 : vector<1x16xf32> to vector<16xf32>
        %swap3A_262 = vector.shape_cast %broadcast_in_dim3A_5 : vector<16xf32> to vector<1x16xf32>
        tpu.vector_store %arg7[%swap3A_258, %swap3A_259], %swap3A_262 {strides = array<i32>} : memref<64x128xf32, #tpu.memory_space<vmem>>, vector<1x16xf32>,
        %swap3A_263 = arith.index_cast %scan3A_238 : i32 to index
        %swap3A_264 = arith.constant 80 : index
        %swap3A_265 = tpu.vector_load %arg7[%swap3A_263, %swap3A_264] {strides = array<i32>} : memref<64x128xf32, #tpu.memory_space<vmem>>, vector<1x16xf32>,
        %swap3A_266 = vector.shape_cast %swap3A_265 : vector<1x16xf32> to vector<16xf32>
        %swap3A_267 = vector.shape_cast %broadcast_in_dim3A_5 : vector<16xf32> to vector<1x16xf32>
        tpu.vector_store %arg7[%swap3A_263, %swap3A_264], %swap3A_267 {strides = array<i32>} : memref<64x128xf32, #tpu.memory_space<vmem>>, vector<1x16xf32>,
        %swap3A_268 = arith.index_cast %scan3A_238 : i32 to index
        %swap3A_269 = arith.constant 96 : index
        %swap3A_270 = tpu.vector_load %arg7[%swap3A_268, %swap3A_269] {strides = array<i32>} : memref<64x128xf32, #tpu.memory_space<vmem>>, vector<1x16xf32>,
        %swap3A_271 = vector.shape_cast %swap3A_270 : vector<1x16xf32> to vector<16xf32>
        %swap3A_272 = vector.shape_cast %broadcast_in_dim3A_5 : vector<16xf32> to vector<1x16xf32>
        tpu.vector_store %arg7[%swap3A_268, %swap3A_269], %swap3A_272 {strides = array<i32>} : memref<64x128xf32, #tpu.memory_space<vmem>>, vector<1x16xf32>,
        %swap3A_273 = arith.index_cast %scan3A_238 : i32 to index
        %swap3A_274 = arith.constant 112 : index
        %swap3A_275 = tpu.vector_load %arg7[%swap3A_273, %swap3A_274] {strides = array<i32>} : memref<64x128xf32, #tpu.memory_space<vmem>>, vector<1x16xf32>,
        %swap3A_276 = vector.shape_cast %swap3A_275 : vector<1x16xf32> to vector<16xf32>
        %swap3A_277 = vector.shape_cast %broadcast_in_dim3A_5 : vector<16xf32> to vector<1x16xf32>
        tpu.vector_store %arg7[%swap3A_273, %swap3A_274], %swap3A_277 {strides = array<i32>} : memref<64x128xf32, #tpu.memory_space<vmem>>, vector<1x16xf32>,
      }
      %scan3A_231 = arith.constant 64 : i32
      %scan3A_232 = arith.constant 0 : i32
      %scan3A_233 = arith.constant 0 : i32
      %scan3A_234 = arith.constant 32 : i32
      %scan3A_235 = arith.addi %scan3A_233, %scan3A_234 : i32
      %scan3A_236 = arith.constant 1 : i32
      scf.for %scan3A_238 = %scan3A_233 to %scan3A_235 step %scan3A_236  : i32 {
        %dma_start3A = arith.constant 0 : i32
        %dma_start3A_239 = arith.constant 0 : i32
        %dma_start3A_240 = tpu.memref_slice %arg6[%dma_start3A, %scan3A_238, %dma_start3A_239] : memref<5x32x64xi32, #tpu.memory_space<vmem>> -> memref<1x1x64xi32, #tpu.memory_space<vmem>>
        %dma_start3A_241 = tpu.memref_squeeze %dma_start3A_240 : memref<1x1x64xi32, #tpu.memory_space<vmem>> -> memref<64xi32, #tpu.memory_space<vmem>>
        %dma_start3A_242 = arith.constant 0 : i32
        %dma_start3A_243 = arith.constant 0 : i32
        %dma_start3A_244 = tpu.memref_slice %arg2[%dma_start3A_242, %dma_start3A_243] : memref<100000x128xf32, #tpu.memory_space<hbm>> -> memref<100000x128xf32, #tpu.memory_space<hbm>>
        tpu.enqueue_indirect_dma source(%dma_start3A_244 : memref<100000x128xf32, #tpu.memory_space<hbm>>) target(%arg7 : memref<64x128xf32, #tpu.memory_space<vmem>>) offsets(%dma_start3A_241 : memref<64xi32, #tpu.memory_space<vmem>>) semaphore(%arg11 : memref<!tpu.dma_semaphore, #tpu.memory_space<semaphore_mem>>) {add = true}
      }
      %scan3A_237 = arith.constant 32 : i32
    } else {
    }
    %add3A_10 = arith.constant 1 : i32
    %add3A_11 = arith.addi %mul3A_4, %add3A_10 : i32
    %lt3A_12 = arith.constant 157 : i32
    %lt3A_13 = arith.cmpi slt, %add3A_11, %lt3A_12 : i32
    %convert_element_type3A_14 = arith.extui %lt3A_13 : i1 to i32
    %cond3A_15 = arith.constant 0 : i32
    %cond3A_16 = arith.cmpi ne, %convert_element_type3A_14, %cond3A_15 : i32
    scf.if %cond3A_16 {
      %scan3A = arith.constant 0 : i32
      %scan3A_227 = arith.constant 0 : i32
      %scan3A_228 = arith.constant 64 : i32
      %scan3A_229 = arith.addi %scan3A_227, %scan3A_228 : i32
      %scan3A_230 = arith.constant 1 : i32
      scf.for %scan3A_238 = %scan3A_227 to %scan3A_229 step %scan3A_230  : i32 {
        %swap3A = arith.index_cast %scan3A_238 : i32 to index
        %swap3A_239 = arith.constant 0 : index
        %swap3A_240 = tpu.vector_load %arg8[%swap3A, %swap3A_239] {strides = array<i32>} : memref<64x128xf32, #tpu.memory_space<vmem>>, vector<1x16xf32>,
        %swap3A_241 = vector.shape_cast %swap3A_240 : vector<1x16xf32> to vector<16xf32>
        %swap3A_242 = vector.shape_cast %broadcast_in_dim3A_5 : vector<16xf32> to vector<1x16xf32>
        tpu.vector_store %arg8[%swap3A, %swap3A_239], %swap3A_242 {strides = array<i32>} : memref<64x128xf32, #tpu.memory_space<vmem>>, vector<1x16xf32>,
        %swap3A_243 = arith.index_cast %scan3A_238 : i32 to index
        %swap3A_244 = arith.constant 16 : index
        %swap3A_245 = tpu.vector_load %arg8[%swap3A_243, %swap3A_244] {strides = array<i32>} : memref<64x128xf32, #tpu.memory_space<vmem>>, vector<1x16xf32>,
        %swap3A_246 = vector.shape_cast %swap3A_245 : vector<1x16xf32> to vector<16xf32>
        %swap3A_247 = vector.shape_cast %broadcast_in_dim3A_5 : vector<16xf32> to vector<1x16xf32>
        tpu.vector_store %arg8[%swap3A_243, %swap3A_244], %swap3A_247 {strides = array<i32>} : memref<64x128xf32, #tpu.memory_space<vmem>>, vector<1x16xf32>,
        %swap3A_248 = arith.index_cast %scan3A_238 : i32 to index
        %swap3A_249 = arith.constant 32 : index
        %swap3A_250 = tpu.vector_load %arg8[%swap3A_248, %swap3A_249] {strides = array<i32>} : memref<64x128xf32, #tpu.memory_space<vmem>>, vector<1x16xf32>,
        %swap3A_251 = vector.shape_cast %swap3A_250 : vector<1x16xf32> to vector<16xf32>
        %swap3A_252 = vector.shape_cast %broadcast_in_dim3A_5 : vector<16xf32> to vector<1x16xf32>
        tpu.vector_store %arg8[%swap3A_248, %swap3A_249], %swap3A_252 {strides = array<i32>} : memref<64x128xf32, #tpu.memory_space<vmem>>, vector<1x16xf32>,
        %swap3A_253 = arith.index_cast %scan3A_238 : i32 to index
        %swap3A_254 = arith.constant 48 : index
        %swap3A_255 = tpu.vector_load %arg8[%swap3A_253, %swap3A_254] {strides = array<i32>} : memref<64x128xf32, #tpu.memory_space<vmem>>, vector<1x16xf32>,
        %swap3A_256 = vector.shape_cast %swap3A_255 : vector<1x16xf32> to vector<16xf32>
        %swap3A_257 = vector.shape_cast %broadcast_in_dim3A_5 : vector<16xf32> to vector<1x16xf32>
        tpu.vector_store %arg8[%swap3A_253, %swap3A_254], %swap3A_257 {strides = array<i32>} : memref<64x128xf32, #tpu.memory_space<vmem>>, vector<1x16xf32>,
        %swap3A_258 = arith.index_cast %scan3A_238 : i32 to index
        %swap3A_259 = arith.constant 64 : index
        %swap3A_260 = tpu.vector_load %arg8[%swap3A_258, %swap3A_259] {strides = array<i32>} : memref<64x128xf32, #tpu.memory_space<vmem>>, vector<1x16xf32>,
        %swap3A_261 = vector.shape_cast %swap3A_260 : vector<1x16xf32> to vector<16xf32>
        %swap3A_262 = vector.shape_cast %broadcast_in_dim3A_5 : vector<16xf32> to vector<1x16xf32>
        tpu.vector_store %arg8[%swap3A_258, %swap3A_259], %swap3A_262 {strides = array<i32>} : memref<64x128xf32, #tpu.memory_space<vmem>>, vector<1x16xf32>,
        %swap3A_263 = arith.index_cast %scan3A_238 : i32 to index
        %swap3A_264 = arith.constant 80 : index
        %swap3A_265 = tpu.vector_load %arg8[%swap3A_263, %swap3A_264] {strides = array<i32>} : memref<64x128xf32, #tpu.memory_space<vmem>>, vector<1x16xf32>,
        %swap3A_266 = vector.shape_cast %swap3A_265 : vector<1x16xf32> to vector<16xf32>
        %swap3A_267 = vector.shape_cast %broadcast_in_dim3A_5 : vector<16xf32> to vector<1x16xf32>
        tpu.vector_store %arg8[%swap3A_263, %swap3A_264], %swap3A_267 {strides = array<i32>} : memref<64x128xf32, #tpu.memory_space<vmem>>, vector<1x16xf32>,
        %swap3A_268 = arith.index_cast %scan3A_238 : i32 to index
        %swap3A_269 = arith.constant 96 : index
        %swap3A_270 = tpu.vector_load %arg8[%swap3A_268, %swap3A_269] {strides = array<i32>} : memref<64x128xf32, #tpu.memory_space<vmem>>, vector<1x16xf32>,
        %swap3A_271 = vector.shape_cast %swap3A_270 : vector<1x16xf32> to vector<16xf32>
        %swap3A_272 = vector.shape_cast %broadcast_in_dim3A_5 : vector<16xf32> to vector<1x16xf32>
        tpu.vector_store %arg8[%swap3A_268, %swap3A_269], %swap3A_272 {strides = array<i32>} : memref<64x128xf32, #tpu.memory_space<vmem>>, vector<1x16xf32>,
        %swap3A_273 = arith.index_cast %scan3A_238 : i32 to index
        %swap3A_274 = arith.constant 112 : index
        %swap3A_275 = tpu.vector_load %arg8[%swap3A_273, %swap3A_274] {strides = array<i32>} : memref<64x128xf32, #tpu.memory_space<vmem>>, vector<1x16xf32>,
        %swap3A_276 = vector.shape_cast %swap3A_275 : vector<1x16xf32> to vector<16xf32>
        %swap3A_277 = vector.shape_cast %broadcast_in_dim3A_5 : vector<16xf32> to vector<1x16xf32>
        tpu.vector_store %arg8[%swap3A_273, %swap3A_274], %swap3A_277 {strides = array<i32>} : memref<64x128xf32, #tpu.memory_space<vmem>>, vector<1x16xf32>,
      }
      %scan3A_231 = arith.constant 64 : i32
      %scan3A_232 = arith.constant 0 : i32
      %scan3A_233 = arith.constant 0 : i32
      %scan3A_234 = arith.constant 32 : i32
      %scan3A_235 = arith.addi %scan3A_233, %scan3A_234 : i32
      %scan3A_236 = arith.constant 1 : i32
      scf.for %scan3A_238 = %scan3A_233 to %scan3A_235 step %scan3A_236  : i32 {
        %dma_start3A = arith.constant 1 : i32
        %dma_start3A_239 = arith.constant 0 : i32
        %dma_start3A_240 = tpu.memref_slice %arg6[%dma_start3A, %scan3A_238, %dma_start3A_239] : memref<5x32x64xi32, #tpu.memory_space<vmem>> -> memref<1x1x64xi32, #tpu.memory_space<vmem>>
        %dma_start3A_241 = tpu.memref_squeeze %dma_start3A_240 : memref<1x1x64xi32, #tpu.memory_space<vmem>> -> memref<64xi32, #tpu.memory_space<vmem>>
        %dma_start3A_242 = arith.constant 0 : i32
        %dma_start3A_243 = arith.constant 0 : i32
        %dma_start3A_244 = tpu.memref_slice %arg2[%dma_start3A_242, %dma_start3A_243] : memref<100000x128xf32, #tpu.memory_space<hbm>> -> memref<100000x128xf32, #tpu.memory_space<hbm>>
        tpu.enqueue_indirect_dma source(%dma_start3A_244 : memref<100000x128xf32, #tpu.memory_space<hbm>>) target(%arg8 : memref<64x128xf32, #tpu.memory_space<vmem>>) offsets(%dma_start3A_241 : memref<64xi32, #tpu.memory_space<vmem>>) semaphore(%arg12 : memref<!tpu.dma_semaphore, #tpu.memory_space<semaphore_mem>>) {add = true}
      }
      %scan3A_237 = arith.constant 32 : i32
    } else {
    }
    %add3A_17 = arith.constant 0 : i32
    %add3A_18 = arith.addi %mul3A_4, %add3A_17 : i32
    %lt3A_19 = arith.constant 157 : i32
    %lt3A_20 = arith.cmpi slt, %add3A_18, %lt3A_19 : i32
    %convert_element_type3A_21 = arith.extui %lt3A_20 : i1 to i32
    %cond3A_22 = arith.constant 0 : i32
    %cond3A_23 = arith.cmpi ne, %convert_element_type3A_21, %cond3A_22 : i32
    scf.if %cond3A_23 {
      %scan3A = arith.constant 0 : i32
      %scan3A_227 = arith.constant 0 : i32
      %scan3A_228 = arith.constant 32 : i32
      %scan3A_229 = arith.addi %scan3A_227, %scan3A_228 : i32
      %scan3A_230 = arith.constant 1 : i32
      scf.for %scan3A_232 = %scan3A_227 to %scan3A_229 step %scan3A_230  : i32 {
        %dma_wait3A = arith.constant 0 : i32
        %dma_wait3A_233 = arith.constant 0 : i32
        %dma_wait3A_234 = tpu.memref_slice %arg6[%dma_wait3A, %scan3A_232, %dma_wait3A_233] : memref<5x32x64xi32, #tpu.memory_space<vmem>> -> memref<1x1x64xi32, #tpu.memory_space<vmem>>
        %dma_wait3A_235 = tpu.memref_squeeze %dma_wait3A_234 : memref<1x1x64xi32, #tpu.memory_space<vmem>> -> memref<64xi32, #tpu.memory_space<vmem>>
        %dma_wait3A_236 = arith.constant 0 : i32
        %dma_wait3A_237 = arith.constant 0 : i32
        %dma_wait3A_238 = tpu.memref_slice %arg2[%dma_wait3A_236, %dma_wait3A_237] : memref<100000x128xf32, #tpu.memory_space<hbm>> -> memref<100000x128xf32, #tpu.memory_space<hbm>>
        tpu.wait_indirect_dma semaphore(%arg11 : memref<!tpu.dma_semaphore, #tpu.memory_space<semaphore_mem>>) src(%dma_wait3A_238 : memref<100000x128xf32, #tpu.memory_space<hbm>>) dst(%arg7 : memref<64x128xf32, #tpu.memory_space<vmem>>)
      }
      %scan3A_231 = arith.constant 32 : i32
    } else {
    }
    %add3A_24 = arith.constant 0 : i32
    %add3A_25 = arith.addi %mul3A_4, %add3A_24 : i32
    %lt3A_26 = arith.constant 157 : i32
    %lt3A_27 = arith.cmpi slt, %add3A_25, %lt3A_26 : i32
    %convert_element_type3A_28 = arith.extui %lt3A_27 : i1 to i32
    %cond3A_29 = arith.constant 0 : i32
    %cond3A_30 = arith.cmpi ne, %convert_element_type3A_28, %cond3A_29 : i32
    scf.if %cond3A_30 {
      %scan3A = arith.constant 0 : i32
      %scan3A_227 = arith.constant 0 : i32
      %scan3A_228 = arith.constant 64 : i32
      %scan3A_229 = arith.addi %scan3A_227, %scan3A_228 : i32
      %scan3A_230 = arith.constant 1 : i32
      scf.for %scan3A_232 = %scan3A_227 to %scan3A_229 step %scan3A_230  : i32 {
        %get3A_233 = arith.index_cast %scan3A_232 : i32 to index
        %get3A_234 = arith.constant 0 : index
        %get3A_235 = tpu.vector_load %arg7[%get3A_233, %get3A_234] {strides = array<i32>} : memref<64x128xf32, #tpu.memory_space<vmem>>, vector<1x16xf32>,
        %get3A_236 = vector.shape_cast %get3A_235 : vector<1x16xf32> to vector<16xf32>
        %mul3A_237 = vector.broadcast %squeeze3A : f32 to vector<16xf32>
        %mul3A_238 = arith.mulf %get3A_236, %mul3A_237 : vector<16xf32>
        %swap3A = arith.index_cast %scan3A_232 : i32 to index
        %swap3A_239 = arith.constant 0 : index
        %swap3A_240 = tpu.vector_load %arg9[%swap3A, %swap3A_239] {strides = array<i32>} : memref<64x128xf32, #tpu.memory_space<vmem>>, vector<1x16xf32>,
        %swap3A_241 = vector.shape_cast %swap3A_240 : vector<1x16xf32> to vector<16xf32>
        %swap3A_242 = vector.shape_cast %mul3A_238 : vector<16xf32> to vector<1x16xf32>
        tpu.vector_store %arg9[%swap3A, %swap3A_239], %swap3A_242 {strides = array<i32>} : memref<64x128xf32, #tpu.memory_space<vmem>>, vector<1x16xf32>,
        %get3A_243 = arith.index_cast %scan3A_232 : i32 to index
        %get3A_244 = arith.constant 16 : index
        %get3A_245 = tpu.vector_load %arg7[%get3A_243, %get3A_244] {strides = array<i32>} : memref<64x128xf32, #tpu.memory_space<vmem>>, vector<1x16xf32>,
        %get3A_246 = vector.shape_cast %get3A_245 : vector<1x16xf32> to vector<16xf32>
        %mul3A_247 = vector.broadcast %squeeze3A : f32 to vector<16xf32>
        %mul3A_248 = arith.mulf %get3A_246, %mul3A_247 : vector<16xf32>
        %swap3A_249 = arith.index_cast %scan3A_232 : i32 to index
        %swap3A_250 = arith.constant 16 : index
        %swap3A_251 = tpu.vector_load %arg9[%swap3A_249, %swap3A_250] {strides = array<i32>} : memref<64x128xf32, #tpu.memory_space<vmem>>, vector<1x16xf32>,
        %swap3A_252 = vector.shape_cast %swap3A_251 : vector<1x16xf32> to vector<16xf32>
        %swap3A_253 = vector.shape_cast %mul3A_248 : vector<16xf32> to vector<1x16xf32>
        tpu.vector_store %arg9[%swap3A_249, %swap3A_250], %swap3A_253 {strides = array<i32>} : memref<64x128xf32, #tpu.memory_space<vmem>>, vector<1x16xf32>,
        %get3A_254 = arith.index_cast %scan3A_232 : i32 to index
        %get3A_255 = arith.constant 32 : index
        %get3A_256 = tpu.vector_load %arg7[%get3A_254, %get3A_255] {strides = array<i32>} : memref<64x128xf32, #tpu.memory_space<vmem>>, vector<1x16xf32>,
        %get3A_257 = vector.shape_cast %get3A_256 : vector<1x16xf32> to vector<16xf32>
        %mul3A_258 = vector.broadcast %squeeze3A : f32 to vector<16xf32>
        %mul3A_259 = arith.mulf %get3A_257, %mul3A_258 : vector<16xf32>
        %swap3A_260 = arith.index_cast %scan3A_232 : i32 to index
        %swap3A_261 = arith.constant 32 : index
        %swap3A_262 = tpu.vector_load %arg9[%swap3A_260, %swap3A_261] {strides = array<i32>} : memref<64x128xf32, #tpu.memory_space<vmem>>, vector<1x16xf32>,
        %swap3A_263 = vector.shape_cast %swap3A_262 : vector<1x16xf32> to vector<16xf32>
        %swap3A_264 = vector.shape_cast %mul3A_259 : vector<16xf32> to vector<1x16xf32>
        tpu.vector_store %arg9[%swap3A_260, %swap3A_261], %swap3A_264 {strides = array<i32>} : memref<64x128xf32, #tpu.memory_space<vmem>>, vector<1x16xf32>,
        %get3A_265 = arith.index_cast %scan3A_232 : i32 to index
        %get3A_266 = arith.constant 48 : index
        %get3A_267 = tpu.vector_load %arg7[%get3A_265, %get3A_266] {strides = array<i32>} : memref<64x128xf32, #tpu.memory_space<vmem>>, vector<1x16xf32>,
        %get3A_268 = vector.shape_cast %get3A_267 : vector<1x16xf32> to vector<16xf32>
        %mul3A_269 = vector.broadcast %squeeze3A : f32 to vector<16xf32>
        %mul3A_270 = arith.mulf %get3A_268, %mul3A_269 : vector<16xf32>
        %swap3A_271 = arith.index_cast %scan3A_232 : i32 to index
        %swap3A_272 = arith.constant 48 : index
        %swap3A_273 = tpu.vector_load %arg9[%swap3A_271, %swap3A_272] {strides = array<i32>} : memref<64x128xf32, #tpu.memory_space<vmem>>, vector<1x16xf32>,
        %swap3A_274 = vector.shape_cast %swap3A_273 : vector<1x16xf32> to vector<16xf32>
        %swap3A_275 = vector.shape_cast %mul3A_270 : vector<16xf32> to vector<1x16xf32>
        tpu.vector_store %arg9[%swap3A_271, %swap3A_272], %swap3A_275 {strides = array<i32>} : memref<64x128xf32, #tpu.memory_space<vmem>>, vector<1x16xf32>,
        %get3A_276 = arith.index_cast %scan3A_232 : i32 to index
        %get3A_277 = arith.constant 64 : index
        %get3A_278 = tpu.vector_load %arg7[%get3A_276, %get3A_277] {strides = array<i32>} : memref<64x128xf32, #tpu.memory_space<vmem>>, vector<1x16xf32>,
        %get3A_279 = vector.shape_cast %get3A_278 : vector<1x16xf32> to vector<16xf32>
        %mul3A_280 = vector.broadcast %squeeze3A : f32 to vector<16xf32>
        %mul3A_281 = arith.mulf %get3A_279, %mul3A_280 : vector<16xf32>
        %swap3A_282 = arith.index_cast %scan3A_232 : i32 to index
        %swap3A_283 = arith.constant 64 : index
        %swap3A_284 = tpu.vector_load %arg9[%swap3A_282, %swap3A_283] {strides = array<i32>} : memref<64x128xf32, #tpu.memory_space<vmem>>, vector<1x16xf32>,
        %swap3A_285 = vector.shape_cast %swap3A_284 : vector<1x16xf32> to vector<16xf32>
        %swap3A_286 = vector.shape_cast %mul3A_281 : vector<16xf32> to vector<1x16xf32>
        tpu.vector_store %arg9[%swap3A_282, %swap3A_283], %swap3A_286 {strides = array<i32>} : memref<64x128xf32, #tpu.memory_space<vmem>>, vector<1x16xf32>,
        %get3A_287 = arith.index_cast %scan3A_232 : i32 to index
        %get3A_288 = arith.constant 80 : index
        %get3A_289 = tpu.vector_load %arg7[%get3A_287, %get3A_288] {strides = array<i32>} : memref<64x128xf32, #tpu.memory_space<vmem>>, vector<1x16xf32>,
        %get3A_290 = vector.shape_cast %get3A_289 : vector<1x16xf32> to vector<16xf32>
        %mul3A_291 = vector.broadcast %squeeze3A : f32 to vector<16xf32>
        %mul3A_292 = arith.mulf %get3A_290, %mul3A_291 : vector<16xf32>
        %swap3A_293 = arith.index_cast %scan3A_232 : i32 to index
        %swap3A_294 = arith.constant 80 : index
        %swap3A_295 = tpu.vector_load %arg9[%swap3A_293, %swap3A_294] {strides = array<i32>} : memref<64x128xf32, #tpu.memory_space<vmem>>, vector<1x16xf32>,
        %swap3A_296 = vector.shape_cast %swap3A_295 : vector<1x16xf32> to vector<16xf32>
        %swap3A_297 = vector.shape_cast %mul3A_292 : vector<16xf32> to vector<1x16xf32>
        tpu.vector_store %arg9[%swap3A_293, %swap3A_294], %swap3A_297 {strides = array<i32>} : memref<64x128xf32, #tpu.memory_space<vmem>>, vector<1x16xf32>,
        %get3A_298 = arith.index_cast %scan3A_232 : i32 to index
        %get3A_299 = arith.constant 96 : index
        %get3A_300 = tpu.vector_load %arg7[%get3A_298, %get3A_299] {strides = array<i32>} : memref<64x128xf32, #tpu.memory_space<vmem>>, vector<1x16xf32>,
        %get3A_301 = vector.shape_cast %get3A_300 : vector<1x16xf32> to vector<16xf32>
        %mul3A_302 = vector.broadcast %squeeze3A : f32 to vector<16xf32>
        %mul3A_303 = arith.mulf %get3A_301, %mul3A_302 : vector<16xf32>
        %swap3A_304 = arith.index_cast %scan3A_232 : i32 to index
        %swap3A_305 = arith.constant 96 : index
        %swap3A_306 = tpu.vector_load %arg9[%swap3A_304, %swap3A_305] {strides = array<i32>} : memref<64x128xf32, #tpu.memory_space<vmem>>, vector<1x16xf32>,
        %swap3A_307 = vector.shape_cast %swap3A_306 : vector<1x16xf32> to vector<16xf32>
        %swap3A_308 = vector.shape_cast %mul3A_303 : vector<16xf32> to vector<1x16xf32>
        tpu.vector_store %arg9[%swap3A_304, %swap3A_305], %swap3A_308 {strides = array<i32>} : memref<64x128xf32, #tpu.memory_space<vmem>>, vector<1x16xf32>,
        %get3A_309 = arith.index_cast %scan3A_232 : i32 to index
        %get3A_310 = arith.constant 112 : index
        %get3A_311 = tpu.vector_load %arg7[%get3A_309, %get3A_310] {strides = array<i32>} : memref<64x128xf32, #tpu.memory_space<vmem>>, vector<1x16xf32>,
        %get3A_312 = vector.shape_cast %get3A_311 : vector<1x16xf32> to vector<16xf32>
        %mul3A_313 = vector.broadcast %squeeze3A : f32 to vector<16xf32>
        %mul3A_314 = arith.mulf %get3A_312, %mul3A_313 : vector<16xf32>
        %swap3A_315 = arith.index_cast %scan3A_232 : i32 to index
        %swap3A_316 = arith.constant 112 : index
        %swap3A_317 = tpu.vector_load %arg9[%swap3A_315, %swap3A_316] {strides = array<i32>} : memref<64x128xf32, #tpu.memory_space<vmem>>, vector<1x16xf32>,
        %swap3A_318 = vector.shape_cast %swap3A_317 : vector<1x16xf32> to vector<16xf32>
        %swap3A_319 = vector.shape_cast %mul3A_314 : vector<16xf32> to vector<1x16xf32>
        tpu.vector_store %arg9[%swap3A_315, %swap3A_316], %swap3A_319 {strides = array<i32>} : memref<64x128xf32, #tpu.memory_space<vmem>>, vector<1x16xf32>,
      }
      %scan3A_231 = arith.constant 64 : i32
    } else {
    }
    %add3A_31 = arith.constant 0 : i32
    %add3A_32 = arith.addi %mul3A_4, %add3A_31 : i32
    %lt3A_33 = arith.constant 156 : i32
    %lt3A_34 = arith.cmpi slt, %add3A_32, %lt3A_33 : i32
    %convert_element_type3A_35 = arith.extui %lt3A_34 : i1 to i32
    %cond3A_36 = arith.constant 0 : i32
    %cond3A_37 = arith.cmpi ne, %convert_element_type3A_35, %cond3A_36 : i32
    scf.if %cond3A_37 {
      %add3A_227 = arith.constant 0 : i32
      %add3A_228 = arith.addi %mul3A_4, %add3A_227 : i32
      %mul3A_229 = arith.constant 64 : i32
      %mul3A_230 = arith.muli %add3A_228, %mul3A_229 : i32
      %dma_start3A = arith.constant 0 : i32
      %dma_start3A_231 = tpu.memref_slice %arg5[%mul3A_230, %dma_start3A] : memref<10000x128xf32, #tpu.memory_space<hbm>> -> memref<64x128xf32, #tpu.memory_space<hbm>>
      %dma_start3A_232 = arith.constant 0 : i32
      %dma_start3A_233 = tpu.memref_slice %arg5[%mul3A_230, %dma_start3A_232] : memref<10000x128xf32, #tpu.memory_space<hbm>> -> memref<64x128xf32, #tpu.memory_space<hbm>>
      tpu.enqueue_dma source(%arg9 : memref<64x128xf32, #tpu.memory_space<vmem>>) target(%dma_start3A_233 : memref<64x128xf32, #tpu.memory_space<hbm>>) target_semaphore(%arg13 : memref<!tpu.dma_semaphore, #tpu.memory_space<semaphore_mem>>)
    } else {
    }
    %eq3A = arith.constant 156 : i32
    %eq3A_38 = arith.cmpi eq, %add3A_32, %eq3A : i32
    %convert_element_type3A_39 = arith.extui %eq3A_38 : i1 to i32
    %cond3A_40 = arith.constant 0 : i32
    %cond3A_41 = arith.cmpi ne, %convert_element_type3A_39, %cond3A_40 : i32
    scf.if %cond3A_41 {
      %dma_start3A = arith.constant 0 : i32
      %dma_start3A_227 = arith.constant 0 : i32
      %dma_start3A_228 = tpu.memref_slice %arg9[%dma_start3A, %dma_start3A_227] : memref<64x128xf32, #tpu.memory_space<vmem>> -> memref<16x128xf32, #tpu.memory_space<vmem>>
      %dma_start3A_229 = arith.constant 9984 : i32
      %dma_start3A_230 = arith.constant 0 : i32
      %dma_start3A_231 = tpu.memref_slice %arg5[%dma_start3A_229, %dma_start3A_230] : memref<10000x128xf32, #tpu.memory_space<hbm>> -> memref<16x128xf32, #tpu.memory_space<hbm>>
      %dma_start3A_232 = arith.constant 9984 : i32
      %dma_start3A_233 = arith.constant 0 : i32
      %dma_start3A_234 = tpu.memref_slice %arg5[%dma_start3A_232, %dma_start3A_233] : memref<10000x128xf32, #tpu.memory_space<hbm>> -> memref<16x128xf32, #tpu.memory_space<hbm>>
      %dma_start3A_235 = arith.constant 0 : i32
      %dma_start3A_236 = arith.constant 0 : i32
      %dma_start3A_237 = tpu.memref_slice %arg9[%dma_start3A_235, %dma_start3A_236] : memref<64x128xf32, #tpu.memory_space<vmem>> -> memref<16x128xf32, #tpu.memory_space<vmem>>
      tpu.enqueue_dma source(%dma_start3A_237 : memref<16x128xf32, #tpu.memory_space<vmem>>) target(%dma_start3A_234 : memref<16x128xf32, #tpu.memory_space<hbm>>) target_semaphore(%arg13 : memref<!tpu.dma_semaphore, #tpu.memory_space<semaphore_mem>>)
    } else {
    }
    %add3A_42 = arith.constant 2 : i32
    %add3A_43 = arith.addi %mul3A_4, %add3A_42 : i32
    %lt3A_44 = arith.constant 157 : i32
    %lt3A_45 = arith.cmpi slt, %add3A_43, %lt3A_44 : i32
    %convert_element_type3A_46 = arith.extui %lt3A_45 : i1 to i32
    %cond3A_47 = arith.constant 0 : i32
    %cond3A_48 = arith.cmpi ne, %convert_element_type3A_46, %cond3A_47 : i32
    scf.if %cond3A_48 {
      %scan3A = arith.constant 0 : i32
      %scan3A_227 = arith.constant 0 : i32
      %scan3A_228 = arith.constant 64 : i32
      %scan3A_229 = arith.addi %scan3A_227, %scan3A_228 : i32
      %scan3A_230 = arith.constant 1 : i32
      scf.for %scan3A_238 = %scan3A_227 to %scan3A_229 step %scan3A_230  : i32 {
        %swap3A = arith.index_cast %scan3A_238 : i32 to index
        %swap3A_239 = arith.constant 0 : index
        %swap3A_240 = tpu.vector_load %arg7[%swap3A, %swap3A_239] {strides = array<i32>} : memref<64x128xf32, #tpu.memory_space<vmem>>, vector<1x16xf32>,
        %swap3A_241 = vector.shape_cast %swap3A_240 : vector<1x16xf32> to vector<16xf32>
        %swap3A_242 = vector.shape_cast %broadcast_in_dim3A_5 : vector<16xf32> to vector<1x16xf32>
        tpu.vector_store %arg7[%swap3A, %swap3A_239], %swap3A_242 {strides = array<i32>} : memref<64x128xf32, #tpu.memory_space<vmem>>, vector<1x16xf32>,
        %swap3A_243 = arith.index_cast %scan3A_238 : i32 to index
        %swap3A_244 = arith.constant 16 : index
        %swap3A_245 = tpu.vector_load %arg7[%swap3A_243, %swap3A_244] {strides = array<i32>} : memref<64x128xf32, #tpu.memory_space<vmem>>, vector<1x16xf32>,
        %swap3A_246 = vector.shape_cast %swap3A_245 : vector<1x16xf32> to vector<16xf32>
        %swap3A_247 = vector.shape_cast %broadcast_in_dim3A_5 : vector<16xf32> to vector<1x16xf32>
        tpu.vector_store %arg7[%swap3A_243, %swap3A_244], %swap3A_247 {strides = array<i32>} : memref<64x128xf32, #tpu.memory_space<vmem>>, vector<1x16xf32>,
        %swap3A_248 = arith.index_cast %scan3A_238 : i32 to index
        %swap3A_249 = arith.constant 32 : index
        %swap3A_250 = tpu.vector_load %arg7[%swap3A_248, %swap3A_249] {strides = array<i32>} : memref<64x128xf32, #tpu.memory_space<vmem>>, vector<1x16xf32>,
        %swap3A_251 = vector.shape_cast %swap3A_250 : vector<1x16xf32> to vector<16xf32>
        %swap3A_252 = vector.shape_cast %broadcast_in_dim3A_5 : vector<16xf32> to vector<1x16xf32>
        tpu.vector_store %arg7[%swap3A_248, %swap3A_249], %swap3A_252 {strides = array<i32>} : memref<64x128xf32, #tpu.memory_space<vmem>>, vector<1x16xf32>,
        %swap3A_253 = arith.index_cast %scan3A_238 : i32 to index
        %swap3A_254 = arith.constant 48 : index
        %swap3A_255 = tpu.vector_load %arg7[%swap3A_253, %swap3A_254] {strides = array<i32>} : memref<64x128xf32, #tpu.memory_space<vmem>>, vector<1x16xf32>,
        %swap3A_256 = vector.shape_cast %swap3A_255 : vector<1x16xf32> to vector<16xf32>
        %swap3A_257 = vector.shape_cast %broadcast_in_dim3A_5 : vector<16xf32> to vector<1x16xf32>
        tpu.vector_store %arg7[%swap3A_253, %swap3A_254], %swap3A_257 {strides = array<i32>} : memref<64x128xf32, #tpu.memory_space<vmem>>, vector<1x16xf32>,
        %swap3A_258 = arith.index_cast %scan3A_238 : i32 to index
        %swap3A_259 = arith.constant 64 : index
        %swap3A_260 = tpu.vector_load %arg7[%swap3A_258, %swap3A_259] {strides = array<i32>} : memref<64x128xf32, #tpu.memory_space<vmem>>, vector<1x16xf32>,
        %swap3A_261 = vector.shape_cast %swap3A_260 : vector<1x16xf32> to vector<16xf32>
        %swap3A_262 = vector.shape_cast %broadcast_in_dim3A_5 : vector<16xf32> to vector<1x16xf32>
        tpu.vector_store %arg7[%swap3A_258, %swap3A_259], %swap3A_262 {strides = array<i32>} : memref<64x128xf32, #tpu.memory_space<vmem>>, vector<1x16xf32>,
        %swap3A_263 = arith.index_cast %scan3A_238 : i32 to index
        %swap3A_264 = arith.constant 80 : index
        %swap3A_265 = tpu.vector_load %arg7[%swap3A_263, %swap3A_264] {strides = array<i32>} : memref<64x128xf32, #tpu.memory_space<vmem>>, vector<1x16xf32>,
        %swap3A_266 = vector.shape_cast %swap3A_265 : vector<1x16xf32> to vector<16xf32>
        %swap3A_267 = vector.shape_cast %broadcast_in_dim3A_5 : vector<16xf32> to vector<1x16xf32>
        tpu.vector_store %arg7[%swap3A_263, %swap3A_264], %swap3A_267 {strides = array<i32>} : memref<64x128xf32, #tpu.memory_space<vmem>>, vector<1x16xf32>,
        %swap3A_268 = arith.index_cast %scan3A_238 : i32 to index
        %swap3A_269 = arith.constant 96 : index
        %swap3A_270 = tpu.vector_load %arg7[%swap3A_268, %swap3A_269] {strides = array<i32>} : memref<64x128xf32, #tpu.memory_space<vmem>>, vector<1x16xf32>,
        %swap3A_271 = vector.shape_cast %swap3A_270 : vector<1x16xf32> to vector<16xf32>
        %swap3A_272 = vector.shape_cast %broadcast_in_dim3A_5 : vector<16xf32> to vector<1x16xf32>
        tpu.vector_store %arg7[%swap3A_268, %swap3A_269], %swap3A_272 {strides = array<i32>} : memref<64x128xf32, #tpu.memory_space<vmem>>, vector<1x16xf32>,
        %swap3A_273 = arith.index_cast %scan3A_238 : i32 to index
        %swap3A_274 = arith.constant 112 : index
        %swap3A_275 = tpu.vector_load %arg7[%swap3A_273, %swap3A_274] {strides = array<i32>} : memref<64x128xf32, #tpu.memory_space<vmem>>, vector<1x16xf32>,
        %swap3A_276 = vector.shape_cast %swap3A_275 : vector<1x16xf32> to vector<16xf32>
        %swap3A_277 = vector.shape_cast %broadcast_in_dim3A_5 : vector<16xf32> to vector<1x16xf32>
        tpu.vector_store %arg7[%swap3A_273, %swap3A_274], %swap3A_277 {strides = array<i32>} : memref<64x128xf32, #tpu.memory_space<vmem>>, vector<1x16xf32>,
      }
      %scan3A_231 = arith.constant 64 : i32
      %scan3A_232 = arith.constant 0 : i32
      %scan3A_233 = arith.constant 0 : i32
      %scan3A_234 = arith.constant 32 : i32
      %scan3A_235 = arith.addi %scan3A_233, %scan3A_234 : i32
      %scan3A_236 = arith.constant 1 : i32
      scf.for %scan3A_238 = %scan3A_233 to %scan3A_235 step %scan3A_236  : i32 {
        %dma_start3A = arith.constant 2 : i32
        %dma_start3A_239 = arith.constant 0 : i32
        %dma_start3A_240 = tpu.memref_slice %arg6[%dma_start3A, %scan3A_238, %dma_start3A_239] : memref<5x32x64xi32, #tpu.memory_space<vmem>> -> memref<1x1x64xi32, #tpu.memory_space<vmem>>
        %dma_start3A_241 = tpu.memref_squeeze %dma_start3A_240 : memref<1x1x64xi32, #tpu.memory_space<vmem>> -> memref<64xi32, #tpu.memory_space<vmem>>
        %dma_start3A_242 = arith.constant 0 : i32
        %dma_start3A_243 = arith.constant 0 : i32
        %dma_start3A_244 = tpu.memref_slice %arg2[%dma_start3A_242, %dma_start3A_243] : memref<100000x128xf32, #tpu.memory_space<hbm>> -> memref<100000x128xf32, #tpu.memory_space<hbm>>
        tpu.enqueue_indirect_dma source(%dma_start3A_244 : memref<100000x128xf32, #tpu.memory_space<hbm>>) target(%arg7 : memref<64x128xf32, #tpu.memory_space<vmem>>) offsets(%dma_start3A_241 : memref<64xi32, #tpu.memory_space<vmem>>) semaphore(%arg11 : memref<!tpu.dma_semaphore, #tpu.memory_space<semaphore_mem>>) {add = true}
      }
      %scan3A_237 = arith.constant 32 : i32
    } else {
    }
    %add3A_49 = arith.constant 1 : i32
    %add3A_50 = arith.addi %mul3A_4, %add3A_49 : i32
    %lt3A_51 = arith.constant 157 : i32
    %lt3A_52 = arith.cmpi slt, %add3A_50, %lt3A_51 : i32
    %convert_element_type3A_53 = arith.extui %lt3A_52 : i1 to i32
    %cond3A_54 = arith.constant 0 : i32
    %cond3A_55 = arith.cmpi ne, %convert_element_type3A_53, %cond3A_54 : i32
    scf.if %cond3A_55 {
      %scan3A = arith.constant 0 : i32
      %scan3A_227 = arith.constant 0 : i32
      %scan3A_228 = arith.constant 32 : i32
      %scan3A_229 = arith.addi %scan3A_227, %scan3A_228 : i32
      %scan3A_230 = arith.constant 1 : i32
      scf.for %scan3A_232 = %scan3A_227 to %scan3A_229 step %scan3A_230  : i32 {
        %dma_wait3A = arith.constant 1 : i32
        %dma_wait3A_233 = arith.constant 0 : i32
        %dma_wait3A_234 = tpu.memref_slice %arg6[%dma_wait3A, %scan3A_232, %dma_wait3A_233] : memref<5x32x64xi32, #tpu.memory_space<vmem>> -> memref<1x1x64xi32, #tpu.memory_space<vmem>>
        %dma_wait3A_235 = tpu.memref_squeeze %dma_wait3A_234 : memref<1x1x64xi32, #tpu.memory_space<vmem>> -> memref<64xi32, #tpu.memory_space<vmem>>
        %dma_wait3A_236 = arith.constant 0 : i32
        %dma_wait3A_237 = arith.constant 0 : i32
        %dma_wait3A_238 = tpu.memref_slice %arg2[%dma_wait3A_236, %dma_wait3A_237] : memref<100000x128xf32, #tpu.memory_space<hbm>> -> memref<100000x128xf32, #tpu.memory_space<hbm>>
        tpu.wait_indirect_dma semaphore(%arg12 : memref<!tpu.dma_semaphore, #tpu.memory_space<semaphore_mem>>) src(%dma_wait3A_238 : memref<100000x128xf32, #tpu.memory_space<hbm>>) dst(%arg8 : memref<64x128xf32, #tpu.memory_space<vmem>>)
      }
      %scan3A_231 = arith.constant 32 : i32
    } else {
    }
    %add3A_56 = arith.constant 1 : i32
    %add3A_57 = arith.addi %mul3A_4, %add3A_56 : i32
    %lt3A_58 = arith.constant 157 : i32
    %lt3A_59 = arith.cmpi slt, %add3A_57, %lt3A_58 : i32
    %convert_element_type3A_60 = arith.extui %lt3A_59 : i1 to i32
    %cond3A_61 = arith.constant 0 : i32
    %cond3A_62 = arith.cmpi ne, %convert_element_type3A_60, %cond3A_61 : i32
    scf.if %cond3A_62 {
      %scan3A = arith.constant 0 : i32
      %scan3A_227 = arith.constant 0 : i32
      %scan3A_228 = arith.constant 64 : i32
      %scan3A_229 = arith.addi %scan3A_227, %scan3A_228 : i32
      %scan3A_230 = arith.constant 1 : i32
      scf.for %scan3A_232 = %scan3A_227 to %scan3A_229 step %scan3A_230  : i32 {
        %get3A_233 = arith.index_cast %scan3A_232 : i32 to index
        %get3A_234 = arith.constant 0 : index
        %get3A_235 = tpu.vector_load %arg8[%get3A_233, %get3A_234] {strides = array<i32>} : memref<64x128xf32, #tpu.memory_space<vmem>>, vector<1x16xf32>,
        %get3A_236 = vector.shape_cast %get3A_235 : vector<1x16xf32> to vector<16xf32>
        %mul3A_237 = vector.broadcast %squeeze3A : f32 to vector<16xf32>
        %mul3A_238 = arith.mulf %get3A_236, %mul3A_237 : vector<16xf32>
        %swap3A = arith.index_cast %scan3A_232 : i32 to index
        %swap3A_239 = arith.constant 0 : index
        %swap3A_240 = tpu.vector_load %arg10[%swap3A, %swap3A_239] {strides = array<i32>} : memref<64x128xf32, #tpu.memory_space<vmem>>, vector<1x16xf32>,
        %swap3A_241 = vector.shape_cast %swap3A_240 : vector<1x16xf32> to vector<16xf32>
        %swap3A_242 = vector.shape_cast %mul3A_238 : vector<16xf32> to vector<1x16xf32>
        tpu.vector_store %arg10[%swap3A, %swap3A_239], %swap3A_242 {strides = array<i32>} : memref<64x128xf32, #tpu.memory_space<vmem>>, vector<1x16xf32>,
        %get3A_243 = arith.index_cast %scan3A_232 : i32 to index
        %get3A_244 = arith.constant 16 : index
        %get3A_245 = tpu.vector_load %arg8[%get3A_243, %get3A_244] {strides = array<i32>} : memref<64x128xf32, #tpu.memory_space<vmem>>, vector<1x16xf32>,
        %get3A_246 = vector.shape_cast %get3A_245 : vector<1x16xf32> to vector<16xf32>
        %mul3A_247 = vector.broadcast %squeeze3A : f32 to vector<16xf32>
        %mul3A_248 = arith.mulf %get3A_246, %mul3A_247 : vector<16xf32>
        %swap3A_249 = arith.index_cast %scan3A_232 : i32 to index
        %swap3A_250 = arith.constant 16 : index
        %swap3A_251 = tpu.vector_load %arg10[%swap3A_249, %swap3A_250] {strides = array<i32>} : memref<64x128xf32, #tpu.memory_space<vmem>>, vector<1x16xf32>,
        %swap3A_252 = vector.shape_cast %swap3A_251 : vector<1x16xf32> to vector<16xf32>
        %swap3A_253 = vector.shape_cast %mul3A_248 : vector<16xf32> to vector<1x16xf32>
        tpu.vector_store %arg10[%swap3A_249, %swap3A_250], %swap3A_253 {strides = array<i32>} : memref<64x128xf32, #tpu.memory_space<vmem>>, vector<1x16xf32>,
        %get3A_254 = arith.index_cast %scan3A_232 : i32 to index
        %get3A_255 = arith.constant 32 : index
        %get3A_256 = tpu.vector_load %arg8[%get3A_254, %get3A_255] {strides = array<i32>} : memref<64x128xf32, #tpu.memory_space<vmem>>, vector<1x16xf32>,
        %get3A_257 = vector.shape_cast %get3A_256 : vector<1x16xf32> to vector<16xf32>
        %mul3A_258 = vector.broadcast %squeeze3A : f32 to vector<16xf32>
        %mul3A_259 = arith.mulf %get3A_257, %mul3A_258 : vector<16xf32>
        %swap3A_260 = arith.index_cast %scan3A_232 : i32 to index
        %swap3A_261 = arith.constant 32 : index
        %swap3A_262 = tpu.vector_load %arg10[%swap3A_260, %swap3A_261] {strides = array<i32>} : memref<64x128xf32, #tpu.memory_space<vmem>>, vector<1x16xf32>,
        %swap3A_263 = vector.shape_cast %swap3A_262 : vector<1x16xf32> to vector<16xf32>
        %swap3A_264 = vector.shape_cast %mul3A_259 : vector<16xf32> to vector<1x16xf32>
        tpu.vector_store %arg10[%swap3A_260, %swap3A_261], %swap3A_264 {strides = array<i32>} : memref<64x128xf32, #tpu.memory_space<vmem>>, vector<1x16xf32>,
        %get3A_265 = arith.index_cast %scan3A_232 : i32 to index
        %get3A_266 = arith.constant 48 : index
        %get3A_267 = tpu.vector_load %arg8[%get3A_265, %get3A_266] {strides = array<i32>} : memref<64x128xf32, #tpu.memory_space<vmem>>, vector<1x16xf32>,
        %get3A_268 = vector.shape_cast %get3A_267 : vector<1x16xf32> to vector<16xf32>
        %mul3A_269 = vector.broadcast %squeeze3A : f32 to vector<16xf32>
        %mul3A_270 = arith.mulf %get3A_268, %mul3A_269 : vector<16xf32>
        %swap3A_271 = arith.index_cast %scan3A_232 : i32 to index
        %swap3A_272 = arith.constant 48 : index
        %swap3A_273 = tpu.vector_load %arg10[%swap3A_271, %swap3A_272] {strides = array<i32>} : memref<64x128xf32, #tpu.memory_space<vmem>>, vector<1x16xf32>,
        %swap3A_274 = vector.shape_cast %swap3A_273 : vector<1x16xf32> to vector<16xf32>
        %swap3A_275 = vector.shape_cast %mul3A_270 : vector<16xf32> to vector<1x16xf32>
        tpu.vector_store %arg10[%swap3A_271, %swap3A_272], %swap3A_275 {strides = array<i32>} : memref<64x128xf32, #tpu.memory_space<vmem>>, vector<1x16xf32>,
        %get3A_276 = arith.index_cast %scan3A_232 : i32 to index
        %get3A_277 = arith.constant 64 : index
        %get3A_278 = tpu.vector_load %arg8[%get3A_276, %get3A_277] {strides = array<i32>} : memref<64x128xf32, #tpu.memory_space<vmem>>, vector<1x16xf32>,
        %get3A_279 = vector.shape_cast %get3A_278 : vector<1x16xf32> to vector<16xf32>
        %mul3A_280 = vector.broadcast %squeeze3A : f32 to vector<16xf32>
        %mul3A_281 = arith.mulf %get3A_279, %mul3A_280 : vector<16xf32>
        %swap3A_282 = arith.index_cast %scan3A_232 : i32 to index
        %swap3A_283 = arith.constant 64 : index
        %swap3A_284 = tpu.vector_load %arg10[%swap3A_282, %swap3A_283] {strides = array<i32>} : memref<64x128xf32, #tpu.memory_space<vmem>>, vector<1x16xf32>,
        %swap3A_285 = vector.shape_cast %swap3A_284 : vector<1x16xf32> to vector<16xf32>
        %swap3A_286 = vector.shape_cast %mul3A_281 : vector<16xf32> to vector<1x16xf32>
        tpu.vector_store %arg10[%swap3A_282, %swap3A_283], %swap3A_286 {strides = array<i32>} : memref<64x128xf32, #tpu.memory_space<vmem>>, vector<1x16xf32>,
        %get3A_287 = arith.index_cast %scan3A_232 : i32 to index
        %get3A_288 = arith.constant 80 : index
        %get3A_289 = tpu.vector_load %arg8[%get3A_287, %get3A_288] {strides = array<i32>} : memref<64x128xf32, #tpu.memory_space<vmem>>, vector<1x16xf32>,
        %get3A_290 = vector.shape_cast %get3A_289 : vector<1x16xf32> to vector<16xf32>
        %mul3A_291 = vector.broadcast %squeeze3A : f32 to vector<16xf32>
        %mul3A_292 = arith.mulf %get3A_290, %mul3A_291 : vector<16xf32>
        %swap3A_293 = arith.index_cast %scan3A_232 : i32 to index
        %swap3A_294 = arith.constant 80 : index
        %swap3A_295 = tpu.vector_load %arg10[%swap3A_293, %swap3A_294] {strides = array<i32>} : memref<64x128xf32, #tpu.memory_space<vmem>>, vector<1x16xf32>,
        %swap3A_296 = vector.shape_cast %swap3A_295 : vector<1x16xf32> to vector<16xf32>
        %swap3A_297 = vector.shape_cast %mul3A_292 : vector<16xf32> to vector<1x16xf32>
        tpu.vector_store %arg10[%swap3A_293, %swap3A_294], %swap3A_297 {strides = array<i32>} : memref<64x128xf32, #tpu.memory_space<vmem>>, vector<1x16xf32>,
        %get3A_298 = arith.index_cast %scan3A_232 : i32 to index
        %get3A_299 = arith.constant 96 : index
        %get3A_300 = tpu.vector_load %arg8[%get3A_298, %get3A_299] {strides = array<i32>} : memref<64x128xf32, #tpu.memory_space<vmem>>, vector<1x16xf32>,
        %get3A_301 = vector.shape_cast %get3A_300 : vector<1x16xf32> to vector<16xf32>
        %mul3A_302 = vector.broadcast %squeeze3A : f32 to vector<16xf32>
        %mul3A_303 = arith.mulf %get3A_301, %mul3A_302 : vector<16xf32>
        %swap3A_304 = arith.index_cast %scan3A_232 : i32 to index
        %swap3A_305 = arith.constant 96 : index
        %swap3A_306 = tpu.vector_load %arg10[%swap3A_304, %swap3A_305] {strides = array<i32>} : memref<64x128xf32, #tpu.memory_space<vmem>>, vector<1x16xf32>,
        %swap3A_307 = vector.shape_cast %swap3A_306 : vector<1x16xf32> to vector<16xf32>
        %swap3A_308 = vector.shape_cast %mul3A_303 : vector<16xf32> to vector<1x16xf32>
        tpu.vector_store %arg10[%swap3A_304, %swap3A_305], %swap3A_308 {strides = array<i32>} : memref<64x128xf32, #tpu.memory_space<vmem>>, vector<1x16xf32>,
        %get3A_309 = arith.index_cast %scan3A_232 : i32 to index
        %get3A_310 = arith.constant 112 : index
        %get3A_311 = tpu.vector_load %arg8[%get3A_309, %get3A_310] {strides = array<i32>} : memref<64x128xf32, #tpu.memory_space<vmem>>, vector<1x16xf32>,
        %get3A_312 = vector.shape_cast %get3A_311 : vector<1x16xf32> to vector<16xf32>
        %mul3A_313 = vector.broadcast %squeeze3A : f32 to vector<16xf32>
        %mul3A_314 = arith.mulf %get3A_312, %mul3A_313 : vector<16xf32>
        %swap3A_315 = arith.index_cast %scan3A_232 : i32 to index
        %swap3A_316 = arith.constant 112 : index
        %swap3A_317 = tpu.vector_load %arg10[%swap3A_315, %swap3A_316] {strides = array<i32>} : memref<64x128xf32, #tpu.memory_space<vmem>>, vector<1x16xf32>,
        %swap3A_318 = vector.shape_cast %swap3A_317 : vector<1x16xf32> to vector<16xf32>
        %swap3A_319 = vector.shape_cast %mul3A_314 : vector<16xf32> to vector<1x16xf32>
        tpu.vector_store %arg10[%swap3A_315, %swap3A_316], %swap3A_319 {strides = array<i32>} : memref<64x128xf32, #tpu.memory_space<vmem>>, vector<1x16xf32>,
      }
      %scan3A_231 = arith.constant 64 : i32
    } else {
    }
    %add3A_63 = arith.constant 1 : i32
    %add3A_64 = arith.addi %mul3A_4, %add3A_63 : i32
    %lt3A_65 = arith.constant 156 : i32
    %lt3A_66 = arith.cmpi slt, %add3A_64, %lt3A_65 : i32
    %convert_element_type3A_67 = arith.extui %lt3A_66 : i1 to i32
    %cond3A_68 = arith.constant 0 : i32
    %cond3A_69 = arith.cmpi ne, %convert_element_type3A_67, %cond3A_68 : i32
    scf.if %cond3A_69 {
      %add3A_227 = arith.constant 1 : i32
      %add3A_228 = arith.addi %mul3A_4, %add3A_227 : i32
      %mul3A_229 = arith.constant 64 : i32
      %mul3A_230 = arith.muli %add3A_228, %mul3A_229 : i32
      %dma_start3A = arith.constant 0 : i32
      %dma_start3A_231 = tpu.memref_slice %arg5[%mul3A_230, %dma_start3A] : memref<10000x128xf32, #tpu.memory_space<hbm>> -> memref<64x128xf32, #tpu.memory_space<hbm>>
      %dma_start3A_232 = arith.constant 0 : i32
      %dma_start3A_233 = tpu.memref_slice %arg5[%mul3A_230, %dma_start3A_232] : memref<10000x128xf32, #tpu.memory_space<hbm>> -> memref<64x128xf32, #tpu.memory_space<hbm>>
      tpu.enqueue_dma source(%arg10 : memref<64x128xf32, #tpu.memory_space<vmem>>) target(%dma_start3A_233 : memref<64x128xf32, #tpu.memory_space<hbm>>) target_semaphore(%arg14 : memref<!tpu.dma_semaphore, #tpu.memory_space<semaphore_mem>>)
    } else {
    }
    %eq3A_70 = arith.constant 156 : i32
    %eq3A_71 = arith.cmpi eq, %add3A_64, %eq3A_70 : i32
    %convert_element_type3A_72 = arith.extui %eq3A_71 : i1 to i32
    %cond3A_73 = arith.constant 0 : i32
    %cond3A_74 = arith.cmpi ne, %convert_element_type3A_72, %cond3A_73 : i32
    scf.if %cond3A_74 {
      %dma_start3A = arith.constant 0 : i32
      %dma_start3A_227 = arith.constant 0 : i32
      %dma_start3A_228 = tpu.memref_slice %arg10[%dma_start3A, %dma_start3A_227] : memref<64x128xf32, #tpu.memory_space<vmem>> -> memref<16x128xf32, #tpu.memory_space<vmem>>
      %dma_start3A_229 = arith.constant 9984 : i32
      %dma_start3A_230 = arith.constant 0 : i32
      %dma_start3A_231 = tpu.memref_slice %arg5[%dma_start3A_229, %dma_start3A_230] : memref<10000x128xf32, #tpu.memory_space<hbm>> -> memref<16x128xf32, #tpu.memory_space<hbm>>
      %dma_start3A_232 = arith.constant 9984 : i32
      %dma_start3A_233 = arith.constant 0 : i32
      %dma_start3A_234 = tpu.memref_slice %arg5[%dma_start3A_232, %dma_start3A_233] : memref<10000x128xf32, #tpu.memory_space<hbm>> -> memref<16x128xf32, #tpu.memory_space<hbm>>
      %dma_start3A_235 = arith.constant 0 : i32
      %dma_start3A_236 = arith.constant 0 : i32
      %dma_start3A_237 = tpu.memref_slice %arg10[%dma_start3A_235, %dma_start3A_236] : memref<64x128xf32, #tpu.memory_space<vmem>> -> memref<16x128xf32, #tpu.memory_space<vmem>>
      tpu.enqueue_dma source(%dma_start3A_237 : memref<16x128xf32, #tpu.memory_space<vmem>>) target(%dma_start3A_234 : memref<16x128xf32, #tpu.memory_space<hbm>>) target_semaphore(%arg14 : memref<!tpu.dma_semaphore, #tpu.memory_space<semaphore_mem>>)
    } else {
    }
    %add3A_75 = arith.constant 3 : i32
    %add3A_76 = arith.addi %mul3A_4, %add3A_75 : i32
    %lt3A_77 = arith.constant 157 : i32
    %lt3A_78 = arith.cmpi slt, %add3A_76, %lt3A_77 : i32
    %convert_element_type3A_79 = arith.extui %lt3A_78 : i1 to i32
    %cond3A_80 = arith.constant 0 : i32
    %cond3A_81 = arith.cmpi ne, %convert_element_type3A_79, %cond3A_80 : i32
    scf.if %cond3A_81 {
      %scan3A = arith.constant 0 : i32
      %scan3A_227 = arith.constant 0 : i32
      %scan3A_228 = arith.constant 64 : i32
      %scan3A_229 = arith.addi %scan3A_227, %scan3A_228 : i32
      %scan3A_230 = arith.constant 1 : i32
      scf.for %scan3A_238 = %scan3A_227 to %scan3A_229 step %scan3A_230  : i32 {
        %swap3A = arith.index_cast %scan3A_238 : i32 to index
        %swap3A_239 = arith.constant 0 : index
        %swap3A_240 = tpu.vector_load %arg8[%swap3A, %swap3A_239] {strides = array<i32>} : memref<64x128xf32, #tpu.memory_space<vmem>>, vector<1x16xf32>,
        %swap3A_241 = vector.shape_cast %swap3A_240 : vector<1x16xf32> to vector<16xf32>
        %swap3A_242 = vector.shape_cast %broadcast_in_dim3A_5 : vector<16xf32> to vector<1x16xf32>
        tpu.vector_store %arg8[%swap3A, %swap3A_239], %swap3A_242 {strides = array<i32>} : memref<64x128xf32, #tpu.memory_space<vmem>>, vector<1x16xf32>,
        %swap3A_243 = arith.index_cast %scan3A_238 : i32 to index
        %swap3A_244 = arith.constant 16 : index
        %swap3A_245 = tpu.vector_load %arg8[%swap3A_243, %swap3A_244] {strides = array<i32>} : memref<64x128xf32, #tpu.memory_space<vmem>>, vector<1x16xf32>,
        %swap3A_246 = vector.shape_cast %swap3A_245 : vector<1x16xf32> to vector<16xf32>
        %swap3A_247 = vector.shape_cast %broadcast_in_dim3A_5 : vector<16xf32> to vector<1x16xf32>
        tpu.vector_store %arg8[%swap3A_243, %swap3A_244], %swap3A_247 {strides = array<i32>} : memref<64x128xf32, #tpu.memory_space<vmem>>, vector<1x16xf32>,
        %swap3A_248 = arith.index_cast %scan3A_238 : i32 to index
        %swap3A_249 = arith.constant 32 : index
        %swap3A_250 = tpu.vector_load %arg8[%swap3A_248, %swap3A_249] {strides = array<i32>} : memref<64x128xf32, #tpu.memory_space<vmem>>, vector<1x16xf32>,
        %swap3A_251 = vector.shape_cast %swap3A_250 : vector<1x16xf32> to vector<16xf32>
        %swap3A_252 = vector.shape_cast %broadcast_in_dim3A_5 : vector<16xf32> to vector<1x16xf32>
        tpu.vector_store %arg8[%swap3A_248, %swap3A_249], %swap3A_252 {strides = array<i32>} : memref<64x128xf32, #tpu.memory_space<vmem>>, vector<1x16xf32>,
        %swap3A_253 = arith.index_cast %scan3A_238 : i32 to index
        %swap3A_254 = arith.constant 48 : index
        %swap3A_255 = tpu.vector_load %arg8[%swap3A_253, %swap3A_254] {strides = array<i32>} : memref<64x128xf32, #tpu.memory_space<vmem>>, vector<1x16xf32>,
        %swap3A_256 = vector.shape_cast %swap3A_255 : vector<1x16xf32> to vector<16xf32>
        %swap3A_257 = vector.shape_cast %broadcast_in_dim3A_5 : vector<16xf32> to vector<1x16xf32>
        tpu.vector_store %arg8[%swap3A_253, %swap3A_254], %swap3A_257 {strides = array<i32>} : memref<64x128xf32, #tpu.memory_space<vmem>>, vector<1x16xf32>,
        %swap3A_258 = arith.index_cast %scan3A_238 : i32 to index
        %swap3A_259 = arith.constant 64 : index
        %swap3A_260 = tpu.vector_load %arg8[%swap3A_258, %swap3A_259] {strides = array<i32>} : memref<64x128xf32, #tpu.memory_space<vmem>>, vector<1x16xf32>,
        %swap3A_261 = vector.shape_cast %swap3A_260 : vector<1x16xf32> to vector<16xf32>
        %swap3A_262 = vector.shape_cast %broadcast_in_dim3A_5 : vector<16xf32> to vector<1x16xf32>
        tpu.vector_store %arg8[%swap3A_258, %swap3A_259], %swap3A_262 {strides = array<i32>} : memref<64x128xf32, #tpu.memory_space<vmem>>, vector<1x16xf32>,
        %swap3A_263 = arith.index_cast %scan3A_238 : i32 to index
        %swap3A_264 = arith.constant 80 : index
        %swap3A_265 = tpu.vector_load %arg8[%swap3A_263, %swap3A_264] {strides = array<i32>} : memref<64x128xf32, #tpu.memory_space<vmem>>, vector<1x16xf32>,
        %swap3A_266 = vector.shape_cast %swap3A_265 : vector<1x16xf32> to vector<16xf32>
        %swap3A_267 = vector.shape_cast %broadcast_in_dim3A_5 : vector<16xf32> to vector<1x16xf32>
        tpu.vector_store %arg8[%swap3A_263, %swap3A_264], %swap3A_267 {strides = array<i32>} : memref<64x128xf32, #tpu.memory_space<vmem>>, vector<1x16xf32>,
        %swap3A_268 = arith.index_cast %scan3A_238 : i32 to index
        %swap3A_269 = arith.constant 96 : index
        %swap3A_270 = tpu.vector_load %arg8[%swap3A_268, %swap3A_269] {strides = array<i32>} : memref<64x128xf32, #tpu.memory_space<vmem>>, vector<1x16xf32>,
        %swap3A_271 = vector.shape_cast %swap3A_270 : vector<1x16xf32> to vector<16xf32>
        %swap3A_272 = vector.shape_cast %broadcast_in_dim3A_5 : vector<16xf32> to vector<1x16xf32>
        tpu.vector_store %arg8[%swap3A_268, %swap3A_269], %swap3A_272 {strides = array<i32>} : memref<64x128xf32, #tpu.memory_space<vmem>>, vector<1x16xf32>,
        %swap3A_273 = arith.index_cast %scan3A_238 : i32 to index
        %swap3A_274 = arith.constant 112 : index
        %swap3A_275 = tpu.vector_load %arg8[%swap3A_273, %swap3A_274] {strides = array<i32>} : memref<64x128xf32, #tpu.memory_space<vmem>>, vector<1x16xf32>,
        %swap3A_276 = vector.shape_cast %swap3A_275 : vector<1x16xf32> to vector<16xf32>
        %swap3A_277 = vector.shape_cast %broadcast_in_dim3A_5 : vector<16xf32> to vector<1x16xf32>
        tpu.vector_store %arg8[%swap3A_273, %swap3A_274], %swap3A_277 {strides = array<i32>} : memref<64x128xf32, #tpu.memory_space<vmem>>, vector<1x16xf32>,
      }
      %scan3A_231 = arith.constant 64 : i32
      %scan3A_232 = arith.constant 0 : i32
      %scan3A_233 = arith.constant 0 : i32
      %scan3A_234 = arith.constant 32 : i32
      %scan3A_235 = arith.addi %scan3A_233, %scan3A_234 : i32
      %scan3A_236 = arith.constant 1 : i32
      scf.for %scan3A_238 = %scan3A_233 to %scan3A_235 step %scan3A_236  : i32 {
        %dma_start3A = arith.constant 3 : i32
        %dma_start3A_239 = arith.constant 0 : i32
        %dma_start3A_240 = tpu.memref_slice %arg6[%dma_start3A, %scan3A_238, %dma_start3A_239] : memref<5x32x64xi32, #tpu.memory_space<vmem>> -> memref<1x1x64xi32, #tpu.memory_space<vmem>>
        %dma_start3A_241 = tpu.memref_squeeze %dma_start3A_240 : memref<1x1x64xi32, #tpu.memory_space<vmem>> -> memref<64xi32, #tpu.memory_space<vmem>>
        %dma_start3A_242 = arith.constant 0 : i32
        %dma_start3A_243 = arith.constant 0 : i32
        %dma_start3A_244 = tpu.memref_slice %arg2[%dma_start3A_242, %dma_start3A_243] : memref<100000x128xf32, #tpu.memory_space<hbm>> -> memref<100000x128xf32, #tpu.memory_space<hbm>>
        tpu.enqueue_indirect_dma source(%dma_start3A_244 : memref<100000x128xf32, #tpu.memory_space<hbm>>) target(%arg8 : memref<64x128xf32, #tpu.memory_space<vmem>>) offsets(%dma_start3A_241 : memref<64xi32, #tpu.memory_space<vmem>>) semaphore(%arg12 : memref<!tpu.dma_semaphore, #tpu.memory_space<semaphore_mem>>) {add = true}
      }
      %scan3A_237 = arith.constant 32 : i32
    } else {
    }
    %add3A_82 = arith.constant 2 : i32
    %add3A_83 = arith.addi %mul3A_4, %add3A_82 : i32
    %lt3A_84 = arith.constant 157 : i32
    %lt3A_85 = arith.cmpi slt, %add3A_83, %lt3A_84 : i32
    %convert_element_type3A_86 = arith.extui %lt3A_85 : i1 to i32
    %cond3A_87 = arith.constant 0 : i32
    %cond3A_88 = arith.cmpi ne, %convert_element_type3A_86, %cond3A_87 : i32
    scf.if %cond3A_88 {
      %scan3A = arith.constant 0 : i32
      %scan3A_227 = arith.constant 0 : i32
      %scan3A_228 = arith.constant 32 : i32
      %scan3A_229 = arith.addi %scan3A_227, %scan3A_228 : i32
      %scan3A_230 = arith.constant 1 : i32
      scf.for %scan3A_232 = %scan3A_227 to %scan3A_229 step %scan3A_230  : i32 {
        %dma_wait3A = arith.constant 2 : i32
        %dma_wait3A_233 = arith.constant 0 : i32
        %dma_wait3A_234 = tpu.memref_slice %arg6[%dma_wait3A, %scan3A_232, %dma_wait3A_233] : memref<5x32x64xi32, #tpu.memory_space<vmem>> -> memref<1x1x64xi32, #tpu.memory_space<vmem>>
        %dma_wait3A_235 = tpu.memref_squeeze %dma_wait3A_234 : memref<1x1x64xi32, #tpu.memory_space<vmem>> -> memref<64xi32, #tpu.memory_space<vmem>>
        %dma_wait3A_236 = arith.constant 0 : i32
        %dma_wait3A_237 = arith.constant 0 : i32
        %dma_wait3A_238 = tpu.memref_slice %arg2[%dma_wait3A_236, %dma_wait3A_237] : memref<100000x128xf32, #tpu.memory_space<hbm>> -> memref<100000x128xf32, #tpu.memory_space<hbm>>
        tpu.wait_indirect_dma semaphore(%arg11 : memref<!tpu.dma_semaphore, #tpu.memory_space<semaphore_mem>>) src(%dma_wait3A_238 : memref<100000x128xf32, #tpu.memory_space<hbm>>) dst(%arg7 : memref<64x128xf32, #tpu.memory_space<vmem>>)
      }
      %scan3A_231 = arith.constant 32 : i32
    } else {
    }
    %add3A_89 = arith.constant 0 : i32
    %add3A_90 = arith.addi %mul3A_4, %add3A_89 : i32
    %lt3A_91 = arith.constant 156 : i32
    %lt3A_92 = arith.cmpi slt, %add3A_90, %lt3A_91 : i32
    %convert_element_type3A_93 = arith.extui %lt3A_92 : i1 to i32
    %cond3A_94 = arith.constant 0 : i32
    %cond3A_95 = arith.cmpi ne, %convert_element_type3A_93, %cond3A_94 : i32
    scf.if %cond3A_95 {
      %add3A_227 = arith.constant 0 : i32
      %add3A_228 = arith.addi %mul3A_4, %add3A_227 : i32
      %mul3A_229 = arith.constant 64 : i32
      %mul3A_230 = arith.muli %add3A_228, %mul3A_229 : i32
      %dma_wait3A = arith.constant 0 : i32
      %dma_wait3A_231 = tpu.memref_slice %arg5[%mul3A_230, %dma_wait3A] : memref<10000x128xf32, #tpu.memory_space<hbm>> -> memref<64x128xf32, #tpu.memory_space<hbm>>
      %dma_wait3A_232 = arith.constant 0 : i32
      %dma_wait3A_233 = tpu.memref_slice %arg5[%mul3A_230, %dma_wait3A_232] : memref<10000x128xf32, #tpu.memory_space<hbm>> -> memref<64x128xf32, #tpu.memory_space<hbm>>
      tpu.wait_dma2 semaphore(%arg13 : memref<!tpu.dma_semaphore, #tpu.memory_space<semaphore_mem>>) src(%arg9 : memref<64x128xf32, #tpu.memory_space<vmem>>) dst(%dma_wait3A_233 : memref<64x128xf32, #tpu.memory_space<hbm>>)
    } else {
    }
    %eq3A_96 = arith.constant 156 : i32
    %eq3A_97 = arith.cmpi eq, %add3A_90, %eq3A_96 : i32
    %convert_element_type3A_98 = arith.extui %eq3A_97 : i1 to i32
    %cond3A_99 = arith.constant 0 : i32
    %cond3A_100 = arith.cmpi ne, %convert_element_type3A_98, %cond3A_99 : i32
    scf.if %cond3A_100 {
      %dma_wait3A = arith.constant 0 : i32
      %dma_wait3A_227 = arith.constant 0 : i32
      %dma_wait3A_228 = tpu.memref_slice %arg9[%dma_wait3A, %dma_wait3A_227] : memref<64x128xf32, #tpu.memory_space<vmem>> -> memref<16x128xf32, #tpu.memory_space<vmem>>
      %dma_wait3A_229 = arith.constant 9984 : i32
      %dma_wait3A_230 = arith.constant 0 : i32
      %dma_wait3A_231 = tpu.memref_slice %arg5[%dma_wait3A_229, %dma_wait3A_230] : memref<10000x128xf32, #tpu.memory_space<hbm>> -> memref<16x128xf32, #tpu.memory_space<hbm>>
      %dma_wait3A_232 = arith.constant 9984 : i32
      %dma_wait3A_233 = arith.constant 0 : i32
      %dma_wait3A_234 = tpu.memref_slice %arg5[%dma_wait3A_232, %dma_wait3A_233] : memref<10000x128xf32, #tpu.memory_space<hbm>> -> memref<16x128xf32, #tpu.memory_space<hbm>>
      %dma_wait3A_235 = arith.constant 0 : i32
      %dma_wait3A_236 = arith.constant 0 : i32
      %dma_wait3A_237 = tpu.memref_slice %arg9[%dma_wait3A_235, %dma_wait3A_236] : memref<64x128xf32, #tpu.memory_space<vmem>> -> memref<16x128xf32, #tpu.memory_space<vmem>>
      tpu.wait_dma2 semaphore(%arg13 : memref<!tpu.dma_semaphore, #tpu.memory_space<semaphore_mem>>) src(%dma_wait3A_237 : memref<16x128xf32, #tpu.memory_space<vmem>>) dst(%dma_wait3A_234 : memref<16x128xf32, #tpu.memory_space<hbm>>)
    } else {
    }
    %add3A_101 = arith.constant 2 : i32
    %add3A_102 = arith.addi %mul3A_4, %add3A_101 : i32
    %lt3A_103 = arith.constant 157 : i32
    %lt3A_104 = arith.cmpi slt, %add3A_102, %lt3A_103 : i32
    %convert_element_type3A_105 = arith.extui %lt3A_104 : i1 to i32
    %cond3A_106 = arith.constant 0 : i32
    %cond3A_107 = arith.cmpi ne, %convert_element_type3A_105, %cond3A_106 : i32
    scf.if %cond3A_107 {
      %scan3A = arith.constant 0 : i32
      %scan3A_227 = arith.constant 0 : i32
      %scan3A_228 = arith.constant 64 : i32
      %scan3A_229 = arith.addi %scan3A_227, %scan3A_228 : i32
      %scan3A_230 = arith.constant 1 : i32
      scf.for %scan3A_232 = %scan3A_227 to %scan3A_229 step %scan3A_230  : i32 {
        %get3A_233 = arith.index_cast %scan3A_232 : i32 to index
        %get3A_234 = arith.constant 0 : index
        %get3A_235 = tpu.vector_load %arg7[%get3A_233, %get3A_234] {strides = array<i32>} : memref<64x128xf32, #tpu.memory_space<vmem>>, vector<1x16xf32>,
        %get3A_236 = vector.shape_cast %get3A_235 : vector<1x16xf32> to vector<16xf32>
        %mul3A_237 = vector.broadcast %squeeze3A : f32 to vector<16xf32>
        %mul3A_238 = arith.mulf %get3A_236, %mul3A_237 : vector<16xf32>
        %swap3A = arith.index_cast %scan3A_232 : i32 to index
        %swap3A_239 = arith.constant 0 : index
        %swap3A_240 = tpu.vector_load %arg9[%swap3A, %swap3A_239] {strides = array<i32>} : memref<64x128xf32, #tpu.memory_space<vmem>>, vector<1x16xf32>,
        %swap3A_241 = vector.shape_cast %swap3A_240 : vector<1x16xf32> to vector<16xf32>
        %swap3A_242 = vector.shape_cast %mul3A_238 : vector<16xf32> to vector<1x16xf32>
        tpu.vector_store %arg9[%swap3A, %swap3A_239], %swap3A_242 {strides = array<i32>} : memref<64x128xf32, #tpu.memory_space<vmem>>, vector<1x16xf32>,
        %get3A_243 = arith.index_cast %scan3A_232 : i32 to index
        %get3A_244 = arith.constant 16 : index
        %get3A_245 = tpu.vector_load %arg7[%get3A_243, %get3A_244] {strides = array<i32>} : memref<64x128xf32, #tpu.memory_space<vmem>>, vector<1x16xf32>,
        %get3A_246 = vector.shape_cast %get3A_245 : vector<1x16xf32> to vector<16xf32>
        %mul3A_247 = vector.broadcast %squeeze3A : f32 to vector<16xf32>
        %mul3A_248 = arith.mulf %get3A_246, %mul3A_247 : vector<16xf32>
        %swap3A_249 = arith.index_cast %scan3A_232 : i32 to index
        %swap3A_250 = arith.constant 16 : index
        %swap3A_251 = tpu.vector_load %arg9[%swap3A_249, %swap3A_250] {strides = array<i32>} : memref<64x128xf32, #tpu.memory_space<vmem>>, vector<1x16xf32>,
        %swap3A_252 = vector.shape_cast %swap3A_251 : vector<1x16xf32> to vector<16xf32>
        %swap3A_253 = vector.shape_cast %mul3A_248 : vector<16xf32> to vector<1x16xf32>
        tpu.vector_store %arg9[%swap3A_249, %swap3A_250], %swap3A_253 {strides = array<i32>} : memref<64x128xf32, #tpu.memory_space<vmem>>, vector<1x16xf32>,
        %get3A_254 = arith.index_cast %scan3A_232 : i32 to index
        %get3A_255 = arith.constant 32 : index
        %get3A_256 = tpu.vector_load %arg7[%get3A_254, %get3A_255] {strides = array<i32>} : memref<64x128xf32, #tpu.memory_space<vmem>>, vector<1x16xf32>,
        %get3A_257 = vector.shape_cast %get3A_256 : vector<1x16xf32> to vector<16xf32>
        %mul3A_258 = vector.broadcast %squeeze3A : f32 to vector<16xf32>
        %mul3A_259 = arith.mulf %get3A_257, %mul3A_258 : vector<16xf32>
        %swap3A_260 = arith.index_cast %scan3A_232 : i32 to index
        %swap3A_261 = arith.constant 32 : index
        %swap3A_262 = tpu.vector_load %arg9[%swap3A_260, %swap3A_261] {strides = array<i32>} : memref<64x128xf32, #tpu.memory_space<vmem>>, vector<1x16xf32>,
        %swap3A_263 = vector.shape_cast %swap3A_262 : vector<1x16xf32> to vector<16xf32>
        %swap3A_264 = vector.shape_cast %mul3A_259 : vector<16xf32> to vector<1x16xf32>
        tpu.vector_store %arg9[%swap3A_260, %swap3A_261], %swap3A_264 {strides = array<i32>} : memref<64x128xf32, #tpu.memory_space<vmem>>, vector<1x16xf32>,
        %get3A_265 = arith.index_cast %scan3A_232 : i32 to index
        %get3A_266 = arith.constant 48 : index
        %get3A_267 = tpu.vector_load %arg7[%get3A_265, %get3A_266] {strides = array<i32>} : memref<64x128xf32, #tpu.memory_space<vmem>>, vector<1x16xf32>,
        %get3A_268 = vector.shape_cast %get3A_267 : vector<1x16xf32> to vector<16xf32>
        %mul3A_269 = vector.broadcast %squeeze3A : f32 to vector<16xf32>
        %mul3A_270 = arith.mulf %get3A_268, %mul3A_269 : vector<16xf32>
        %swap3A_271 = arith.index_cast %scan3A_232 : i32 to index
        %swap3A_272 = arith.constant 48 : index
        %swap3A_273 = tpu.vector_load %arg9[%swap3A_271, %swap3A_272] {strides = array<i32>} : memref<64x128xf32, #tpu.memory_space<vmem>>, vector<1x16xf32>,
        %swap3A_274 = vector.shape_cast %swap3A_273 : vector<1x16xf32> to vector<16xf32>
        %swap3A_275 = vector.shape_cast %mul3A_270 : vector<16xf32> to vector<1x16xf32>
        tpu.vector_store %arg9[%swap3A_271, %swap3A_272], %swap3A_275 {strides = array<i32>} : memref<64x128xf32, #tpu.memory_space<vmem>>, vector<1x16xf32>,
        %get3A_276 = arith.index_cast %scan3A_232 : i32 to index
        %get3A_277 = arith.constant 64 : index
        %get3A_278 = tpu.vector_load %arg7[%get3A_276, %get3A_277] {strides = array<i32>} : memref<64x128xf32, #tpu.memory_space<vmem>>, vector<1x16xf32>,
        %get3A_279 = vector.shape_cast %get3A_278 : vector<1x16xf32> to vector<16xf32>
        %mul3A_280 = vector.broadcast %squeeze3A : f32 to vector<16xf32>
        %mul3A_281 = arith.mulf %get3A_279, %mul3A_280 : vector<16xf32>
        %swap3A_282 = arith.index_cast %scan3A_232 : i32 to index
        %swap3A_283 = arith.constant 64 : index
        %swap3A_284 = tpu.vector_load %arg9[%swap3A_282, %swap3A_283] {strides = array<i32>} : memref<64x128xf32, #tpu.memory_space<vmem>>, vector<1x16xf32>,
        %swap3A_285 = vector.shape_cast %swap3A_284 : vector<1x16xf32> to vector<16xf32>
        %swap3A_286 = vector.shape_cast %mul3A_281 : vector<16xf32> to vector<1x16xf32>
        tpu.vector_store %arg9[%swap3A_282, %swap3A_283], %swap3A_286 {strides = array<i32>} : memref<64x128xf32, #tpu.memory_space<vmem>>, vector<1x16xf32>,
        %get3A_287 = arith.index_cast %scan3A_232 : i32 to index
        %get3A_288 = arith.constant 80 : index
        %get3A_289 = tpu.vector_load %arg7[%get3A_287, %get3A_288] {strides = array<i32>} : memref<64x128xf32, #tpu.memory_space<vmem>>, vector<1x16xf32>,
        %get3A_290 = vector.shape_cast %get3A_289 : vector<1x16xf32> to vector<16xf32>
        %mul3A_291 = vector.broadcast %squeeze3A : f32 to vector<16xf32>
        %mul3A_292 = arith.mulf %get3A_290, %mul3A_291 : vector<16xf32>
        %swap3A_293 = arith.index_cast %scan3A_232 : i32 to index
        %swap3A_294 = arith.constant 80 : index
        %swap3A_295 = tpu.vector_load %arg9[%swap3A_293, %swap3A_294] {strides = array<i32>} : memref<64x128xf32, #tpu.memory_space<vmem>>, vector<1x16xf32>,
        %swap3A_296 = vector.shape_cast %swap3A_295 : vector<1x16xf32> to vector<16xf32>
        %swap3A_297 = vector.shape_cast %mul3A_292 : vector<16xf32> to vector<1x16xf32>
        tpu.vector_store %arg9[%swap3A_293, %swap3A_294], %swap3A_297 {strides = array<i32>} : memref<64x128xf32, #tpu.memory_space<vmem>>, vector<1x16xf32>,
        %get3A_298 = arith.index_cast %scan3A_232 : i32 to index
        %get3A_299 = arith.constant 96 : index
        %get3A_300 = tpu.vector_load %arg7[%get3A_298, %get3A_299] {strides = array<i32>} : memref<64x128xf32, #tpu.memory_space<vmem>>, vector<1x16xf32>,
        %get3A_301 = vector.shape_cast %get3A_300 : vector<1x16xf32> to vector<16xf32>
        %mul3A_302 = vector.broadcast %squeeze3A : f32 to vector<16xf32>
        %mul3A_303 = arith.mulf %get3A_301, %mul3A_302 : vector<16xf32>
        %swap3A_304 = arith.index_cast %scan3A_232 : i32 to index
        %swap3A_305 = arith.constant 96 : index
        %swap3A_306 = tpu.vector_load %arg9[%swap3A_304, %swap3A_305] {strides = array<i32>} : memref<64x128xf32, #tpu.memory_space<vmem>>, vector<1x16xf32>,
        %swap3A_307 = vector.shape_cast %swap3A_306 : vector<1x16xf32> to vector<16xf32>
        %swap3A_308 = vector.shape_cast %mul3A_303 : vector<16xf32> to vector<1x16xf32>
        tpu.vector_store %arg9[%swap3A_304, %swap3A_305], %swap3A_308 {strides = array<i32>} : memref<64x128xf32, #tpu.memory_space<vmem>>, vector<1x16xf32>,
        %get3A_309 = arith.index_cast %scan3A_232 : i32 to index
        %get3A_310 = arith.constant 112 : index
        %get3A_311 = tpu.vector_load %arg7[%get3A_309, %get3A_310] {strides = array<i32>} : memref<64x128xf32, #tpu.memory_space<vmem>>, vector<1x16xf32>,
        %get3A_312 = vector.shape_cast %get3A_311 : vector<1x16xf32> to vector<16xf32>
        %mul3A_313 = vector.broadcast %squeeze3A : f32 to vector<16xf32>
        %mul3A_314 = arith.mulf %get3A_312, %mul3A_313 : vector<16xf32>
        %swap3A_315 = arith.index_cast %scan3A_232 : i32 to index
        %swap3A_316 = arith.constant 112 : index
        %swap3A_317 = tpu.vector_load %arg9[%swap3A_315, %swap3A_316] {strides = array<i32>} : memref<64x128xf32, #tpu.memory_space<vmem>>, vector<1x16xf32>,
        %swap3A_318 = vector.shape_cast %swap3A_317 : vector<1x16xf32> to vector<16xf32>
        %swap3A_319 = vector.shape_cast %mul3A_314 : vector<16xf32> to vector<1x16xf32>
        tpu.vector_store %arg9[%swap3A_315, %swap3A_316], %swap3A_319 {strides = array<i32>} : memref<64x128xf32, #tpu.memory_space<vmem>>, vector<1x16xf32>,
      }
      %scan3A_231 = arith.constant 64 : i32
    } else {
    }
    %add3A_108 = arith.constant 2 : i32
    %add3A_109 = arith.addi %mul3A_4, %add3A_108 : i32
    %lt3A_110 = arith.constant 156 : i32
    %lt3A_111 = arith.cmpi slt, %add3A_109, %lt3A_110 : i32
    %convert_element_type3A_112 = arith.extui %lt3A_111 : i1 to i32
    %cond3A_113 = arith.constant 0 : i32
    %cond3A_114 = arith.cmpi ne, %convert_element_type3A_112, %cond3A_113 : i32
    scf.if %cond3A_114 {
      %add3A_227 = arith.constant 2 : i32
      %add3A_228 = arith.addi %mul3A_4, %add3A_227 : i32
      %mul3A_229 = arith.constant 64 : i32
      %mul3A_230 = arith.muli %add3A_228, %mul3A_229 : i32
      %dma_start3A = arith.constant 0 : i32
      %dma_start3A_231 = tpu.memref_slice %arg5[%mul3A_230, %dma_start3A] : memref<10000x128xf32, #tpu.memory_space<hbm>> -> memref<64x128xf32, #tpu.memory_space<hbm>>
      %dma_start3A_232 = arith.constant 0 : i32
      %dma_start3A_233 = tpu.memref_slice %arg5[%mul3A_230, %dma_start3A_232] : memref<10000x128xf32, #tpu.memory_space<hbm>> -> memref<64x128xf32, #tpu.memory_space<hbm>>
      tpu.enqueue_dma source(%arg9 : memref<64x128xf32, #tpu.memory_space<vmem>>) target(%dma_start3A_233 : memref<64x128xf32, #tpu.memory_space<hbm>>) target_semaphore(%arg13 : memref<!tpu.dma_semaphore, #tpu.memory_space<semaphore_mem>>)
    } else {
    }
    %eq3A_115 = arith.constant 156 : i32
    %eq3A_116 = arith.cmpi eq, %add3A_109, %eq3A_115 : i32
    %convert_element_type3A_117 = arith.extui %eq3A_116 : i1 to i32
    %cond3A_118 = arith.constant 0 : i32
    %cond3A_119 = arith.cmpi ne, %convert_element_type3A_117, %cond3A_118 : i32
    scf.if %cond3A_119 {
      %dma_start3A = arith.constant 0 : i32
      %dma_start3A_227 = arith.constant 0 : i32
      %dma_start3A_228 = tpu.memref_slice %arg9[%dma_start3A, %dma_start3A_227] : memref<64x128xf32, #tpu.memory_space<vmem>> -> memref<16x128xf32, #tpu.memory_space<vmem>>
      %dma_start3A_229 = arith.constant 9984 : i32
      %dma_start3A_230 = arith.constant 0 : i32
      %dma_start3A_231 = tpu.memref_slice %arg5[%dma_start3A_229, %dma_start3A_230] : memref<10000x128xf32, #tpu.memory_space<hbm>> -> memref<16x128xf32, #tpu.memory_space<hbm>>
      %dma_start3A_232 = arith.constant 9984 : i32
      %dma_start3A_233 = arith.constant 0 : i32
      %dma_start3A_234 = tpu.memref_slice %arg5[%dma_start3A_232, %dma_start3A_233] : memref<10000x128xf32, #tpu.memory_space<hbm>> -> memref<16x128xf32, #tpu.memory_space<hbm>>
      %dma_start3A_235 = arith.constant 0 : i32
      %dma_start3A_236 = arith.constant 0 : i32
      %dma_start3A_237 = tpu.memref_slice %arg9[%dma_start3A_235, %dma_start3A_236] : memref<64x128xf32, #tpu.memory_space<vmem>> -> memref<16x128xf32, #tpu.memory_space<vmem>>
      tpu.enqueue_dma source(%dma_start3A_237 : memref<16x128xf32, #tpu.memory_space<vmem>>) target(%dma_start3A_234 : memref<16x128xf32, #tpu.memory_space<hbm>>) target_semaphore(%arg13 : memref<!tpu.dma_semaphore, #tpu.memory_space<semaphore_mem>>)
    } else {
    }
    %add3A_120 = arith.constant 4 : i32
    %add3A_121 = arith.addi %mul3A_4, %add3A_120 : i32
    %lt3A_122 = arith.constant 157 : i32
    %lt3A_123 = arith.cmpi slt, %add3A_121, %lt3A_122 : i32
    %convert_element_type3A_124 = arith.extui %lt3A_123 : i1 to i32
    %cond3A_125 = arith.constant 0 : i32
    %cond3A_126 = arith.cmpi ne, %convert_element_type3A_124, %cond3A_125 : i32
    scf.if %cond3A_126 {
      %scan3A = arith.constant 0 : i32
      %scan3A_227 = arith.constant 0 : i32
      %scan3A_228 = arith.constant 64 : i32
      %scan3A_229 = arith.addi %scan3A_227, %scan3A_228 : i32
      %scan3A_230 = arith.constant 1 : i32
      scf.for %scan3A_238 = %scan3A_227 to %scan3A_229 step %scan3A_230  : i32 {
        %swap3A = arith.index_cast %scan3A_238 : i32 to index
        %swap3A_239 = arith.constant 0 : index
        %swap3A_240 = tpu.vector_load %arg7[%swap3A, %swap3A_239] {strides = array<i32>} : memref<64x128xf32, #tpu.memory_space<vmem>>, vector<1x16xf32>,
        %swap3A_241 = vector.shape_cast %swap3A_240 : vector<1x16xf32> to vector<16xf32>
        %swap3A_242 = vector.shape_cast %broadcast_in_dim3A_5 : vector<16xf32> to vector<1x16xf32>
        tpu.vector_store %arg7[%swap3A, %swap3A_239], %swap3A_242 {strides = array<i32>} : memref<64x128xf32, #tpu.memory_space<vmem>>, vector<1x16xf32>,
        %swap3A_243 = arith.index_cast %scan3A_238 : i32 to index
        %swap3A_244 = arith.constant 16 : index
        %swap3A_245 = tpu.vector_load %arg7[%swap3A_243, %swap3A_244] {strides = array<i32>} : memref<64x128xf32, #tpu.memory_space<vmem>>, vector<1x16xf32>,
        %swap3A_246 = vector.shape_cast %swap3A_245 : vector<1x16xf32> to vector<16xf32>
        %swap3A_247 = vector.shape_cast %broadcast_in_dim3A_5 : vector<16xf32> to vector<1x16xf32>
        tpu.vector_store %arg7[%swap3A_243, %swap3A_244], %swap3A_247 {strides = array<i32>} : memref<64x128xf32, #tpu.memory_space<vmem>>, vector<1x16xf32>,
        %swap3A_248 = arith.index_cast %scan3A_238 : i32 to index
        %swap3A_249 = arith.constant 32 : index
        %swap3A_250 = tpu.vector_load %arg7[%swap3A_248, %swap3A_249] {strides = array<i32>} : memref<64x128xf32, #tpu.memory_space<vmem>>, vector<1x16xf32>,
        %swap3A_251 = vector.shape_cast %swap3A_250 : vector<1x16xf32> to vector<16xf32>
        %swap3A_252 = vector.shape_cast %broadcast_in_dim3A_5 : vector<16xf32> to vector<1x16xf32>
        tpu.vector_store %arg7[%swap3A_248, %swap3A_249], %swap3A_252 {strides = array<i32>} : memref<64x128xf32, #tpu.memory_space<vmem>>, vector<1x16xf32>,
        %swap3A_253 = arith.index_cast %scan3A_238 : i32 to index
        %swap3A_254 = arith.constant 48 : index
        %swap3A_255 = tpu.vector_load %arg7[%swap3A_253, %swap3A_254] {strides = array<i32>} : memref<64x128xf32, #tpu.memory_space<vmem>>, vector<1x16xf32>,
        %swap3A_256 = vector.shape_cast %swap3A_255 : vector<1x16xf32> to vector<16xf32>
        %swap3A_257 = vector.shape_cast %broadcast_in_dim3A_5 : vector<16xf32> to vector<1x16xf32>
        tpu.vector_store %arg7[%swap3A_253, %swap3A_254], %swap3A_257 {strides = array<i32>} : memref<64x128xf32, #tpu.memory_space<vmem>>, vector<1x16xf32>,
        %swap3A_258 = arith.index_cast %scan3A_238 : i32 to index
        %swap3A_259 = arith.constant 64 : index
        %swap3A_260 = tpu.vector_load %arg7[%swap3A_258, %swap3A_259] {strides = array<i32>} : memref<64x128xf32, #tpu.memory_space<vmem>>, vector<1x16xf32>,
        %swap3A_261 = vector.shape_cast %swap3A_260 : vector<1x16xf32> to vector<16xf32>
        %swap3A_262 = vector.shape_cast %broadcast_in_dim3A_5 : vector<16xf32> to vector<1x16xf32>
        tpu.vector_store %arg7[%swap3A_258, %swap3A_259], %swap3A_262 {strides = array<i32>} : memref<64x128xf32, #tpu.memory_space<vmem>>, vector<1x16xf32>,
        %swap3A_263 = arith.index_cast %scan3A_238 : i32 to index
        %swap3A_264 = arith.constant 80 : index
        %swap3A_265 = tpu.vector_load %arg7[%swap3A_263, %swap3A_264] {strides = array<i32>} : memref<64x128xf32, #tpu.memory_space<vmem>>, vector<1x16xf32>,
        %swap3A_266 = vector.shape_cast %swap3A_265 : vector<1x16xf32> to vector<16xf32>
        %swap3A_267 = vector.shape_cast %broadcast_in_dim3A_5 : vector<16xf32> to vector<1x16xf32>
        tpu.vector_store %arg7[%swap3A_263, %swap3A_264], %swap3A_267 {strides = array<i32>} : memref<64x128xf32, #tpu.memory_space<vmem>>, vector<1x16xf32>,
        %swap3A_268 = arith.index_cast %scan3A_238 : i32 to index
        %swap3A_269 = arith.constant 96 : index
        %swap3A_270 = tpu.vector_load %arg7[%swap3A_268, %swap3A_269] {strides = array<i32>} : memref<64x128xf32, #tpu.memory_space<vmem>>, vector<1x16xf32>,
        %swap3A_271 = vector.shape_cast %swap3A_270 : vector<1x16xf32> to vector<16xf32>
        %swap3A_272 = vector.shape_cast %broadcast_in_dim3A_5 : vector<16xf32> to vector<1x16xf32>
        tpu.vector_store %arg7[%swap3A_268, %swap3A_269], %swap3A_272 {strides = array<i32>} : memref<64x128xf32, #tpu.memory_space<vmem>>, vector<1x16xf32>,
        %swap3A_273 = arith.index_cast %scan3A_238 : i32 to index
        %swap3A_274 = arith.constant 112 : index
        %swap3A_275 = tpu.vector_load %arg7[%swap3A_273, %swap3A_274] {strides = array<i32>} : memref<64x128xf32, #tpu.memory_space<vmem>>, vector<1x16xf32>,
        %swap3A_276 = vector.shape_cast %swap3A_275 : vector<1x16xf32> to vector<16xf32>
        %swap3A_277 = vector.shape_cast %broadcast_in_dim3A_5 : vector<16xf32> to vector<1x16xf32>
        tpu.vector_store %arg7[%swap3A_273, %swap3A_274], %swap3A_277 {strides = array<i32>} : memref<64x128xf32, #tpu.memory_space<vmem>>, vector<1x16xf32>,
      }
      %scan3A_231 = arith.constant 64 : i32
      %scan3A_232 = arith.constant 0 : i32
      %scan3A_233 = arith.constant 0 : i32
      %scan3A_234 = arith.constant 32 : i32
      %scan3A_235 = arith.addi %scan3A_233, %scan3A_234 : i32
      %scan3A_236 = arith.constant 1 : i32
      scf.for %scan3A_238 = %scan3A_233 to %scan3A_235 step %scan3A_236  : i32 {
        %dma_start3A = arith.constant 4 : i32
        %dma_start3A_239 = arith.constant 0 : i32
        %dma_start3A_240 = tpu.memref_slice %arg6[%dma_start3A, %scan3A_238, %dma_start3A_239] : memref<5x32x64xi32, #tpu.memory_space<vmem>> -> memref<1x1x64xi32, #tpu.memory_space<vmem>>
        %dma_start3A_241 = tpu.memref_squeeze %dma_start3A_240 : memref<1x1x64xi32, #tpu.memory_space<vmem>> -> memref<64xi32, #tpu.memory_space<vmem>>
        %dma_start3A_242 = arith.constant 0 : i32
        %dma_start3A_243 = arith.constant 0 : i32
        %dma_start3A_244 = tpu.memref_slice %arg2[%dma_start3A_242, %dma_start3A_243] : memref<100000x128xf32, #tpu.memory_space<hbm>> -> memref<100000x128xf32, #tpu.memory_space<hbm>>
        tpu.enqueue_indirect_dma source(%dma_start3A_244 : memref<100000x128xf32, #tpu.memory_space<hbm>>) target(%arg7 : memref<64x128xf32, #tpu.memory_space<vmem>>) offsets(%dma_start3A_241 : memref<64xi32, #tpu.memory_space<vmem>>) semaphore(%arg11 : memref<!tpu.dma_semaphore, #tpu.memory_space<semaphore_mem>>) {add = true}
      }
      %scan3A_237 = arith.constant 32 : i32
    } else {
    }
    %add3A_127 = arith.constant 3 : i32
    %add3A_128 = arith.addi %mul3A_4, %add3A_127 : i32
    %lt3A_129 = arith.constant 157 : i32
    %lt3A_130 = arith.cmpi slt, %add3A_128, %lt3A_129 : i32
    %convert_element_type3A_131 = arith.extui %lt3A_130 : i1 to i32
    %cond3A_132 = arith.constant 0 : i32
    %cond3A_133 = arith.cmpi ne, %convert_element_type3A_131, %cond3A_132 : i32
    scf.if %cond3A_133 {
      %scan3A = arith.constant 0 : i32
      %scan3A_227 = arith.constant 0 : i32
      %scan3A_228 = arith.constant 32 : i32
      %scan3A_229 = arith.addi %scan3A_227, %scan3A_228 : i32
      %scan3A_230 = arith.constant 1 : i32
      scf.for %scan3A_232 = %scan3A_227 to %scan3A_229 step %scan3A_230  : i32 {
        %dma_wait3A = arith.constant 3 : i32
        %dma_wait3A_233 = arith.constant 0 : i32
        %dma_wait3A_234 = tpu.memref_slice %arg6[%dma_wait3A, %scan3A_232, %dma_wait3A_233] : memref<5x32x64xi32, #tpu.memory_space<vmem>> -> memref<1x1x64xi32, #tpu.memory_space<vmem>>
        %dma_wait3A_235 = tpu.memref_squeeze %dma_wait3A_234 : memref<1x1x64xi32, #tpu.memory_space<vmem>> -> memref<64xi32, #tpu.memory_space<vmem>>
        %dma_wait3A_236 = arith.constant 0 : i32
        %dma_wait3A_237 = arith.constant 0 : i32
        %dma_wait3A_238 = tpu.memref_slice %arg2[%dma_wait3A_236, %dma_wait3A_237] : memref<100000x128xf32, #tpu.memory_space<hbm>> -> memref<100000x128xf32, #tpu.memory_space<hbm>>
        tpu.wait_indirect_dma semaphore(%arg12 : memref<!tpu.dma_semaphore, #tpu.memory_space<semaphore_mem>>) src(%dma_wait3A_238 : memref<100000x128xf32, #tpu.memory_space<hbm>>) dst(%arg8 : memref<64x128xf32, #tpu.memory_space<vmem>>)
      }
      %scan3A_231 = arith.constant 32 : i32
    } else {
    }
    %add3A_134 = arith.constant 1 : i32
    %add3A_135 = arith.addi %mul3A_4, %add3A_134 : i32
    %lt3A_136 = arith.constant 156 : i32
    %lt3A_137 = arith.cmpi slt, %add3A_135, %lt3A_136 : i32
    %convert_element_type3A_138 = arith.extui %lt3A_137 : i1 to i32
    %cond3A_139 = arith.constant 0 : i32
    %cond3A_140 = arith.cmpi ne, %convert_element_type3A_138, %cond3A_139 : i32
    scf.if %cond3A_140 {
      %add3A_227 = arith.constant 1 : i32
      %add3A_228 = arith.addi %mul3A_4, %add3A_227 : i32
      %mul3A_229 = arith.constant 64 : i32
      %mul3A_230 = arith.muli %add3A_228, %mul3A_229 : i32
      %dma_wait3A = arith.constant 0 : i32
      %dma_wait3A_231 = tpu.memref_slice %arg5[%mul3A_230, %dma_wait3A] : memref<10000x128xf32, #tpu.memory_space<hbm>> -> memref<64x128xf32, #tpu.memory_space<hbm>>
      %dma_wait3A_232 = arith.constant 0 : i32
      %dma_wait3A_233 = tpu.memref_slice %arg5[%mul3A_230, %dma_wait3A_232] : memref<10000x128xf32, #tpu.memory_space<hbm>> -> memref<64x128xf32, #tpu.memory_space<hbm>>
      tpu.wait_dma2 semaphore(%arg14 : memref<!tpu.dma_semaphore, #tpu.memory_space<semaphore_mem>>) src(%arg10 : memref<64x128xf32, #tpu.memory_space<vmem>>) dst(%dma_wait3A_233 : memref<64x128xf32, #tpu.memory_space<hbm>>)
    } else {
    }
    %eq3A_141 = arith.constant 156 : i32
    %eq3A_142 = arith.cmpi eq, %add3A_135, %eq3A_141 : i32
    %convert_element_type3A_143 = arith.extui %eq3A_142 : i1 to i32
    %cond3A_144 = arith.constant 0 : i32
    %cond3A_145 = arith.cmpi ne, %convert_element_type3A_143, %cond3A_144 : i32
    scf.if %cond3A_145 {
      %dma_wait3A = arith.constant 0 : i32
      %dma_wait3A_227 = arith.constant 0 : i32
      %dma_wait3A_228 = tpu.memref_slice %arg10[%dma_wait3A, %dma_wait3A_227] : memref<64x128xf32, #tpu.memory_space<vmem>> -> memref<16x128xf32, #tpu.memory_space<vmem>>
      %dma_wait3A_229 = arith.constant 9984 : i32
      %dma_wait3A_230 = arith.constant 0 : i32
      %dma_wait3A_231 = tpu.memref_slice %arg5[%dma_wait3A_229, %dma_wait3A_230] : memref<10000x128xf32, #tpu.memory_space<hbm>> -> memref<16x128xf32, #tpu.memory_space<hbm>>
      %dma_wait3A_232 = arith.constant 9984 : i32
      %dma_wait3A_233 = arith.constant 0 : i32
      %dma_wait3A_234 = tpu.memref_slice %arg5[%dma_wait3A_232, %dma_wait3A_233] : memref<10000x128xf32, #tpu.memory_space<hbm>> -> memref<16x128xf32, #tpu.memory_space<hbm>>
      %dma_wait3A_235 = arith.constant 0 : i32
      %dma_wait3A_236 = arith.constant 0 : i32
      %dma_wait3A_237 = tpu.memref_slice %arg10[%dma_wait3A_235, %dma_wait3A_236] : memref<64x128xf32, #tpu.memory_space<vmem>> -> memref<16x128xf32, #tpu.memory_space<vmem>>
      tpu.wait_dma2 semaphore(%arg14 : memref<!tpu.dma_semaphore, #tpu.memory_space<semaphore_mem>>) src(%dma_wait3A_237 : memref<16x128xf32, #tpu.memory_space<vmem>>) dst(%dma_wait3A_234 : memref<16x128xf32, #tpu.memory_space<hbm>>)
    } else {
    }
    %add3A_146 = arith.constant 3 : i32
    %add3A_147 = arith.addi %mul3A_4, %add3A_146 : i32
    %lt3A_148 = arith.constant 157 : i32
    %lt3A_149 = arith.cmpi slt, %add3A_147, %lt3A_148 : i32
    %convert_element_type3A_150 = arith.extui %lt3A_149 : i1 to i32
    %cond3A_151 = arith.constant 0 : i32
    %cond3A_152 = arith.cmpi ne, %convert_element_type3A_150, %cond3A_151 : i32
    scf.if %cond3A_152 {
      %scan3A = arith.constant 0 : i32
      %scan3A_227 = arith.constant 0 : i32
      %scan3A_228 = arith.constant 64 : i32
      %scan3A_229 = arith.addi %scan3A_227, %scan3A_228 : i32
      %scan3A_230 = arith.constant 1 : i32
      scf.for %scan3A_232 = %scan3A_227 to %scan3A_229 step %scan3A_230  : i32 {
        %get3A_233 = arith.index_cast %scan3A_232 : i32 to index
        %get3A_234 = arith.constant 0 : index
        %get3A_235 = tpu.vector_load %arg8[%get3A_233, %get3A_234] {strides = array<i32>} : memref<64x128xf32, #tpu.memory_space<vmem>>, vector<1x16xf32>,
        %get3A_236 = vector.shape_cast %get3A_235 : vector<1x16xf32> to vector<16xf32>
        %mul3A_237 = vector.broadcast %squeeze3A : f32 to vector<16xf32>
        %mul3A_238 = arith.mulf %get3A_236, %mul3A_237 : vector<16xf32>
        %swap3A = arith.index_cast %scan3A_232 : i32 to index
        %swap3A_239 = arith.constant 0 : index
        %swap3A_240 = tpu.vector_load %arg10[%swap3A, %swap3A_239] {strides = array<i32>} : memref<64x128xf32, #tpu.memory_space<vmem>>, vector<1x16xf32>,
        %swap3A_241 = vector.shape_cast %swap3A_240 : vector<1x16xf32> to vector<16xf32>
        %swap3A_242 = vector.shape_cast %mul3A_238 : vector<16xf32> to vector<1x16xf32>
        tpu.vector_store %arg10[%swap3A, %swap3A_239], %swap3A_242 {strides = array<i32>} : memref<64x128xf32, #tpu.memory_space<vmem>>, vector<1x16xf32>,
        %get3A_243 = arith.index_cast %scan3A_232 : i32 to index
        %get3A_244 = arith.constant 16 : index
        %get3A_245 = tpu.vector_load %arg8[%get3A_243, %get3A_244] {strides = array<i32>} : memref<64x128xf32, #tpu.memory_space<vmem>>, vector<1x16xf32>,
        %get3A_246 = vector.shape_cast %get3A_245 : vector<1x16xf32> to vector<16xf32>
        %mul3A_247 = vector.broadcast %squeeze3A : f32 to vector<16xf32>
        %mul3A_248 = arith.mulf %get3A_246, %mul3A_247 : vector<16xf32>
        %swap3A_249 = arith.index_cast %scan3A_232 : i32 to index
        %swap3A_250 = arith.constant 16 : index
        %swap3A_251 = tpu.vector_load %arg10[%swap3A_249, %swap3A_250] {strides = array<i32>} : memref<64x128xf32, #tpu.memory_space<vmem>>, vector<1x16xf32>,
        %swap3A_252 = vector.shape_cast %swap3A_251 : vector<1x16xf32> to vector<16xf32>
        %swap3A_253 = vector.shape_cast %mul3A_248 : vector<16xf32> to vector<1x16xf32>
        tpu.vector_store %arg10[%swap3A_249, %swap3A_250], %swap3A_253 {strides = array<i32>} : memref<64x128xf32, #tpu.memory_space<vmem>>, vector<1x16xf32>,
        %get3A_254 = arith.index_cast %scan3A_232 : i32 to index
        %get3A_255 = arith.constant 32 : index
        %get3A_256 = tpu.vector_load %arg8[%get3A_254, %get3A_255] {strides = array<i32>} : memref<64x128xf32, #tpu.memory_space<vmem>>, vector<1x16xf32>,
        %get3A_257 = vector.shape_cast %get3A_256 : vector<1x16xf32> to vector<16xf32>
        %mul3A_258 = vector.broadcast %squeeze3A : f32 to vector<16xf32>
        %mul3A_259 = arith.mulf %get3A_257, %mul3A_258 : vector<16xf32>
        %swap3A_260 = arith.index_cast %scan3A_232 : i32 to index
        %swap3A_261 = arith.constant 32 : index
        %swap3A_262 = tpu.vector_load %arg10[%swap3A_260, %swap3A_261] {strides = array<i32>} : memref<64x128xf32, #tpu.memory_space<vmem>>, vector<1x16xf32>,
        %swap3A_263 = vector.shape_cast %swap3A_262 : vector<1x16xf32> to vector<16xf32>
        %swap3A_264 = vector.shape_cast %mul3A_259 : vector<16xf32> to vector<1x16xf32>
        tpu.vector_store %arg10[%swap3A_260, %swap3A_261], %swap3A_264 {strides = array<i32>} : memref<64x128xf32, #tpu.memory_space<vmem>>, vector<1x16xf32>,
        %get3A_265 = arith.index_cast %scan3A_232 : i32 to index
        %get3A_266 = arith.constant 48 : index
        %get3A_267 = tpu.vector_load %arg8[%get3A_265, %get3A_266] {strides = array<i32>} : memref<64x128xf32, #tpu.memory_space<vmem>>, vector<1x16xf32>,
        %get3A_268 = vector.shape_cast %get3A_267 : vector<1x16xf32> to vector<16xf32>
        %mul3A_269 = vector.broadcast %squeeze3A : f32 to vector<16xf32>
        %mul3A_270 = arith.mulf %get3A_268, %mul3A_269 : vector<16xf32>
        %swap3A_271 = arith.index_cast %scan3A_232 : i32 to index
        %swap3A_272 = arith.constant 48 : index
        %swap3A_273 = tpu.vector_load %arg10[%swap3A_271, %swap3A_272] {strides = array<i32>} : memref<64x128xf32, #tpu.memory_space<vmem>>, vector<1x16xf32>,
        %swap3A_274 = vector.shape_cast %swap3A_273 : vector<1x16xf32> to vector<16xf32>
        %swap3A_275 = vector.shape_cast %mul3A_270 : vector<16xf32> to vector<1x16xf32>
        tpu.vector_store %arg10[%swap3A_271, %swap3A_272], %swap3A_275 {strides = array<i32>} : memref<64x128xf32, #tpu.memory_space<vmem>>, vector<1x16xf32>,
        %get3A_276 = arith.index_cast %scan3A_232 : i32 to index
        %get3A_277 = arith.constant 64 : index
        %get3A_278 = tpu.vector_load %arg8[%get3A_276, %get3A_277] {strides = array<i32>} : memref<64x128xf32, #tpu.memory_space<vmem>>, vector<1x16xf32>,
        %get3A_279 = vector.shape_cast %get3A_278 : vector<1x16xf32> to vector<16xf32>
        %mul3A_280 = vector.broadcast %squeeze3A : f32 to vector<16xf32>
        %mul3A_281 = arith.mulf %get3A_279, %mul3A_280 : vector<16xf32>
        %swap3A_282 = arith.index_cast %scan3A_232 : i32 to index
        %swap3A_283 = arith.constant 64 : index
        %swap3A_284 = tpu.vector_load %arg10[%swap3A_282, %swap3A_283] {strides = array<i32>} : memref<64x128xf32, #tpu.memory_space<vmem>>, vector<1x16xf32>,
        %swap3A_285 = vector.shape_cast %swap3A_284 : vector<1x16xf32> to vector<16xf32>
        %swap3A_286 = vector.shape_cast %mul3A_281 : vector<16xf32> to vector<1x16xf32>
        tpu.vector_store %arg10[%swap3A_282, %swap3A_283], %swap3A_286 {strides = array<i32>} : memref<64x128xf32, #tpu.memory_space<vmem>>, vector<1x16xf32>,
        %get3A_287 = arith.index_cast %scan3A_232 : i32 to index
        %get3A_288 = arith.constant 80 : index
        %get3A_289 = tpu.vector_load %arg8[%get3A_287, %get3A_288] {strides = array<i32>} : memref<64x128xf32, #tpu.memory_space<vmem>>, vector<1x16xf32>,
        %get3A_290 = vector.shape_cast %get3A_289 : vector<1x16xf32> to vector<16xf32>
        %mul3A_291 = vector.broadcast %squeeze3A : f32 to vector<16xf32>
        %mul3A_292 = arith.mulf %get3A_290, %mul3A_291 : vector<16xf32>
        %swap3A_293 = arith.index_cast %scan3A_232 : i32 to index
        %swap3A_294 = arith.constant 80 : index
        %swap3A_295 = tpu.vector_load %arg10[%swap3A_293, %swap3A_294] {strides = array<i32>} : memref<64x128xf32, #tpu.memory_space<vmem>>, vector<1x16xf32>,
        %swap3A_296 = vector.shape_cast %swap3A_295 : vector<1x16xf32> to vector<16xf32>
        %swap3A_297 = vector.shape_cast %mul3A_292 : vector<16xf32> to vector<1x16xf32>
        tpu.vector_store %arg10[%swap3A_293, %swap3A_294], %swap3A_297 {strides = array<i32>} : memref<64x128xf32, #tpu.memory_space<vmem>>, vector<1x16xf32>,
        %get3A_298 = arith.index_cast %scan3A_232 : i32 to index
        %get3A_299 = arith.constant 96 : index
        %get3A_300 = tpu.vector_load %arg8[%get3A_298, %get3A_299] {strides = array<i32>} : memref<64x128xf32, #tpu.memory_space<vmem>>, vector<1x16xf32>,
        %get3A_301 = vector.shape_cast %get3A_300 : vector<1x16xf32> to vector<16xf32>
        %mul3A_302 = vector.broadcast %squeeze3A : f32 to vector<16xf32>
        %mul3A_303 = arith.mulf %get3A_301, %mul3A_302 : vector<16xf32>
        %swap3A_304 = arith.index_cast %scan3A_232 : i32 to index
        %swap3A_305 = arith.constant 96 : index
        %swap3A_306 = tpu.vector_load %arg10[%swap3A_304, %swap3A_305] {strides = array<i32>} : memref<64x128xf32, #tpu.memory_space<vmem>>, vector<1x16xf32>,
        %swap3A_307 = vector.shape_cast %swap3A_306 : vector<1x16xf32> to vector<16xf32>
        %swap3A_308 = vector.shape_cast %mul3A_303 : vector<16xf32> to vector<1x16xf32>
        tpu.vector_store %arg10[%swap3A_304, %swap3A_305], %swap3A_308 {strides = array<i32>} : memref<64x128xf32, #tpu.memory_space<vmem>>, vector<1x16xf32>,
        %get3A_309 = arith.index_cast %scan3A_232 : i32 to index
        %get3A_310 = arith.constant 112 : index
        %get3A_311 = tpu.vector_load %arg8[%get3A_309, %get3A_310] {strides = array<i32>} : memref<64x128xf32, #tpu.memory_space<vmem>>, vector<1x16xf32>,
        %get3A_312 = vector.shape_cast %get3A_311 : vector<1x16xf32> to vector<16xf32>
        %mul3A_313 = vector.broadcast %squeeze3A : f32 to vector<16xf32>
        %mul3A_314 = arith.mulf %get3A_312, %mul3A_313 : vector<16xf32>
        %swap3A_315 = arith.index_cast %scan3A_232 : i32 to index
        %swap3A_316 = arith.constant 112 : index
        %swap3A_317 = tpu.vector_load %arg10[%swap3A_315, %swap3A_316] {strides = array<i32>} : memref<64x128xf32, #tpu.memory_space<vmem>>, vector<1x16xf32>,
        %swap3A_318 = vector.shape_cast %swap3A_317 : vector<1x16xf32> to vector<16xf32>
        %swap3A_319 = vector.shape_cast %mul3A_314 : vector<16xf32> to vector<1x16xf32>
        tpu.vector_store %arg10[%swap3A_315, %swap3A_316], %swap3A_319 {strides = array<i32>} : memref<64x128xf32, #tpu.memory_space<vmem>>, vector<1x16xf32>,
      }
      %scan3A_231 = arith.constant 64 : i32
    } else {
    }
    %add3A_153 = arith.constant 3 : i32
    %add3A_154 = arith.addi %mul3A_4, %add3A_153 : i32
    %lt3A_155 = arith.constant 156 : i32
    %lt3A_156 = arith.cmpi slt, %add3A_154, %lt3A_155 : i32
    %convert_element_type3A_157 = arith.extui %lt3A_156 : i1 to i32
    %cond3A_158 = arith.constant 0 : i32
    %cond3A_159 = arith.cmpi ne, %convert_element_type3A_157, %cond3A_158 : i32
    scf.if %cond3A_159 {
      %add3A_227 = arith.constant 3 : i32
      %add3A_228 = arith.addi %mul3A_4, %add3A_227 : i32
      %mul3A_229 = arith.constant 64 : i32
      %mul3A_230 = arith.muli %add3A_228, %mul3A_229 : i32
      %dma_start3A = arith.constant 0 : i32
      %dma_start3A_231 = tpu.memref_slice %arg5[%mul3A_230, %dma_start3A] : memref<10000x128xf32, #tpu.memory_space<hbm>> -> memref<64x128xf32, #tpu.memory_space<hbm>>
      %dma_start3A_232 = arith.constant 0 : i32
      %dma_start3A_233 = tpu.memref_slice %arg5[%mul3A_230, %dma_start3A_232] : memref<10000x128xf32, #tpu.memory_space<hbm>> -> memref<64x128xf32, #tpu.memory_space<hbm>>
      tpu.enqueue_dma source(%arg10 : memref<64x128xf32, #tpu.memory_space<vmem>>) target(%dma_start3A_233 : memref<64x128xf32, #tpu.memory_space<hbm>>) target_semaphore(%arg14 : memref<!tpu.dma_semaphore, #tpu.memory_space<semaphore_mem>>)
    } else {
    }
    %eq3A_160 = arith.constant 156 : i32
    %eq3A_161 = arith.cmpi eq, %add3A_154, %eq3A_160 : i32
    %convert_element_type3A_162 = arith.extui %eq3A_161 : i1 to i32
    %cond3A_163 = arith.constant 0 : i32
    %cond3A_164 = arith.cmpi ne, %convert_element_type3A_162, %cond3A_163 : i32
    scf.if %cond3A_164 {
      %dma_start3A = arith.constant 0 : i32
      %dma_start3A_227 = arith.constant 0 : i32
      %dma_start3A_228 = tpu.memref_slice %arg10[%dma_start3A, %dma_start3A_227] : memref<64x128xf32, #tpu.memory_space<vmem>> -> memref<16x128xf32, #tpu.memory_space<vmem>>
      %dma_start3A_229 = arith.constant 9984 : i32
      %dma_start3A_230 = arith.constant 0 : i32
      %dma_start3A_231 = tpu.memref_slice %arg5[%dma_start3A_229, %dma_start3A_230] : memref<10000x128xf32, #tpu.memory_space<hbm>> -> memref<16x128xf32, #tpu.memory_space<hbm>>
      %dma_start3A_232 = arith.constant 9984 : i32
      %dma_start3A_233 = arith.constant 0 : i32
      %dma_start3A_234 = tpu.memref_slice %arg5[%dma_start3A_232, %dma_start3A_233] : memref<10000x128xf32, #tpu.memory_space<hbm>> -> memref<16x128xf32, #tpu.memory_space<hbm>>
      %dma_start3A_235 = arith.constant 0 : i32
      %dma_start3A_236 = arith.constant 0 : i32
      %dma_start3A_237 = tpu.memref_slice %arg10[%dma_start3A_235, %dma_start3A_236] : memref<64x128xf32, #tpu.memory_space<vmem>> -> memref<16x128xf32, #tpu.memory_space<vmem>>
      tpu.enqueue_dma source(%dma_start3A_237 : memref<16x128xf32, #tpu.memory_space<vmem>>) target(%dma_start3A_234 : memref<16x128xf32, #tpu.memory_space<hbm>>) target_semaphore(%arg14 : memref<!tpu.dma_semaphore, #tpu.memory_space<semaphore_mem>>)
    } else {
    }
    %add3A_165 = arith.constant 4 : i32
    %add3A_166 = arith.addi %mul3A_4, %add3A_165 : i32
    %lt3A_167 = arith.constant 157 : i32
    %lt3A_168 = arith.cmpi slt, %add3A_166, %lt3A_167 : i32
    %convert_element_type3A_169 = arith.extui %lt3A_168 : i1 to i32
    %cond3A_170 = arith.constant 0 : i32
    %cond3A_171 = arith.cmpi ne, %convert_element_type3A_169, %cond3A_170 : i32
    scf.if %cond3A_171 {
      %scan3A = arith.constant 0 : i32
      %scan3A_227 = arith.constant 0 : i32
      %scan3A_228 = arith.constant 32 : i32
      %scan3A_229 = arith.addi %scan3A_227, %scan3A_228 : i32
      %scan3A_230 = arith.constant 1 : i32
      scf.for %scan3A_232 = %scan3A_227 to %scan3A_229 step %scan3A_230  : i32 {
        %dma_wait3A = arith.constant 4 : i32
        %dma_wait3A_233 = arith.constant 0 : i32
        %dma_wait3A_234 = tpu.memref_slice %arg6[%dma_wait3A, %scan3A_232, %dma_wait3A_233] : memref<5x32x64xi32, #tpu.memory_space<vmem>> -> memref<1x1x64xi32, #tpu.memory_space<vmem>>
        %dma_wait3A_235 = tpu.memref_squeeze %dma_wait3A_234 : memref<1x1x64xi32, #tpu.memory_space<vmem>> -> memref<64xi32, #tpu.memory_space<vmem>>
        %dma_wait3A_236 = arith.constant 0 : i32
        %dma_wait3A_237 = arith.constant 0 : i32
        %dma_wait3A_238 = tpu.memref_slice %arg2[%dma_wait3A_236, %dma_wait3A_237] : memref<100000x128xf32, #tpu.memory_space<hbm>> -> memref<100000x128xf32, #tpu.memory_space<hbm>>
        tpu.wait_indirect_dma semaphore(%arg11 : memref<!tpu.dma_semaphore, #tpu.memory_space<semaphore_mem>>) src(%dma_wait3A_238 : memref<100000x128xf32, #tpu.memory_space<hbm>>) dst(%arg7 : memref<64x128xf32, #tpu.memory_space<vmem>>)
      }
      %scan3A_231 = arith.constant 32 : i32
    } else {
    }
    %add3A_172 = arith.constant 2 : i32
    %add3A_173 = arith.addi %mul3A_4, %add3A_172 : i32
    %lt3A_174 = arith.constant 156 : i32
    %lt3A_175 = arith.cmpi slt, %add3A_173, %lt3A_174 : i32
    %convert_element_type3A_176 = arith.extui %lt3A_175 : i1 to i32
    %cond3A_177 = arith.constant 0 : i32
    %cond3A_178 = arith.cmpi ne, %convert_element_type3A_176, %cond3A_177 : i32
    scf.if %cond3A_178 {
      %add3A_227 = arith.constant 2 : i32
      %add3A_228 = arith.addi %mul3A_4, %add3A_227 : i32
      %mul3A_229 = arith.constant 64 : i32
      %mul3A_230 = arith.muli %add3A_228, %mul3A_229 : i32
      %dma_wait3A = arith.constant 0 : i32
      %dma_wait3A_231 = tpu.memref_slice %arg5[%mul3A_230, %dma_wait3A] : memref<10000x128xf32, #tpu.memory_space<hbm>> -> memref<64x128xf32, #tpu.memory_space<hbm>>
      %dma_wait3A_232 = arith.constant 0 : i32
      %dma_wait3A_233 = tpu.memref_slice %arg5[%mul3A_230, %dma_wait3A_232] : memref<10000x128xf32, #tpu.memory_space<hbm>> -> memref<64x128xf32, #tpu.memory_space<hbm>>
      tpu.wait_dma2 semaphore(%arg13 : memref<!tpu.dma_semaphore, #tpu.memory_space<semaphore_mem>>) src(%arg9 : memref<64x128xf32, #tpu.memory_space<vmem>>) dst(%dma_wait3A_233 : memref<64x128xf32, #tpu.memory_space<hbm>>)
    } else {
    }
    %eq3A_179 = arith.constant 156 : i32
    %eq3A_180 = arith.cmpi eq, %add3A_173, %eq3A_179 : i32
    %convert_element_type3A_181 = arith.extui %eq3A_180 : i1 to i32
    %cond3A_182 = arith.constant 0 : i32
    %cond3A_183 = arith.cmpi ne, %convert_element_type3A_181, %cond3A_182 : i32
    scf.if %cond3A_183 {
      %dma_wait3A = arith.constant 0 : i32
      %dma_wait3A_227 = arith.constant 0 : i32
      %dma_wait3A_228 = tpu.memref_slice %arg9[%dma_wait3A, %dma_wait3A_227] : memref<64x128xf32, #tpu.memory_space<vmem>> -> memref<16x128xf32, #tpu.memory_space<vmem>>
      %dma_wait3A_229 = arith.constant 9984 : i32
      %dma_wait3A_230 = arith.constant 0 : i32
      %dma_wait3A_231 = tpu.memref_slice %arg5[%dma_wait3A_229, %dma_wait3A_230] : memref<10000x128xf32, #tpu.memory_space<hbm>> -> memref<16x128xf32, #tpu.memory_space<hbm>>
      %dma_wait3A_232 = arith.constant 9984 : i32
      %dma_wait3A_233 = arith.constant 0 : i32
      %dma_wait3A_234 = tpu.memref_slice %arg5[%dma_wait3A_232, %dma_wait3A_233] : memref<10000x128xf32, #tpu.memory_space<hbm>> -> memref<16x128xf32, #tpu.memory_space<hbm>>
      %dma_wait3A_235 = arith.constant 0 : i32
      %dma_wait3A_236 = arith.constant 0 : i32
      %dma_wait3A_237 = tpu.memref_slice %arg9[%dma_wait3A_235, %dma_wait3A_236] : memref<64x128xf32, #tpu.memory_space<vmem>> -> memref<16x128xf32, #tpu.memory_space<vmem>>
      tpu.wait_dma2 semaphore(%arg13 : memref<!tpu.dma_semaphore, #tpu.memory_space<semaphore_mem>>) src(%dma_wait3A_237 : memref<16x128xf32, #tpu.memory_space<vmem>>) dst(%dma_wait3A_234 : memref<16x128xf32, #tpu.memory_space<hbm>>)
    } else {
    }
    %add3A_184 = arith.constant 4 : i32
    %add3A_185 = arith.addi %mul3A_4, %add3A_184 : i32
    %lt3A_186 = arith.constant 157 : i32
    %lt3A_187 = arith.cmpi slt, %add3A_185, %lt3A_186 : i32
    %convert_element_type3A_188 = arith.extui %lt3A_187 : i1 to i32
    %cond3A_189 = arith.constant 0 : i32
    %cond3A_190 = arith.cmpi ne, %convert_element_type3A_188, %cond3A_189 : i32
    scf.if %cond3A_190 {
      %scan3A = arith.constant 0 : i32
      %scan3A_227 = arith.constant 0 : i32
      %scan3A_228 = arith.constant 64 : i32
      %scan3A_229 = arith.addi %scan3A_227, %scan3A_228 : i32
      %scan3A_230 = arith.constant 1 : i32
      scf.for %scan3A_232 = %scan3A_227 to %scan3A_229 step %scan3A_230  : i32 {
        %get3A_233 = arith.index_cast %scan3A_232 : i32 to index
        %get3A_234 = arith.constant 0 : index
        %get3A_235 = tpu.vector_load %arg7[%get3A_233, %get3A_234] {strides = array<i32>} : memref<64x128xf32, #tpu.memory_space<vmem>>, vector<1x16xf32>,
        %get3A_236 = vector.shape_cast %get3A_235 : vector<1x16xf32> to vector<16xf32>
        %mul3A_237 = vector.broadcast %squeeze3A : f32 to vector<16xf32>
        %mul3A_238 = arith.mulf %get3A_236, %mul3A_237 : vector<16xf32>
        %swap3A = arith.index_cast %scan3A_232 : i32 to index
        %swap3A_239 = arith.constant 0 : index
        %swap3A_240 = tpu.vector_load %arg9[%swap3A, %swap3A_239] {strides = array<i32>} : memref<64x128xf32, #tpu.memory_space<vmem>>, vector<1x16xf32>,
        %swap3A_241 = vector.shape_cast %swap3A_240 : vector<1x16xf32> to vector<16xf32>
        %swap3A_242 = vector.shape_cast %mul3A_238 : vector<16xf32> to vector<1x16xf32>
        tpu.vector_store %arg9[%swap3A, %swap3A_239], %swap3A_242 {strides = array<i32>} : memref<64x128xf32, #tpu.memory_space<vmem>>, vector<1x16xf32>,
        %get3A_243 = arith.index_cast %scan3A_232 : i32 to index
        %get3A_244 = arith.constant 16 : index
        %get3A_245 = tpu.vector_load %arg7[%get3A_243, %get3A_244] {strides = array<i32>} : memref<64x128xf32, #tpu.memory_space<vmem>>, vector<1x16xf32>,
        %get3A_246 = vector.shape_cast %get3A_245 : vector<1x16xf32> to vector<16xf32>
        %mul3A_247 = vector.broadcast %squeeze3A : f32 to vector<16xf32>
        %mul3A_248 = arith.mulf %get3A_246, %mul3A_247 : vector<16xf32>
        %swap3A_249 = arith.index_cast %scan3A_232 : i32 to index
        %swap3A_250 = arith.constant 16 : index
        %swap3A_251 = tpu.vector_load %arg9[%swap3A_249, %swap3A_250] {strides = array<i32>} : memref<64x128xf32, #tpu.memory_space<vmem>>, vector<1x16xf32>,
        %swap3A_252 = vector.shape_cast %swap3A_251 : vector<1x16xf32> to vector<16xf32>
        %swap3A_253 = vector.shape_cast %mul3A_248 : vector<16xf32> to vector<1x16xf32>
        tpu.vector_store %arg9[%swap3A_249, %swap3A_250], %swap3A_253 {strides = array<i32>} : memref<64x128xf32, #tpu.memory_space<vmem>>, vector<1x16xf32>,
        %get3A_254 = arith.index_cast %scan3A_232 : i32 to index
        %get3A_255 = arith.constant 32 : index
        %get3A_256 = tpu.vector_load %arg7[%get3A_254, %get3A_255] {strides = array<i32>} : memref<64x128xf32, #tpu.memory_space<vmem>>, vector<1x16xf32>,
        %get3A_257 = vector.shape_cast %get3A_256 : vector<1x16xf32> to vector<16xf32>
        %mul3A_258 = vector.broadcast %squeeze3A : f32 to vector<16xf32>
        %mul3A_259 = arith.mulf %get3A_257, %mul3A_258 : vector<16xf32>
        %swap3A_260 = arith.index_cast %scan3A_232 : i32 to index
        %swap3A_261 = arith.constant 32 : index
        %swap3A_262 = tpu.vector_load %arg9[%swap3A_260, %swap3A_261] {strides = array<i32>} : memref<64x128xf32, #tpu.memory_space<vmem>>, vector<1x16xf32>,
        %swap3A_263 = vector.shape_cast %swap3A_262 : vector<1x16xf32> to vector<16xf32>
        %swap3A_264 = vector.shape_cast %mul3A_259 : vector<16xf32> to vector<1x16xf32>
        tpu.vector_store %arg9[%swap3A_260, %swap3A_261], %swap3A_264 {strides = array<i32>} : memref<64x128xf32, #tpu.memory_space<vmem>>, vector<1x16xf32>,
        %get3A_265 = arith.index_cast %scan3A_232 : i32 to index
        %get3A_266 = arith.constant 48 : index
        %get3A_267 = tpu.vector_load %arg7[%get3A_265, %get3A_266] {strides = array<i32>} : memref<64x128xf32, #tpu.memory_space<vmem>>, vector<1x16xf32>,
        %get3A_268 = vector.shape_cast %get3A_267 : vector<1x16xf32> to vector<16xf32>
        %mul3A_269 = vector.broadcast %squeeze3A : f32 to vector<16xf32>
        %mul3A_270 = arith.mulf %get3A_268, %mul3A_269 : vector<16xf32>
        %swap3A_271 = arith.index_cast %scan3A_232 : i32 to index
        %swap3A_272 = arith.constant 48 : index
        %swap3A_273 = tpu.vector_load %arg9[%swap3A_271, %swap3A_272] {strides = array<i32>} : memref<64x128xf32, #tpu.memory_space<vmem>>, vector<1x16xf32>,
        %swap3A_274 = vector.shape_cast %swap3A_273 : vector<1x16xf32> to vector<16xf32>
        %swap3A_275 = vector.shape_cast %mul3A_270 : vector<16xf32> to vector<1x16xf32>
        tpu.vector_store %arg9[%swap3A_271, %swap3A_272], %swap3A_275 {strides = array<i32>} : memref<64x128xf32, #tpu.memory_space<vmem>>, vector<1x16xf32>,
        %get3A_276 = arith.index_cast %scan3A_232 : i32 to index
        %get3A_277 = arith.constant 64 : index
        %get3A_278 = tpu.vector_load %arg7[%get3A_276, %get3A_277] {strides = array<i32>} : memref<64x128xf32, #tpu.memory_space<vmem>>, vector<1x16xf32>,
        %get3A_279 = vector.shape_cast %get3A_278 : vector<1x16xf32> to vector<16xf32>
        %mul3A_280 = vector.broadcast %squeeze3A : f32 to vector<16xf32>
        %mul3A_281 = arith.mulf %get3A_279, %mul3A_280 : vector<16xf32>
        %swap3A_282 = arith.index_cast %scan3A_232 : i32 to index
        %swap3A_283 = arith.constant 64 : index
        %swap3A_284 = tpu.vector_load %arg9[%swap3A_282, %swap3A_283] {strides = array<i32>} : memref<64x128xf32, #tpu.memory_space<vmem>>, vector<1x16xf32>,
        %swap3A_285 = vector.shape_cast %swap3A_284 : vector<1x16xf32> to vector<16xf32>
        %swap3A_286 = vector.shape_cast %mul3A_281 : vector<16xf32> to vector<1x16xf32>
        tpu.vector_store %arg9[%swap3A_282, %swap3A_283], %swap3A_286 {strides = array<i32>} : memref<64x128xf32, #tpu.memory_space<vmem>>, vector<1x16xf32>,
        %get3A_287 = arith.index_cast %scan3A_232 : i32 to index
        %get3A_288 = arith.constant 80 : index
        %get3A_289 = tpu.vector_load %arg7[%get3A_287, %get3A_288] {strides = array<i32>} : memref<64x128xf32, #tpu.memory_space<vmem>>, vector<1x16xf32>,
        %get3A_290 = vector.shape_cast %get3A_289 : vector<1x16xf32> to vector<16xf32>
        %mul3A_291 = vector.broadcast %squeeze3A : f32 to vector<16xf32>
        %mul3A_292 = arith.mulf %get3A_290, %mul3A_291 : vector<16xf32>
        %swap3A_293 = arith.index_cast %scan3A_232 : i32 to index
        %swap3A_294 = arith.constant 80 : index
        %swap3A_295 = tpu.vector_load %arg9[%swap3A_293, %swap3A_294] {strides = array<i32>} : memref<64x128xf32, #tpu.memory_space<vmem>>, vector<1x16xf32>,
        %swap3A_296 = vector.shape_cast %swap3A_295 : vector<1x16xf32> to vector<16xf32>
        %swap3A_297 = vector.shape_cast %mul3A_292 : vector<16xf32> to vector<1x16xf32>
        tpu.vector_store %arg9[%swap3A_293, %swap3A_294], %swap3A_297 {strides = array<i32>} : memref<64x128xf32, #tpu.memory_space<vmem>>, vector<1x16xf32>,
        %get3A_298 = arith.index_cast %scan3A_232 : i32 to index
        %get3A_299 = arith.constant 96 : index
        %get3A_300 = tpu.vector_load %arg7[%get3A_298, %get3A_299] {strides = array<i32>} : memref<64x128xf32, #tpu.memory_space<vmem>>, vector<1x16xf32>,
        %get3A_301 = vector.shape_cast %get3A_300 : vector<1x16xf32> to vector<16xf32>
        %mul3A_302 = vector.broadcast %squeeze3A : f32 to vector<16xf32>
        %mul3A_303 = arith.mulf %get3A_301, %mul3A_302 : vector<16xf32>
        %swap3A_304 = arith.index_cast %scan3A_232 : i32 to index
        %swap3A_305 = arith.constant 96 : index
        %swap3A_306 = tpu.vector_load %arg9[%swap3A_304, %swap3A_305] {strides = array<i32>} : memref<64x128xf32, #tpu.memory_space<vmem>>, vector<1x16xf32>,
        %swap3A_307 = vector.shape_cast %swap3A_306 : vector<1x16xf32> to vector<16xf32>
        %swap3A_308 = vector.shape_cast %mul3A_303 : vector<16xf32> to vector<1x16xf32>
        tpu.vector_store %arg9[%swap3A_304, %swap3A_305], %swap3A_308 {strides = array<i32>} : memref<64x128xf32, #tpu.memory_space<vmem>>, vector<1x16xf32>,
        %get3A_309 = arith.index_cast %scan3A_232 : i32 to index
        %get3A_310 = arith.constant 112 : index
        %get3A_311 = tpu.vector_load %arg7[%get3A_309, %get3A_310] {strides = array<i32>} : memref<64x128xf32, #tpu.memory_space<vmem>>, vector<1x16xf32>,
        %get3A_312 = vector.shape_cast %get3A_311 : vector<1x16xf32> to vector<16xf32>
        %mul3A_313 = vector.broadcast %squeeze3A : f32 to vector<16xf32>
        %mul3A_314 = arith.mulf %get3A_312, %mul3A_313 : vector<16xf32>
        %swap3A_315 = arith.index_cast %scan3A_232 : i32 to index
        %swap3A_316 = arith.constant 112 : index
        %swap3A_317 = tpu.vector_load %arg9[%swap3A_315, %swap3A_316] {strides = array<i32>} : memref<64x128xf32, #tpu.memory_space<vmem>>, vector<1x16xf32>,
        %swap3A_318 = vector.shape_cast %swap3A_317 : vector<1x16xf32> to vector<16xf32>
        %swap3A_319 = vector.shape_cast %mul3A_314 : vector<16xf32> to vector<1x16xf32>
        tpu.vector_store %arg9[%swap3A_315, %swap3A_316], %swap3A_319 {strides = array<i32>} : memref<64x128xf32, #tpu.memory_space<vmem>>, vector<1x16xf32>,
      }
      %scan3A_231 = arith.constant 64 : i32
    } else {
    }
    %add3A_191 = arith.constant 4 : i32
    %add3A_192 = arith.addi %mul3A_4, %add3A_191 : i32
    %lt3A_193 = arith.constant 156 : i32
    %lt3A_194 = arith.cmpi slt, %add3A_192, %lt3A_193 : i32
    %convert_element_type3A_195 = arith.extui %lt3A_194 : i1 to i32
    %cond3A_196 = arith.constant 0 : i32
    %cond3A_197 = arith.cmpi ne, %convert_element_type3A_195, %cond3A_196 : i32
    scf.if %cond3A_197 {
      %add3A_227 = arith.constant 4 : i32
      %add3A_228 = arith.addi %mul3A_4, %add3A_227 : i32
      %mul3A_229 = arith.constant 64 : i32
      %mul3A_230 = arith.muli %add3A_228, %mul3A_229 : i32
      %dma_start3A = arith.constant 0 : i32
      %dma_start3A_231 = tpu.memref_slice %arg5[%mul3A_230, %dma_start3A] : memref<10000x128xf32, #tpu.memory_space<hbm>> -> memref<64x128xf32, #tpu.memory_space<hbm>>
      %dma_start3A_232 = arith.constant 0 : i32
      %dma_start3A_233 = tpu.memref_slice %arg5[%mul3A_230, %dma_start3A_232] : memref<10000x128xf32, #tpu.memory_space<hbm>> -> memref<64x128xf32, #tpu.memory_space<hbm>>
      tpu.enqueue_dma source(%arg9 : memref<64x128xf32, #tpu.memory_space<vmem>>) target(%dma_start3A_233 : memref<64x128xf32, #tpu.memory_space<hbm>>) target_semaphore(%arg13 : memref<!tpu.dma_semaphore, #tpu.memory_space<semaphore_mem>>)
    } else {
    }
    %eq3A_198 = arith.constant 156 : i32
    %eq3A_199 = arith.cmpi eq, %add3A_192, %eq3A_198 : i32
    %convert_element_type3A_200 = arith.extui %eq3A_199 : i1 to i32
    %cond3A_201 = arith.constant 0 : i32
    %cond3A_202 = arith.cmpi ne, %convert_element_type3A_200, %cond3A_201 : i32
    scf.if %cond3A_202 {
      %dma_start3A = arith.constant 0 : i32
      %dma_start3A_227 = arith.constant 0 : i32
      %dma_start3A_228 = tpu.memref_slice %arg9[%dma_start3A, %dma_start3A_227] : memref<64x128xf32, #tpu.memory_space<vmem>> -> memref<16x128xf32, #tpu.memory_space<vmem>>
      %dma_start3A_229 = arith.constant 9984 : i32
      %dma_start3A_230 = arith.constant 0 : i32
      %dma_start3A_231 = tpu.memref_slice %arg5[%dma_start3A_229, %dma_start3A_230] : memref<10000x128xf32, #tpu.memory_space<hbm>> -> memref<16x128xf32, #tpu.memory_space<hbm>>
      %dma_start3A_232 = arith.constant 9984 : i32
      %dma_start3A_233 = arith.constant 0 : i32
      %dma_start3A_234 = tpu.memref_slice %arg5[%dma_start3A_232, %dma_start3A_233] : memref<10000x128xf32, #tpu.memory_space<hbm>> -> memref<16x128xf32, #tpu.memory_space<hbm>>
      %dma_start3A_235 = arith.constant 0 : i32
      %dma_start3A_236 = arith.constant 0 : i32
      %dma_start3A_237 = tpu.memref_slice %arg9[%dma_start3A_235, %dma_start3A_236] : memref<64x128xf32, #tpu.memory_space<vmem>> -> memref<16x128xf32, #tpu.memory_space<vmem>>
      tpu.enqueue_dma source(%dma_start3A_237 : memref<16x128xf32, #tpu.memory_space<vmem>>) target(%dma_start3A_234 : memref<16x128xf32, #tpu.memory_space<hbm>>) target_semaphore(%arg13 : memref<!tpu.dma_semaphore, #tpu.memory_space<semaphore_mem>>)
    } else {
    }
    %add3A_203 = arith.constant 3 : i32
    %add3A_204 = arith.addi %mul3A_4, %add3A_203 : i32
    %lt3A_205 = arith.constant 156 : i32
    %lt3A_206 = arith.cmpi slt, %add3A_204, %lt3A_205 : i32
    %convert_element_type3A_207 = arith.extui %lt3A_206 : i1 to i32
    %cond3A_208 = arith.constant 0 : i32
    %cond3A_209 = arith.cmpi ne, %convert_element_type3A_207, %cond3A_208 : i32
    scf.if %cond3A_209 {
      %add3A_227 = arith.constant 3 : i32
      %add3A_228 = arith.addi %mul3A_4, %add3A_227 : i32
      %mul3A_229 = arith.constant 64 : i32
      %mul3A_230 = arith.muli %add3A_228, %mul3A_229 : i32
      %dma_wait3A = arith.constant 0 : i32
      %dma_wait3A_231 = tpu.memref_slice %arg5[%mul3A_230, %dma_wait3A] : memref<10000x128xf32, #tpu.memory_space<hbm>> -> memref<64x128xf32, #tpu.memory_space<hbm>>
      %dma_wait3A_232 = arith.constant 0 : i32
      %dma_wait3A_233 = tpu.memref_slice %arg5[%mul3A_230, %dma_wait3A_232] : memref<10000x128xf32, #tpu.memory_space<hbm>> -> memref<64x128xf32, #tpu.memory_space<hbm>>
      tpu.wait_dma2 semaphore(%arg14 : memref<!tpu.dma_semaphore, #tpu.memory_space<semaphore_mem>>) src(%arg10 : memref<64x128xf32, #tpu.memory_space<vmem>>) dst(%dma_wait3A_233 : memref<64x128xf32, #tpu.memory_space<hbm>>)
    } else {
    }
    %eq3A_210 = arith.constant 156 : i32
    %eq3A_211 = arith.cmpi eq, %add3A_204, %eq3A_210 : i32
    %convert_element_type3A_212 = arith.extui %eq3A_211 : i1 to i32
    %cond3A_213 = arith.constant 0 : i32
    %cond3A_214 = arith.cmpi ne, %convert_element_type3A_212, %cond3A_213 : i32
    scf.if %cond3A_214 {
      %dma_wait3A = arith.constant 0 : i32
      %dma_wait3A_227 = arith.constant 0 : i32
      %dma_wait3A_228 = tpu.memref_slice %arg10[%dma_wait3A, %dma_wait3A_227] : memref<64x128xf32, #tpu.memory_space<vmem>> -> memref<16x128xf32, #tpu.memory_space<vmem>>
      %dma_wait3A_229 = arith.constant 9984 : i32
      %dma_wait3A_230 = arith.constant 0 : i32
      %dma_wait3A_231 = tpu.memref_slice %arg5[%dma_wait3A_229, %dma_wait3A_230] : memref<10000x128xf32, #tpu.memory_space<hbm>> -> memref<16x128xf32, #tpu.memory_space<hbm>>
      %dma_wait3A_232 = arith.constant 9984 : i32
      %dma_wait3A_233 = arith.constant 0 : i32
      %dma_wait3A_234 = tpu.memref_slice %arg5[%dma_wait3A_232, %dma_wait3A_233] : memref<10000x128xf32, #tpu.memory_space<hbm>> -> memref<16x128xf32, #tpu.memory_space<hbm>>
      %dma_wait3A_235 = arith.constant 0 : i32
      %dma_wait3A_236 = arith.constant 0 : i32
      %dma_wait3A_237 = tpu.memref_slice %arg10[%dma_wait3A_235, %dma_wait3A_236] : memref<64x128xf32, #tpu.memory_space<vmem>> -> memref<16x128xf32, #tpu.memory_space<vmem>>
      tpu.wait_dma2 semaphore(%arg14 : memref<!tpu.dma_semaphore, #tpu.memory_space<semaphore_mem>>) src(%dma_wait3A_237 : memref<16x128xf32, #tpu.memory_space<vmem>>) dst(%dma_wait3A_234 : memref<16x128xf32, #tpu.memory_space<hbm>>)
    } else {
    }
    %add3A_215 = arith.constant 4 : i32
    %add3A_216 = arith.addi %mul3A_4, %add3A_215 : i32
    %lt3A_217 = arith.constant 156 : i32
    %lt3A_218 = arith.cmpi slt, %add3A_216, %lt3A_217 : i32
    %convert_element_type3A_219 = arith.extui %lt3A_218 : i1 to i32
    %cond3A_220 = arith.constant 0 : i32
    %cond3A_221 = arith.cmpi ne, %convert_element_type3A_219, %cond3A_220 : i32
    scf.if %cond3A_221 {
      %add3A_227 = arith.constant 4 : i32
      %add3A_228 = arith.addi %mul3A_4, %add3A_227 : i32
      %mul3A_229 = arith.constant 64 : i32
      %mul3A_230 = arith.muli %add3A_228, %mul3A_229 : i32
      %dma_wait3A = arith.constant 0 : i32
      %dma_wait3A_231 = tpu.memref_slice %arg5[%mul3A_230, %dma_wait3A] : memref<10000x128xf32, #tpu.memory_space<hbm>> -> memref<64x128xf32, #tpu.memory_space<hbm>>
      %dma_wait3A_232 = arith.constant 0 : i32
      %dma_wait3A_233 = tpu.memref_slice %arg5[%mul3A_230, %dma_wait3A_232] : memref<10000x128xf32, #tpu.memory_space<hbm>> -> memref<64x128xf32, #tpu.memory_space<hbm>>
      tpu.wait_dma2 semaphore(%arg13 : memref<!tpu.dma_semaphore, #tpu.memory_space<semaphore_mem>>) src(%arg9 : memref<64x128xf32, #tpu.memory_space<vmem>>) dst(%dma_wait3A_233 : memref<64x128xf32, #tpu.memory_space<hbm>>)
    } else {
    }
    %eq3A_222 = arith.constant 156 : i32
    %eq3A_223 = arith.cmpi eq, %add3A_216, %eq3A_222 : i32
    %convert_element_type3A_224 = arith.extui %eq3A_223 : i1 to i32
    %cond3A_225 = arith.constant 0 : i32
    %cond3A_226 = arith.cmpi ne, %convert_element_type3A_224, %cond3A_225 : i32
    scf.if %cond3A_226 {
      %dma_wait3A = arith.constant 0 : i32
      %dma_wait3A_227 = arith.constant 0 : i32
      %dma_wait3A_228 = tpu.memref_slice %arg9[%dma_wait3A, %dma_wait3A_227] : memref<64x128xf32, #tpu.memory_space<vmem>> -> memref<16x128xf32, #tpu.memory_space<vmem>>
      %dma_wait3A_229 = arith.constant 9984 : i32
      %dma_wait3A_230 = arith.constant 0 : i32
      %dma_wait3A_231 = tpu.memref_slice %arg5[%dma_wait3A_229, %dma_wait3A_230] : memref<10000x128xf32, #tpu.memory_space<hbm>> -> memref<16x128xf32, #tpu.memory_space<hbm>>
      %dma_wait3A_232 = arith.constant 9984 : i32
      %dma_wait3A_233 = arith.constant 0 : i32
      %dma_wait3A_234 = tpu.memref_slice %arg5[%dma_wait3A_232, %dma_wait3A_233] : memref<10000x128xf32, #tpu.memory_space<hbm>> -> memref<16x128xf32, #tpu.memory_space<hbm>>
      %dma_wait3A_235 = arith.constant 0 : i32
      %dma_wait3A_236 = arith.constant 0 : i32
      %dma_wait3A_237 = tpu.memref_slice %arg9[%dma_wait3A_235, %dma_wait3A_236] : memref<64x128xf32, #tpu.memory_space<vmem>> -> memref<16x128xf32, #tpu.memory_space<vmem>>
      tpu.wait_dma2 semaphore(%arg13 : memref<!tpu.dma_semaphore, #tpu.memory_space<semaphore_mem>>) src(%dma_wait3A_237 : memref<16x128xf32, #tpu.memory_space<vmem>>) dst(%dma_wait3A_234 : memref<16x128xf32, #tpu.memory_space<hbm>>)
    } else {
    }
    return
  }
}

</mosaic_0001>

<sc_bundles>
// kernel: kernel.3.cloned.1.call-start
scs
__scs_entry_jumppad:
0x0: {  	(pc) =	sbr.rel $0x88, $3  }
0x1: {  	(tag) =	ssettag $0x0;
	lr =	simm.s32 $0x1  }
0x2: {  	[smem:$0x3F9F] =	sst lr;
	_ =	strace $0xD0000000  }
0x3: {  	_ = 	snop  }
0x4: {  	_ = 	snop  }
0x5: {  	_ = 	snop  }
0x6: {  	_ = 	snop  }
0x7: {  	_ = 	snop  }
__scs_overlays_trampoline_lowered:
0x8: {  	[smem:$0x3FAE] =	sst s0  }
0x9: {  	[smem:$0x3FAF] =	sst s1  }
0xa: {  	[smem:$0x3FB0] =	sst s2  }
0xb: {  	[smem:$0x3FB1] =	sst s3  }
0xc: {  	[smem:$0x3FB2] =	sst s4  }
0xd: {  	[smem:$0x3FB3] =	sst s5  }
0xe: {  	[smem:$0x3FB4] =	sst s6  }
0xf: {  	[smem:$0x3FB5] =	sst s7  }
0x10: {  	[smem:$0x3FB6] =	sst s8  }
0x11: {  	[smem:$0x3FB7] =	sst s9;
	s0 =	simm.s32 @!p0 $0x0  }
0x12: {  	s1 =	sld [smem:$0x3F9D];
	s0 =	simm.s32 @p0 $0x1  }
0x13: {  	[smem:$0x3FB8] =	sst s0;
	s0 =	simm.s32 @!p1 $0x0  }
0x14: {  	s2 =	sld [smem:$0x3F9C];
	s0 =	simm.s32 @p1 $0x1  }
0x15: {  	[smem:$0x3FB9] =	sst s0;
	s0 =	simm.s32 @!p2 $0x0  }
0x16: {  	s3 =	sld [smem:$0x3FDB];
	s0 =	simm.s32 @p2 $0x1  }
0x17: {  	s4 =	simm.s32 $0x1BF5;
	[smem:$0x3FBB] =	sst s0  }
0x18: {  	s0 =	sld [smem:$0x3F9E];
	_ =	swait.ge [sflag:s4], $0x0  }
0x19: {  	s7 =	sld [smem:$0x3F9F]  }
0x1a: {  	s8 =	sadd.s32 $0xFFFFE003, lr  }
0x1b: {  	s9 =	sadd.s32 $0xFFFFFEF7, lr;
	s5 =	simm.s32 $0xFFFFFFFF;
	p2 =	slt.u32 s8, $0xFFFFF086  }
0x1c: {  	p1 =	slt.u32 s9, $0xF7A;
	s5 =	simm.s32 @!p2 $0x0  }
0x1d: {  	s5 =	simm.s32 @p1 $0x1;
	p0 =	seq.s32 s7, s2  }
0x1e: {  	s7 =	smul.u32 @!p0 $0xF7A, s2;
	p2 =	seq.s32 @!p0 s5, $0x0  }
0x1f: {  	s9 =	smul.u32 $0xF7A, s1;
	s8 =	simm.s32 @!p0 $0x1BF5;
	p2 =	por !p2, p0  }
0x20: {  	[sflag:s8] =	ssyncset.s32 @!p0 $0xFFFFF086;
	s6 =	sadd.s32 @!p0 s3, s7;
	s7 =	simm.s32 @!p0 $0x108  }
0x21: {  	s3 =	sadd.s32 s3, s9;
	s6 =	sadd.s32 @!p0 $0x88, s6;
	s7 =	simm.s32 @p2 $0x1082  }
0x22: {  	[simem:s7], [sflag:s8] =	dma.local @!p0 [hbm:s6], $0xF7A  }
0x23: {  	s9 =	sor.u32 $0xD0000000, s2;
	s6 =	simm.s32 $0x108;
	_ =	swait.ge @!p0 [sflag:s8], $0x0  }
0x24: {  	s3 =	sadd.s32 $0x88, s3;
	s6 =	simm.s32 @!p1 $0x1082;
	[sflag:s4] =	ssyncset.s32 $0xFFFFF086  }
0x25: {  	[simem:s6], [sflag:s4] =	dma.local [hbm:s3], $0xF7A  }
0x26: {  	[smem:$0x3F9F] =	sst s1;
	(tag) =	ssettag s2;
	_ =	strace s9  }
0x27: {  	s1 =	sld [smem:$0x3FAF]  }
0x28: {  	s2 =	sld [smem:$0x3FB0]  }
0x29: {  	s4 =	sld [smem:$0x3FB2]  }
0x2a: {  	p0 =	seq.s32 s5, $0x0;
	s5 =	sld [smem:$0x3FB3]  }
0x2b: {  	s6 =	sld [smem:$0x3FB4]  }
0x2c: {  	s7 =	sld [smem:$0x3FB5]  }
0x2d: {  	s3 =	simm.s32 $0x108;
	s8 =	sld [smem:$0x3FB6]  }
0x2e: {  	s3 =	simm.s32 @!p0 $0x1082;
	s9 =	sld [smem:$0x3FB7]  }
0x2f: {  	lr =	sadd.s32 s0, s3;
	s0 =	sld [smem:$0x3FAE]  }
0x30: {  	s3 =	sld [smem:$0x3FB1]  }
0x31: {  	[smem:$0x3FBA] =	sst s10  }
0x32: {  	s10 =	sld [smem:$0x3FB8];
	_ =	sdelay $0x3  }
0x33: {  	p0 =	seq.s32 s10, $0x1;
	s10 =	sld [smem:$0x3FBA];
	_ =	sdelay $0x3  }
0x34: {  	[smem:$0x3FBA] =	sst s10  }
0x35: {  	s10 =	sld [smem:$0x3FB9];
	_ =	sdelay $0x3  }
0x36: {  	p1 =	seq.s32 s10, $0x1;
	s10 =	sld [smem:$0x3FBA];
	_ =	sdelay $0x3  }
0x37: {  	[smem:$0x3FBA] =	sst s10  }
0x38: {  	s10 =	sld [smem:$0x3FBB]  }
0x39: {  	_ = 	snop;
	(pc) =	sbr.ind lr, $3  }
0x3a: {  	_ = 	snop  }
0x3b: {  	_ = 	snop  }
0x3c: {  	p2 =	seq.s32 s10, $0x1;
	s10 =	sld [smem:$0x3FBA]  }
0x3d: {  	_ =	shalt  }
0x3e: {  	_ =	shalt  }
0x3f: {  	_ =	shalt  }
0x40: {  	_ =	shalt  }
0x41: {  	_ =	shalt  }
0x42: {  	_ =	shalt  }
0x43: {  	_ =	shalt  }
0x44: {  	_ =	shalt  }
0x45: {  	_ =	shalt  }
0x46: {  	_ =	shalt  }
0x47: {  	_ =	shalt  }
0x48: {  	_ =	shalt  }
0x49: {  	_ =	shalt  }
0x4a: {  	_ =	shalt  }
0x4b: {  	_ =	shalt  }
0x4c: {  	_ =	shalt  }
0x4d: {  	_ =	shalt  }
0x4e: {  	_ =	shalt  }
0x4f: {  	_ =	shalt  }
0x50: {  	_ =	shalt  }
0x51: {  	_ =	shalt  }
0x52: {  	_ =	shalt  }
0x53: {  	_ =	shalt  }
0x54: {  	_ =	shalt  }
0x55: {  	_ =	shalt  }
0x56: {  	_ =	shalt  }
0x57: {  	_ =	shalt  }
0x58: {  	_ =	shalt  }
0x59: {  	_ =	shalt  }
0x5a: {  	_ =	shalt  }
0x5b: {  	_ =	shalt  }
0x5c: {  	_ =	shalt  }
0x5d: {  	_ =	shalt  }
0x5e: {  	_ =	shalt  }
0x5f: {  	_ =	shalt  }
0x60: {  	_ =	shalt  }
0x61: {  	_ =	shalt  }
0x62: {  	_ =	shalt  }
0x63: {  	_ =	shalt  }
0x64: {  	_ =	shalt  }
0x65: {  	_ =	shalt  }
0x66: {  	_ =	shalt  }
0x67: {  	_ =	shalt  }
0x68: {  	_ =	shalt  }
0x69: {  	_ =	shalt  }
0x6a: {  	_ =	shalt  }
0x6b: {  	_ =	shalt  }
0x6c: {  	_ =	shalt  }
0x6d: {  	_ =	shalt  }
0x6e: {  	_ =	shalt  }
0x6f: {  	_ =	shalt  }
0x70: {  	_ =	shalt  }
0x71: {  	_ =	shalt  }
0x72: {  	_ =	shalt  }
0x73: {  	_ =	shalt  }
0x74: {  	_ =	shalt  }
0x75: {  	_ =	shalt  }
0x76: {  	_ =	shalt  }
0x77: {  	_ =	shalt  }
0x78: {  	_ =	shalt  }
0x79: {  	_ =	shalt  }
0x7a: {  	_ =	shalt  }
0x7b: {  	_ =	shalt  }
0x7c: {  	_ =	shalt  }
0x7d: {  	_ =	shalt  }
0x7e: {  	_ =	shalt  }
0x7f: {  	_ =	shalt  }
0x80: {  	_ =	shalt  }
0x81: {  	_ =	shalt  }
0x82: {  	_ =	shalt  }
0x83: {  	_ =	shalt  }
0x84: {  	_ =	shalt  }
0x85: {  	_ =	shalt  }
0x86: {  	_ =	shalt  }
0x87: {  	_ =	shalt  }
.Lfunc_end0:
.L_simem_size_0:
called_computation_lowered:
.L_overlay_start_0:
0x88: {  	s2 =	sld [smem:$0x3FD9]  }
0x89: {  	s3 =	sld [smem:$0x3FFE];
	_ =	sdelay $0x1  }
0x8a: {  	s1 =	srdreg.scid  }
0x8b: {  	s0 =	sand.u32 $0x1, s1  }
0x8c: {  	s17 =	sshll.u32 s0, $0xA;
	s2 =	sadd.s32 s3, s2  }
0x8d: {  	s2 =	sadd.s32 s2, s17  }
0x8e: {  	[smem:$0x3FC6] =	sst s2  }
0x8f: {  	_ = 	snop  }
0x90: {  	s2 =	sld [smem:$0x3FC9]  }
0x91: {  	s18 =	sld [smem:$0x3FD0];
	(tm) =	ssettm $0x1  }
0x92: {  	s4 =	sld [smem:$0x3FFB];
	_ =	sdelay $0x3  }
0x93: {  	_ =	strace s4  }
0x94: {  	s4 =	sld [smem:$0x3FFC];
	_ =	sdelay $0x3  }
0x95: {  	_ =	strace s4  }
0x96: {  	s4 =	sld [smem:$0x3FFD];
	_ =	sdelay $0x3  }
0x97: {  	_ =	strace s4  }
0x98: {  	_ =	strace $0x8FFFFFFF  }
0x99: {  	s19 =	sld [smem:$0x3FDB];
	_ =	sdelay $0x1  }
0x9a: {  	s5 =	simm.s32 $_scs_section_size  }
0x9b: {  	s6 =	simm.s32 $_size__tile_overlayer_lowered;
	s7 =	simm.s32 $_tile_overlayer_lowered  }
0x9c: {  	s22 =	simm.s32 $0x1BFF;
	s21 =	sshll.u32 s7, $0x1;
	s4 =	sadd.s32 s5, s19  }
0x9d: {  	s8 =	simm.s32 $0x0;
	s20 =	sshll.u32 s6, $0x1;
	s6 =	sadd.s32 s21, s4  }
0x9e: {  	[timem:s8], [sflag:s22] =	dma.local [hbm:s6], s20  }
0x9f: {  	_ =	swait.ge [sflag:s22], s20  }
0xa0: {  	s5 =	ssub.s32 $0x0, s20;
	[sflag:s22] =	ssyncset.done $0x0  }
0xa1: {  	[sflag:s22] =	ssyncadd.s32 s5;
	_ =	sdelay $0x1  }
0xa2: {  	s23 =	simm.s32 $0x1B8B  }
0xa3: {  	_ =	swait.ge [sflag:s23], $0x1  }
0xa4: {  	[sflag:s23] =	ssyncset.done $0x0  }
0xa5: {  	s25 =	simm.s32 $0x1B8E;
	s24 =	sld [smem:$0x3FFE];
	[sflag:s23] =	ssyncadd.s32 $0xFFFFFFFF  }
0xa6: {  	s26 =	simm.s32 $execute0_lowered;
	[smem:$0x3FD2] =	sst s25  }
0xa7: {  	s6 =	sshll.u32 s26, $0x1;
	_ =	strace $0x80000046;
	[dreg:$0x1] =	wrdreg $0xFFFFFFFF  }
0xa8: {  	s28 =	simm.s32 $_size_execute0_lowered;
	s4 =	sadd.s32 s4, s6;
	[dreg:$0x0] =	wrdreg $0x0  }
0xa9: {  	s6 =	sshll.u32 s28, $0x1;
	[dreg:$0x2] =	wrdreg s4  }
0xaa: {  	[dreg:$0x3] =	wrdreg s6  }
0xab: {  	[dreg:$0x4] =	wrdreg $0xC0  }
0xac: {  	_ =	task [dreg:s8], $0x5FFFF  }
0xad: {  	[dreg:$0x1] =	wrdreg $0xFFFFFFFF  }
0xae: {  	[dreg:$0x0] =	wrdreg $0x60  }
0xaf: {  	[dreg:$0x2] =	wrdreg s2  }
0xb0: {  	[dreg:$0x3] =	wrdreg s24  }
0xb1: {  	[dreg:$0x4] =	wrdreg s18  }
0xb2: {  	[dreg:$0x5] =	wrdreg $0x9  }
0xb3: {  	_ =	task.clear_ibuf [dreg:s8], $0x6FFFF;
	_ =	strace $0x90000046  }
0xb4: {  	s29 =	simm.s32 $0x9;
	_ =	strace $0x80000048  }
0xb5: {  	_ =	swait.ge [sflag:s29], $0x1  }
0xb6: {  	[sflag:s29] =	ssyncadd.s32 $0xFFFFFFFF  }
0xb7: {  	_ =	strace $0x90000048  }
0xb8: {  	_ =	sfence  }
0xb9: {  	s30 =	sld [smem:$0x0];
	_ =	sdelay $0x2  }
0xba: {  	s31 =	sshll.u32 s1, $0xD;
	s1 =	sshrl.u32 s1, $0x2  }
0xbb: {  	s3 =	sand.u32 $0x4000, s31;
	s1 =	sadd.s32 s1, s30  }
0xbc: {  	s0 =	sor.u32 s3, s0;
	s1 =	sshll.u32 s1, $0x11  }
0xbd: {  	s0 =	sor.u32 s1, s0  }
0xbe: {  	s0 =	sadd.s32 $0x8F2B, s0  }
0xbf: {  	[sflag:s0] =	ssyncadd.remote.s32 $0x1  }
0xc0: {  	_ =	sfence.sel $0xFFFF  }
0xc1: {  	[dreg:$0x0] =	wrdreg $0xFFFFFFFF;
	(pc) =	sbr.abs _section_cstart, $3  }
0xc2: {  	[dreg:$0x1] =	wrdreg $0xFFFFFFFF  }
0xc3: {  	_ =	task.clear_ibuf [dreg:s8], $0x2FFFF;
	_ =	strace $0x9FFFFFFF  }
0xc4: {  	(tm) =	ssettm $0x7FFFFFFF  }
0xc5: {  	_ =	shalt  }
tec
execute0_lowered:
.L_overlay_start_1:
0x0: {  	(tag) =	ssettag $0x1  }
0x1: {  	s1 =	rddreg [dreg:$0x0]  }
0x2: {  	s0 =	rddreg [dreg:$0x1]  }
0x3: {  	s2 =	srdreg.scid;
	s3 =	stileid.u32  }
0x4: {  	s9 =	rddreg [dreg:$0x2];
	s16 =	simm.s32 $0x5000;
	s19 =	simm.s32 $0x1B80  }
0x5: {  	s20 =	simm.s32 $0x1C00;
	s21 =	simm.s32 $0x1C80;
	s22 =	simm.s32 $0x1D00  }
0x6: {  	s28 =	simm.s32 $0x1F80;
	s29 =	simm.s32 $0x1;
	s30 =	simm.s32 $0x9000  }
0x7: {  	s31 =	simm.s32 $0x2;
	s2 =	sand.u32 $0x1, s2;
	s4 =	sshll.u32 s3, $0x1  }
0x8: {  	s3 =	simm.s32 $0x0;
	s8 =	sadd.s32 $0x27000, s9;
	s10 =	sor.u32 s2, s4  }
0x9: {  	[smem:$0x7FF] =	sst s3;
	s23 =	ssub.s32 $0x2, s2;
	s4 =	smul.u32 $0xA00, s10  }
0xa: {  	_ =	strace $0x80000047;
	s11 =	smul.u32 $0x5, s10;
	s2 =	sshrl.u32 s23, $0x1  }
0xb: {  	s6 =	smul.u32 $0x1400, s10;
	p0 =	seq.s32 s10, $0x1F;
	s5 =	sadd.s32 s4, s0  }
0xc: {  	s4 =	sadd.s32 $0x14400, s0;
	s13 =	sadd.s32 $0x1, s11;
	s0 =	ssub.s32 s23, s2  }
0xd: {  	s6 =	sadd.s32 s9, s6;
	s17 =	sadd.s32 $0x2, s11;
	s25 =	sadd.s32 $0x3, s11  }
0xe: {  	s11 =	sadd.s32 $0x4, s11;
	s23 =	simm.s32 $0x1D80;
	s2 =	simm.s32 $0x3  }
0xf: {  	s5 =	sadd.s32 $0x400, s5;
	s24 =	sshll.u32 s13, $0xA;
	s12 =	sshll.u32 s17, $0xA  }
0x10: {  	s14 =	sshll.u32 s25, $0xA;
	s15 =	sshll.u32 s11, $0xA;
	p1 =	sne.s32 s13, $0x9C  }
0x11: {  	p2 =	sne.s32 s17, $0x9C;
	p3 =	sne.s32 s25, $0x9C;
	p4 =	sne.s32 s11, $0x9C  }
0x12: {  	s11 =	simm.s32 $0x1B00;
	s25 =	simm.s32 $0x1E80;
	s13 =	simm.s32 $0x4  }
.Ltmp0:
0x13: {  	s7 =	sadd.s32 s9, s24;
	s12 =	sadd.s32 s9, s12;
	(pc) =	sbr.rel .LBB2_1-.Ltmp0, $4  }
0x14: {  	s26 =	sadd.s32 s9, s14;
	s9 =	sadd.s32 s9, s15;
	[dreg:$0x4] =	wrdreg s12  }
0x15: {  	s14 =	simm.s32 $0x5;
	s15 =	simm.s32 $0x40;
	[dreg:$0x5] =	wrdreg s26  }
0x16: {  	s24 =	simm.s32 $0x1E00;
	[dreg:$0x6] =	wrdreg s9;
	s12 =	smax.u32 s0, $0x1  }
0x17: {  	v0 =	vimm.f32 $0.0e+00;
	s0 =	simm.s32 $0x7000;
	s26 =	simm.s32 $0x1F00;
	s9 =	simm.s32 $0x0  }
.LBB2_32:
0x18: {  	v9 =	vld [tilespmem:s17+$0x5070];
	[tilespmem:s10+$0x9000] =	vst v7;
	v6 =	vmul.f32 v6, v1  }
0x19: {  	v5 =	vmul.f32 v5, v1;
	v7 =	vld [tilespmem:s17+$0x5000];
	[tilespmem:s10+$0x9010] =	vst v8  }
0x1a: {  	v2 =	vmul.f32 v2, v1;
	v8 =	vld [tilespmem:s17+$0x5010];
	[tilespmem:s10+$0x9020] =	vst v6  }
0x1b: {  	v3 =	vmul.f32 v3, v1;
	v6 =	vld [tilespmem:s17+$0x5020];
	[tilespmem:s10+$0x9030] =	vst v5  }
0x1c: {  	v4 =	vmul.f32 v4, v1;
	v5 =	vld [tilespmem:s17+$0x5030];
	[tilespmem:s10+$0x9040] =	vst v2  }
0x1d: {  	v2 =	vld [tilespmem:s17+$0x5040];
	[tilespmem:s10+$0x9050] =	vst v3;
	v9 =	vmul.f32 v9, v1  }
0x1e: {  	v3 =	vld [tilespmem:s17+$0x5050];
	[tilespmem:s10+$0x9060] =	vst v4;
	v61 =	vmul.f32 v7, v1  }
0x1f: {  	v62 =	vld [tilespmem:s17+$0x5060];
	v8 =	vmul.f32 v8, v1;
	[tilespmem:s17+$0x9070] =	vst v9  }
0x20: {  	[tilespmem:s17+$0x9000] =	vst v61;
	v63 =	vmul.f32 v6, v1  }
0x21: {  	[tilespmem:s17+$0x9010] =	vst v8;
	v5 =	vmul.f32 v5, v1  }
0x22: {  	[tilespmem:s17+$0x9020] =	vst v63;
	v2 =	vmul.f32 v2, v1  }
0x23: {  	[tilespmem:s17+$0x9030] =	vst v5;
	v3 =	vmul.f32 v3, v1  }
0x24: {  	[tilespmem:s17+$0x9040] =	vst v2;
	v1 =	vmul.f32 v62, v1  }
0x25: {  	[tilespmem:s17+$0x9050] =	vst v3  }
0x26: {  	s18 =	rddreg [dreg:$0x6];
	[tilespmem:s17+$0x9060] =	vst v1  }
0x27: {  	[hbm4b:s18+s3] =	stream.linear.scatter [tilespmem:s30], [sflag:$0x3], $0x2000, $0x38;
	[tilespmem:$0xD080] =	vst v63  }
.LBB2_33:
0x28: {  	s10 =	simm.s32 @!p4 $0x0;
	s17 =	simm.s32 @!p4 $0x9000  }
0x29: {  	[hbm4b:s8+s10] =	stream.linear.scatter @!p4 [tilespmem:s17], [sflag:$0x3], $0x800, $0x38;
	[tilespmem:$0xD080] =	vst v63  }
0x2a: {  	s10 =	simm.s32 @!p0 $0x4  }
0x2b: {  	_ =	swait.ge @!p0 [sflag:s10], $0x2000  }
0x2c: {  	[sflag:s10] =	ssyncset.done @!p0 $0x0  }
0x2d: {  	[sflag:s10] =	ssyncadd.s32 @!p0 $0xFFFFE000;
	s10 =	simm.s32 @!p3 $0x4  }
0x2e: {  	_ =	swait.ge @!p3 [sflag:s10], $0x800  }
0x2f: {  	[sflag:s10] =	ssyncset.done @!p3 $0x0  }
0x30: {  	s9 =	sadd.s32 $0x1, s9;
	[sflag:s10] =	ssyncadd.s32 @!p3 $0xFFFFF800;
	s10 =	simm.s32 @!p0 $0x3  }
0x31: {  	p5 =	sne.s32 s9, s12;
	_ =	swait.ge @!p0 [sflag:s10], $0x2000  }
.Ltmp1:
0x32: {  	[sflag:s10] =	ssyncset.done @!p0 $0x0;
	(pc) =	sbr.rel @!p5 .LBB2_34-.Ltmp1, $4  }
0x33: {  	[sflag:s10] =	ssyncadd.s32 @!p0 $0xFFFFE000;
	s10 =	simm.s32 @!p4 $0x3  }
0x34: {  	_ =	swait.ge @!p4 [sflag:s10], $0x800  }
0x35: {  	[sflag:s10] =	ssyncset.done @!p4 $0x0  }
0x36: {  	[sflag:s10] =	ssyncadd.s32 @!p4 $0xFFFFF800  }
.LBB2_1:
0x37: {  	s10 =	simm.s32 $0xD000  }
0x38: {  	[tilespmem:s10], [sflag:$0x5] =	stream.linear.gather [hbm4b:s4+s3], $0x1, $0x38;
	[tilespmem:$0xD080] =	vst v63  }
0x39: {  	_ =	swait.ge [sflag:s14], $0x1  }
0x3a: {  	[sflag:s14] =	ssyncset.done $0x0  }
0x3b: {  	[sflag:s14] =	ssyncadd.s32 $0xFFFFFFFF  }
0x3c: {  	v1 =	vld [tilespmem:$0xD000];
	[tilespmem:s3], [sflag:$0x5] =	stream.linear.gather [hbm4b:s5+s3], $0x5000, $0x38  }
0x3d: {  	_ =	swait.ge [sflag:s14], $0x5000  }
0x3e: {  	[sflag:s14] =	ssyncset.done $0x0  }
0x3f: {  	s17 =	simm.s32 $0x200;
	s10 =	simm.s32 $0x0;
	[sflag:s14] =	ssyncadd.s32 $0xFFFFB000  }
.LBB2_2:
0x40: {  	p5 =	sne.s32 s17, $0x7E00;
	[tilespmem:s10+$0x5070] =	vst v0  }
0x41: {  	[tilespmem:s10+$0x5000] =	vst v0  }
0x42: {  	[tilespmem:s10+$0x5010] =	vst v0  }
.Ltmp2:
0x43: {  	[tilespmem:s10+$0x5020] =	vst v0;
	(pc) =	sbr.rel @p5 .LBB2_2-.Ltmp2, $4  }
0x44: {  	[tilespmem:s10+$0x5030] =	vst v0  }
0x45: {  	[tilespmem:s10+$0x5040] =	vst v0  }
0x46: {  	[tilespmem:s10+$0x5050] =	vst v0  }
0x47: {  	[tilespmem:s10+$0x5060] =	vst v0;
	s10 =	sshra.s32 s17, $0x2;
	s17 =	sadd.s32 $0x200, s17  }
0x48: {  	[tilespmem:s10+$0x5070] =	vst v0  }
0x49: {  	[tilespmem:s10+$0x5000] =	vst v0  }
0x4a: {  	[tilespmem:s10+$0x5010] =	vst v0  }
0x4b: {  	[tilespmem:s10+$0x5020] =	vst v0  }
0x4c: {  	[tilespmem:s10+$0x5030] =	vst v0  }
0x4d: {  	[tilespmem:s10+$0x5040] =	vst v0  }
0x4e: {  	[tilespmem:s10+$0x5050] =	vst v0  }
0x4f: {  	[tilespmem:s10+$0x5060] =	vst v0;
	s17 =	simm.s32 $0x0  }
0x50: {  	[tilespmem:s16], [sflag:$0x1] =	stream.indirect.gather.add.f32 [hbm:s1], $0x80, s17, s15, $0xb8;
	[tilespmem:$0xD080] =	vst v63  }
0x51: {  	s18 =	simm.s32 $0x80  }
0x52: {  	[tilespmem:s16], [sflag:$0x1] =	stream.indirect.gather.add.f32 [hbm:s1], $0x80, s18, s15, $0xb8;
	[tilespmem:$0xD080] =	vst v63  }
0x53: {  	s17 =	simm.s32 $0x100  }
0x54: {  	[tilespmem:s16], [sflag:$0x1] =	stream.indirect.gather.add.f32 [hbm:s1], $0x80, s17, s15, $0xb8;
	[tilespmem:$0xD080] =	vst v63  }
0x55: {  	s18 =	simm.s32 $0x180  }
0x56: {  	[tilespmem:s16], [sflag:$0x1] =	stream.indirect.gather.add.f32 [hbm:s1], $0x80, s18, s15, $0xb8;
	[tilespmem:$0xD080] =	vst v63  }
0x57: {  	s17 =	simm.s32 $0x200  }
0x58: {  	[tilespmem:s16], [sflag:$0x1] =	stream.indirect.gather.add.f32 [hbm:s1], $0x80, s17, s15, $0xb8;
	[tilespmem:$0xD080] =	vst v63  }
0x59: {  	s18 =	simm.s32 $0x280  }
0x5a: {  	[tilespmem:s16], [sflag:$0x1] =	stream.indirect.gather.add.f32 [hbm:s1], $0x80, s18, s15, $0xb8;
	[tilespmem:$0xD080] =	vst v63  }
0x5b: {  	s17 =	simm.s32 $0x300  }
0x5c: {  	[tilespmem:s16], [sflag:$0x1] =	stream.indirect.gather.add.f32 [hbm:s1], $0x80, s17, s15, $0xb8;
	[tilespmem:$0xD080] =	vst v63  }
0x5d: {  	s18 =	simm.s32 $0x380  }
0x5e: {  	[tilespmem:s16], [sflag:$0x1] =	stream.indirect.gather.add.f32 [hbm:s1], $0x80, s18, s15, $0xb8;
	[tilespmem:$0xD080] =	vst v63  }
0x5f: {  	s17 =	simm.s32 $0x400  }
0x60: {  	[tilespmem:s16], [sflag:$0x1] =	stream.indirect.gather.add.f32 [hbm:s1], $0x80, s17, s15, $0xb8;
	[tilespmem:$0xD080] =	vst v63  }
0x61: {  	s18 =	simm.s32 $0x480  }
0x62: {  	[tilespmem:s16], [sflag:$0x1] =	stream.indirect.gather.add.f32 [hbm:s1], $0x80, s18, s15, $0xb8;
	[tilespmem:$0xD080] =	vst v63  }
0x63: {  	s17 =	simm.s32 $0x500  }
0x64: {  	[tilespmem:s16], [sflag:$0x1] =	stream.indirect.gather.add.f32 [hbm:s1], $0x80, s17, s15, $0xb8;
	[tilespmem:$0xD080] =	vst v63  }
0x65: {  	s18 =	simm.s32 $0x580  }
0x66: {  	[tilespmem:s16], [sflag:$0x1] =	stream.indirect.gather.add.f32 [hbm:s1], $0x80, s18, s15, $0xb8;
	[tilespmem:$0xD080] =	vst v63  }
0x67: {  	s17 =	simm.s32 $0x600  }
0x68: {  	[tilespmem:s16], [sflag:$0x1] =	stream.indirect.gather.add.f32 [hbm:s1], $0x80, s17, s15, $0xb8;
	[tilespmem:$0xD080] =	vst v63  }
0x69: {  	s18 =	simm.s32 $0x680  }
0x6a: {  	[tilespmem:s16], [sflag:$0x1] =	stream.indirect.gather.add.f32 [hbm:s1], $0x80, s18, s15, $0xb8;
	[tilespmem:$0xD080] =	vst v63  }
0x6b: {  	s17 =	simm.s32 $0x700  }
0x6c: {  	[tilespmem:s16], [sflag:$0x1] =	stream.indirect.gather.add.f32 [hbm:s1], $0x80, s17, s15, $0xb8;
	[tilespmem:$0xD080] =	vst v63  }
0x6d: {  	s18 =	simm.s32 $0x780  }
0x6e: {  	[tilespmem:s16], [sflag:$0x1] =	stream.indirect.gather.add.f32 [hbm:s1], $0x80, s18, s15, $0xb8;
	[tilespmem:$0xD080] =	vst v63  }
0x6f: {  	s17 =	simm.s32 $0x800  }
0x70: {  	[tilespmem:s16], [sflag:$0x1] =	stream.indirect.gather.add.f32 [hbm:s1], $0x80, s17, s15, $0xb8;
	[tilespmem:$0xD080] =	vst v63  }
0x71: {  	s18 =	simm.s32 $0x880  }
0x72: {  	[tilespmem:s16], [sflag:$0x1] =	stream.indirect.gather.add.f32 [hbm:s1], $0x80, s18, s15, $0xb8;
	[tilespmem:$0xD080] =	vst v63  }
0x73: {  	s17 =	simm.s32 $0x900  }
0x74: {  	[tilespmem:s16], [sflag:$0x1] =	stream.indirect.gather.add.f32 [hbm:s1], $0x80, s17, s15, $0xb8;
	[tilespmem:$0xD080] =	vst v63  }
0x75: {  	s18 =	simm.s32 $0x980  }
0x76: {  	[tilespmem:s16], [sflag:$0x1] =	stream.indirect.gather.add.f32 [hbm:s1], $0x80, s18, s15, $0xb8;
	[tilespmem:$0xD080] =	vst v63  }
0x77: {  	s17 =	simm.s32 $0xA00  }
0x78: {  	[tilespmem:s16], [sflag:$0x1] =	stream.indirect.gather.add.f32 [hbm:s1], $0x80, s17, s15, $0xb8;
	[tilespmem:$0xD080] =	vst v63  }
0x79: {  	s18 =	simm.s32 $0xA80  }
0x7a: {  	[tilespmem:s16], [sflag:$0x1] =	stream.indirect.gather.add.f32 [hbm:s1], $0x80, s18, s15, $0xb8;
	[tilespmem:$0xD080] =	vst v63  }
0x7b: {  	s17 =	simm.s32 $0xB00  }
0x7c: {  	[tilespmem:s16], [sflag:$0x1] =	stream.indirect.gather.add.f32 [hbm:s1], $0x80, s17, s15, $0xb8;
	[tilespmem:$0xD080] =	vst v63  }
0x7d: {  	s18 =	simm.s32 $0xB80  }
0x7e: {  	[tilespmem:s16], [sflag:$0x1] =	stream.indirect.gather.add.f32 [hbm:s1], $0x80, s18, s15, $0xb8;
	[tilespmem:$0xD080] =	vst v63  }
0x7f: {  	s17 =	simm.s32 $0xC00  }
0x80: {  	[tilespmem:s16], [sflag:$0x1] =	stream.indirect.gather.add.f32 [hbm:s1], $0x80, s17, s15, $0xb8;
	[tilespmem:$0xD080] =	vst v63  }
0x81: {  	s18 =	simm.s32 $0xC80  }
0x82: {  	[tilespmem:s16], [sflag:$0x1] =	stream.indirect.gather.add.f32 [hbm:s1], $0x80, s18, s15, $0xb8;
	[tilespmem:$0xD080] =	vst v63  }
0x83: {  	s17 =	simm.s32 $0xD00  }
0x84: {  	[tilespmem:s16], [sflag:$0x1] =	stream.indirect.gather.add.f32 [hbm:s1], $0x80, s17, s15, $0xb8;
	[tilespmem:$0xD080] =	vst v63  }
0x85: {  	s18 =	simm.s32 $0xD80  }
0x86: {  	[tilespmem:s16], [sflag:$0x1] =	stream.indirect.gather.add.f32 [hbm:s1], $0x80, s18, s15, $0xb8;
	[tilespmem:$0xD080] =	vst v63  }
0x87: {  	s17 =	simm.s32 $0xE00  }
0x88: {  	[tilespmem:s16], [sflag:$0x1] =	stream.indirect.gather.add.f32 [hbm:s1], $0x80, s17, s15, $0xb8;
	[tilespmem:$0xD080] =	vst v63  }
0x89: {  	s18 =	simm.s32 $0xE80  }
0x8a: {  	[tilespmem:s16], [sflag:$0x1] =	stream.indirect.gather.add.f32 [hbm:s1], $0x80, s18, s15, $0xb8;
	[tilespmem:$0xD080] =	vst v63  }
0x8b: {  	s17 =	simm.s32 $0xF00  }
0x8c: {  	[tilespmem:s16], [sflag:$0x1] =	stream.indirect.gather.add.f32 [hbm:s1], $0x80, s17, s15, $0xb8;
	[tilespmem:$0xD080] =	vst v63  }
0x8d: {  	s10 =	simm.s32 $0x0;
	s18 =	simm.s32 $0xF80;
	s17 =	simm.s32 $0x200  }
0x8e: {  	[tilespmem:s16], [sflag:$0x1] =	stream.indirect.gather.add.f32 [hbm:s1], $0x80, s18, s15, $0xb8;
	[tilespmem:$0xD080] =	vst v63  }
.LBB2_4:
0x8f: {  	p5 =	sne.s32 s17, $0x7E00;
	[tilespmem:s10+$0x7070] =	vst v0  }
0x90: {  	[tilespmem:s10+$0x7000] =	vst v0  }
0x91: {  	[tilespmem:s10+$0x7010] =	vst v0  }
.Ltmp3:
0x92: {  	[tilespmem:s10+$0x7020] =	vst v0;
	(pc) =	sbr.rel @p5 .LBB2_4-.Ltmp3, $4  }
0x93: {  	[tilespmem:s10+$0x7030] =	vst v0  }
0x94: {  	[tilespmem:s10+$0x7040] =	vst v0  }
0x95: {  	[tilespmem:s10+$0x7050] =	vst v0  }
0x96: {  	[tilespmem:s10+$0x7060] =	vst v0;
	s10 =	sshra.s32 s17, $0x2;
	s17 =	sadd.s32 $0x200, s17  }
0x97: {  	[tilespmem:s10+$0x7070] =	vst v0  }
0x98: {  	[tilespmem:s10+$0x7000] =	vst v0  }
0x99: {  	[tilespmem:s10+$0x7010] =	vst v0  }
0x9a: {  	[tilespmem:s10+$0x7020] =	vst v0  }
0x9b: {  	[tilespmem:s10+$0x7030] =	vst v0  }
0x9c: {  	[tilespmem:s10+$0x7040] =	vst v0  }
0x9d: {  	[tilespmem:s10+$0x7050] =	vst v0  }
0x9e: {  	[tilespmem:s10+$0x7060] =	vst v0;
	s17 =	simm.s32 $0x1000  }
0x9f: {  	[tilespmem:s0], [sflag:$0x2] =	stream.indirect.gather.add.f32 [hbm:s1], $0x80, s17, s15, $0xb8;
	[tilespmem:$0xD080] =	vst v63  }
0xa0: {  	s18 =	simm.s32 $0x1080  }
0xa1: {  	[tilespmem:s0], [sflag:$0x2] =	stream.indirect.gather.add.f32 [hbm:s1], $0x80, s18, s15, $0xb8;
	[tilespmem:$0xD080] =	vst v63  }
0xa2: {  	s17 =	simm.s32 $0x1100  }
0xa3: {  	[tilespmem:s0], [sflag:$0x2] =	stream.indirect.gather.add.f32 [hbm:s1], $0x80, s17, s15, $0xb8;
	[tilespmem:$0xD080] =	vst v63  }
0xa4: {  	s18 =	simm.s32 $0x1180  }
0xa5: {  	[tilespmem:s0], [sflag:$0x2] =	stream.indirect.gather.add.f32 [hbm:s1], $0x80, s18, s15, $0xb8;
	[tilespmem:$0xD080] =	vst v63  }
0xa6: {  	s17 =	simm.s32 $0x1200  }
0xa7: {  	[tilespmem:s0], [sflag:$0x2] =	stream.indirect.gather.add.f32 [hbm:s1], $0x80, s17, s15, $0xb8;
	[tilespmem:$0xD080] =	vst v63  }
0xa8: {  	s18 =	simm.s32 $0x1280  }
0xa9: {  	[tilespmem:s0], [sflag:$0x2] =	stream.indirect.gather.add.f32 [hbm:s1], $0x80, s18, s15, $0xb8;
	[tilespmem:$0xD080] =	vst v63  }
0xaa: {  	s17 =	simm.s32 $0x1300  }
0xab: {  	[tilespmem:s0], [sflag:$0x2] =	stream.indirect.gather.add.f32 [hbm:s1], $0x80, s17, s15, $0xb8;
	[tilespmem:$0xD080] =	vst v63  }
0xac: {  	s18 =	simm.s32 $0x1380  }
0xad: {  	[tilespmem:s0], [sflag:$0x2] =	stream.indirect.gather.add.f32 [hbm:s1], $0x80, s18, s15, $0xb8;
	[tilespmem:$0xD080] =	vst v63  }
0xae: {  	s17 =	simm.s32 $0x1400  }
0xaf: {  	[tilespmem:s0], [sflag:$0x2] =	stream.indirect.gather.add.f32 [hbm:s1], $0x80, s17, s15, $0xb8;
	[tilespmem:$0xD080] =	vst v63  }
0xb0: {  	s18 =	simm.s32 $0x1480  }
0xb1: {  	[tilespmem:s0], [sflag:$0x2] =	stream.indirect.gather.add.f32 [hbm:s1], $0x80, s18, s15, $0xb8;
	[tilespmem:$0xD080] =	vst v63  }
0xb2: {  	s17 =	simm.s32 $0x1500  }
0xb3: {  	[tilespmem:s0], [sflag:$0x2] =	stream.indirect.gather.add.f32 [hbm:s1], $0x80, s17, s15, $0xb8;
	[tilespmem:$0xD080] =	vst v63  }
0xb4: {  	s18 =	simm.s32 $0x1580  }
0xb5: {  	[tilespmem:s0], [sflag:$0x2] =	stream.indirect.gather.add.f32 [hbm:s1], $0x80, s18, s15, $0xb8;
	[tilespmem:$0xD080] =	vst v63  }
0xb6: {  	s17 =	simm.s32 $0x1600  }
0xb7: {  	[tilespmem:s0], [sflag:$0x2] =	stream.indirect.gather.add.f32 [hbm:s1], $0x80, s17, s15, $0xb8;
	[tilespmem:$0xD080] =	vst v63  }
0xb8: {  	s18 =	simm.s32 $0x1680  }
0xb9: {  	[tilespmem:s0], [sflag:$0x2] =	stream.indirect.gather.add.f32 [hbm:s1], $0x80, s18, s15, $0xb8;
	[tilespmem:$0xD080] =	vst v63  }
0xba: {  	s17 =	simm.s32 $0x1700  }
0xbb: {  	[tilespmem:s0], [sflag:$0x2] =	stream.indirect.gather.add.f32 [hbm:s1], $0x80, s17, s15, $0xb8;
	[tilespmem:$0xD080] =	vst v63  }
0xbc: {  	s18 =	simm.s32 $0x1780  }
0xbd: {  	[tilespmem:s0], [sflag:$0x2] =	stream.indirect.gather.add.f32 [hbm:s1], $0x80, s18, s15, $0xb8;
	[tilespmem:$0xD080] =	vst v63  }
0xbe: {  	s17 =	simm.s32 $0x1800  }
0xbf: {  	[tilespmem:s0], [sflag:$0x2] =	stream.indirect.gather.add.f32 [hbm:s1], $0x80, s17, s15, $0xb8;
	[tilespmem:$0xD080] =	vst v63  }
0xc0: {  	s18 =	simm.s32 $0x1880  }
0xc1: {  	[tilespmem:s0], [sflag:$0x2] =	stream.indirect.gather.add.f32 [hbm:s1], $0x80, s18, s15, $0xb8;
	[tilespmem:$0xD080] =	vst v63  }
0xc2: {  	s17 =	simm.s32 $0x1900  }
0xc3: {  	[tilespmem:s0], [sflag:$0x2] =	stream.indirect.gather.add.f32 [hbm:s1], $0x80, s17, s15, $0xb8;
	[tilespmem:$0xD080] =	vst v63  }
0xc4: {  	s18 =	simm.s32 $0x1980  }
0xc5: {  	[tilespmem:s0], [sflag:$0x2] =	stream.indirect.gather.add.f32 [hbm:s1], $0x80, s18, s15, $0xb8;
	[tilespmem:$0xD080] =	vst v63  }
0xc6: {  	s17 =	simm.s32 $0x1A00  }
0xc7: {  	[tilespmem:s0], [sflag:$0x2] =	stream.indirect.gather.add.f32 [hbm:s1], $0x80, s17, s15, $0xb8;
	[tilespmem:$0xD080] =	vst v63  }
0xc8: {  	s18 =	simm.s32 $0x1A80  }
0xc9: {  	[tilespmem:s0], [sflag:$0x2] =	stream.indirect.gather.add.f32 [hbm:s1], $0x80, s18, s15, $0xb8;
	[tilespmem:$0xD080] =	vst v63  }
0xca: {  	_ = 	snop  }
0xcb: {  	[tilespmem:s0], [sflag:$0x2] =	stream.indirect.gather.add.f32 [hbm:s1], $0x80, s11, s15, $0xb8;
	[tilespmem:$0xD080] =	vst v63  }
0xcc: {  	_ = 	snop  }
0xcd: {  	[tilespmem:s0], [sflag:$0x2] =	stream.indirect.gather.add.f32 [hbm:s1], $0x80, s19, s15, $0xb8;
	[tilespmem:$0xD080] =	vst v63  }
0xce: {  	_ = 	snop  }
0xcf: {  	[tilespmem:s0], [sflag:$0x2] =	stream.indirect.gather.add.f32 [hbm:s1], $0x80, s20, s15, $0xb8;
	[tilespmem:$0xD080] =	vst v63  }
0xd0: {  	_ = 	snop  }
0xd1: {  	[tilespmem:s0], [sflag:$0x2] =	stream.indirect.gather.add.f32 [hbm:s1], $0x80, s21, s15, $0xb8;
	[tilespmem:$0xD080] =	vst v63  }
0xd2: {  	_ = 	snop  }
0xd3: {  	[tilespmem:s0], [sflag:$0x2] =	stream.indirect.gather.add.f32 [hbm:s1], $0x80, s22, s15, $0xb8;
	[tilespmem:$0xD080] =	vst v63  }
0xd4: {  	_ = 	snop  }
0xd5: {  	[tilespmem:s0], [sflag:$0x2] =	stream.indirect.gather.add.f32 [hbm:s1], $0x80, s23, s15, $0xb8;
	[tilespmem:$0xD080] =	vst v63  }
0xd6: {  	_ = 	snop  }
0xd7: {  	[tilespmem:s0], [sflag:$0x2] =	stream.indirect.gather.add.f32 [hbm:s1], $0x80, s24, s15, $0xb8;
	[tilespmem:$0xD080] =	vst v63  }
0xd8: {  	_ = 	snop  }
0xd9: {  	[tilespmem:s0], [sflag:$0x2] =	stream.indirect.gather.add.f32 [hbm:s1], $0x80, s25, s15, $0xb8;
	[tilespmem:$0xD080] =	vst v63  }
0xda: {  	_ = 	snop  }
0xdb: {  	[tilespmem:s0], [sflag:$0x2] =	stream.indirect.gather.add.f32 [hbm:s1], $0x80, s26, s15, $0xb8;
	[tilespmem:$0xD080] =	vst v63  }
0xdc: {  	_ = 	snop  }
0xdd: {  	[tilespmem:s0], [sflag:$0x2] =	stream.indirect.gather.add.f32 [hbm:s1], $0x80, s28, s15, $0xb8;
	[tilespmem:$0xD080] =	vst v63  }
0xde: {  	_ =	swait.ge [sflag:s29], $0x2000  }
0xdf: {  	[sflag:s29] =	ssyncset.done $0x0  }
0xe0: {  	[sflag:s29] =	ssyncadd.s32 $0xFFFFE000  }
0xe1: {  	_ =	swait.ge [sflag:s29], $0x2000  }
0xe2: {  	[sflag:s29] =	ssyncset.done $0x0  }
0xe3: {  	[sflag:s29] =	ssyncadd.s32 $0xFFFFE000  }
0xe4: {  	_ =	swait.ge [sflag:s29], $0x2000  }
0xe5: {  	[sflag:s29] =	ssyncset.done $0x0  }
0xe6: {  	[sflag:s29] =	ssyncadd.s32 $0xFFFFE000  }
0xe7: {  	_ =	swait.ge [sflag:s29], $0x2000  }
0xe8: {  	[sflag:s29] =	ssyncset.done $0x0  }
0xe9: {  	[sflag:s29] =	ssyncadd.s32 $0xFFFFE000  }
0xea: {  	_ =	swait.ge [sflag:s29], $0x2000  }
0xeb: {  	[sflag:s29] =	ssyncset.done $0x0  }
0xec: {  	[sflag:s29] =	ssyncadd.s32 $0xFFFFE000  }
0xed: {  	_ =	swait.ge [sflag:s29], $0x2000  }
0xee: {  	[sflag:s29] =	ssyncset.done $0x0  }
0xef: {  	[sflag:s29] =	ssyncadd.s32 $0xFFFFE000  }
0xf0: {  	_ =	swait.ge [sflag:s29], $0x2000  }
0xf1: {  	[sflag:s29] =	ssyncset.done $0x0  }
0xf2: {  	[sflag:s29] =	ssyncadd.s32 $0xFFFFE000  }
0xf3: {  	_ =	swait.ge [sflag:s29], $0x2000  }
0xf4: {  	[sflag:s29] =	ssyncset.done $0x0  }
0xf5: {  	[sflag:s29] =	ssyncadd.s32 $0xFFFFE000  }
0xf6: {  	_ =	swait.ge [sflag:s29], $0x2000  }
0xf7: {  	[sflag:s29] =	ssyncset.done $0x0  }
0xf8: {  	[sflag:s29] =	ssyncadd.s32 $0xFFFFE000  }
0xf9: {  	_ =	swait.ge [sflag:s29], $0x2000  }
0xfa: {  	[sflag:s29] =	ssyncset.done $0x0  }
0xfb: {  	[sflag:s29] =	ssyncadd.s32 $0xFFFFE000  }
0xfc: {  	_ =	swait.ge [sflag:s29], $0x2000  }
0xfd: {  	[sflag:s29] =	ssyncset.done $0x0  }
0xfe: {  	[sflag:s29] =	ssyncadd.s32 $0xFFFFE000  }
0xff: {  	_ =	swait.ge [sflag:s29], $0x2000  }
0x100: {  	[sflag:s29] =	ssyncset.done $0x0  }
0x101: {  	[sflag:s29] =	ssyncadd.s32 $0xFFFFE000  }
0x102: {  	_ =	swait.ge [sflag:s29], $0x2000  }
0x103: {  	[sflag:s29] =	ssyncset.done $0x0  }
0x104: {  	[sflag:s29] =	ssyncadd.s32 $0xFFFFE000  }
0x105: {  	_ =	swait.ge [sflag:s29], $0x2000  }
0x106: {  	[sflag:s29] =	ssyncset.done $0x0  }
0x107: {  	[sflag:s29] =	ssyncadd.s32 $0xFFFFE000  }
0x108: {  	_ =	swait.ge [sflag:s29], $0x2000  }
0x109: {  	[sflag:s29] =	ssyncset.done $0x0  }
0x10a: {  	[sflag:s29] =	ssyncadd.s32 $0xFFFFE000  }
0x10b: {  	_ =	swait.ge [sflag:s29], $0x2000  }
0x10c: {  	[sflag:s29] =	ssyncset.done $0x0  }
0x10d: {  	[sflag:s29] =	ssyncadd.s32 $0xFFFFE000  }
0x10e: {  	_ =	swait.ge [sflag:s29], $0x2000  }
0x10f: {  	[sflag:s29] =	ssyncset.done $0x0  }
0x110: {  	[sflag:s29] =	ssyncadd.s32 $0xFFFFE000  }
0x111: {  	_ =	swait.ge [sflag:s29], $0x2000  }
0x112: {  	[sflag:s29] =	ssyncset.done $0x0  }
0x113: {  	[sflag:s29] =	ssyncadd.s32 $0xFFFFE000  }
0x114: {  	_ =	swait.ge [sflag:s29], $0x2000  }
0x115: {  	[sflag:s29] =	ssyncset.done $0x0  }
0x116: {  	[sflag:s29] =	ssyncadd.s32 $0xFFFFE000  }
0x117: {  	_ =	swait.ge [sflag:s29], $0x2000  }
0x118: {  	[sflag:s29] =	ssyncset.done $0x0  }
0x119: {  	[sflag:s29] =	ssyncadd.s32 $0xFFFFE000  }
0x11a: {  	_ =	swait.ge [sflag:s29], $0x2000  }
0x11b: {  	[sflag:s29] =	ssyncset.done $0x0  }
0x11c: {  	[sflag:s29] =	ssyncadd.s32 $0xFFFFE000  }
0x11d: {  	_ =	swait.ge [sflag:s29], $0x2000  }
0x11e: {  	[sflag:s29] =	ssyncset.done $0x0  }
0x11f: {  	[sflag:s29] =	ssyncadd.s32 $0xFFFFE000  }
0x120: {  	_ =	swait.ge [sflag:s29], $0x2000  }
0x121: {  	[sflag:s29] =	ssyncset.done $0x0  }
0x122: {  	[sflag:s29] =	ssyncadd.s32 $0xFFFFE000  }
0x123: {  	_ =	swait.ge [sflag:s29], $0x2000  }
0x124: {  	[sflag:s29] =	ssyncset.done $0x0  }
0x125: {  	[sflag:s29] =	ssyncadd.s32 $0xFFFFE000  }
0x126: {  	_ =	swait.ge [sflag:s29], $0x2000  }
0x127: {  	[sflag:s29] =	ssyncset.done $0x0  }
0x128: {  	[sflag:s29] =	ssyncadd.s32 $0xFFFFE000  }
0x129: {  	_ =	swait.ge [sflag:s29], $0x2000  }
0x12a: {  	[sflag:s29] =	ssyncset.done $0x0  }
0x12b: {  	[sflag:s29] =	ssyncadd.s32 $0xFFFFE000  }
0x12c: {  	_ =	swait.ge [sflag:s29], $0x2000  }
0x12d: {  	[sflag:s29] =	ssyncset.done $0x0  }
0x12e: {  	[sflag:s29] =	ssyncadd.s32 $0xFFFFE000  }
0x12f: {  	_ =	swait.ge [sflag:s29], $0x2000  }
0x130: {  	[sflag:s29] =	ssyncset.done $0x0  }
0x131: {  	[sflag:s29] =	ssyncadd.s32 $0xFFFFE000  }
0x132: {  	_ =	swait.ge [sflag:s29], $0x2000  }
0x133: {  	[sflag:s29] =	ssyncset.done $0x0  }
0x134: {  	[sflag:s29] =	ssyncadd.s32 $0xFFFFE000  }
0x135: {  	_ =	swait.ge [sflag:s29], $0x2000  }
0x136: {  	[sflag:s29] =	ssyncset.done $0x0  }
0x137: {  	[sflag:s29] =	ssyncadd.s32 $0xFFFFE000  }
0x138: {  	_ =	swait.ge [sflag:s29], $0x2000  }
0x139: {  	[sflag:s29] =	ssyncset.done $0x0  }
0x13a: {  	[sflag:s29] =	ssyncadd.s32 $0xFFFFE000  }
0x13b: {  	_ =	swait.ge [sflag:s29], $0x2000  }
0x13c: {  	[sflag:s29] =	ssyncset.done $0x0  }
0x13d: {  	s10 =	simm.s32 $0x0;
	[sflag:s29] =	ssyncadd.s32 $0xFFFFE000  }
0x13e: {  	v3 =	vld [tilespmem:s10+$0x5070]  }
0x13f: {  	v7 =	vld [tilespmem:s10+$0x5000]  }
0x140: {  	v8 =	vld [tilespmem:s10+$0x5010]  }
0x141: {  	v1 =	vbroadcast v1, $0x0;
	v6 =	vld [tilespmem:s10+$0x5020]  }
0x142: {  	v5 =	vld [tilespmem:s10+$0x5030]  }
0x143: {  	v2 =	vld [tilespmem:s10+$0x5040];
	v9 =	vmul.f32 v3, v1  }
0x144: {  	v3 =	vld [tilespmem:s10+$0x5050];
	v7 =	vmul.f32 v7, v1  }
0x145: {  	s17 =	simm.s32 $0x80;
	s18 =	simm.s32 $0x400;
	v4 =	vld [tilespmem:s10+$0x5060];
	v8 =	vmul.f32 v8, v1;
	[tilespmem:s10+$0x9070] =	vst v9  }
.LBB2_6:
0x146: {  	p5 =	sne.s32 s18, $0x7E00;
	v9 =	vld [tilespmem:s17+$0x5070];
	[tilespmem:s10+$0x9000] =	vst v7;
	v6 =	vmul.f32 v6, v1  }
0x147: {  	v7 =	vld [tilespmem:s17+$0x5000];
	[tilespmem:s10+$0x9010] =	vst v8;
	v5 =	vmul.f32 v5, v1  }
0x148: {  	v8 =	vld [tilespmem:s17+$0x5010];
	[tilespmem:s10+$0x9020] =	vst v6;
	v2 =	vmul.f32 v2, v1  }
.Ltmp4:
0x149: {  	v6 =	vld [tilespmem:s17+$0x5020];
	[tilespmem:s10+$0x9030] =	vst v5;
	v3 =	vmul.f32 v3, v1;
	(pc) =	sbr.rel @p5 .LBB2_6-.Ltmp4, $4  }
0x14a: {  	v5 =	vld [tilespmem:s17+$0x5030];
	[tilespmem:s10+$0x9040] =	vst v2;
	v4 =	vmul.f32 v4, v1  }
0x14b: {  	v2 =	vld [tilespmem:s17+$0x5040];
	v9 =	vmul.f32 v9, v1;
	[tilespmem:s10+$0x9050] =	vst v3  }
0x14c: {  	v7 =	vmul.f32 v7, v1;
	v3 =	vld [tilespmem:s17+$0x5050];
	[tilespmem:s10+$0x9060] =	vst v4;
	s10 =	smov.u32 s17  }
0x14d: {  	s17 =	sshra.s32 s18, $0x2;
	s18 =	sadd.s32 $0x200, s18;
	v8 =	vmul.f32 v8, v1;
	v4 =	vld [tilespmem:s10+$0x5060];
	[tilespmem:s10+$0x9070] =	vst v9  }
0x14e: {  	v9 =	vld [tilespmem:s17+$0x5070];
	[tilespmem:s10+$0x9000] =	vst v7;
	v6 =	vmul.f32 v6, v1  }
0x14f: {  	v7 =	vld [tilespmem:s17+$0x5000];
	[tilespmem:s10+$0x9010] =	vst v8;
	v5 =	vmul.f32 v5, v1  }
0x150: {  	v8 =	vld [tilespmem:s17+$0x5010];
	[tilespmem:s10+$0x9020] =	vst v6;
	v2 =	vmul.f32 v2, v1  }
0x151: {  	v6 =	vld [tilespmem:s17+$0x5020];
	[tilespmem:s10+$0x9030] =	vst v5;
	v3 =	vmul.f32 v3, v1  }
0x152: {  	v5 =	vld [tilespmem:s17+$0x5030];
	[tilespmem:s10+$0x9040] =	vst v2;
	v4 =	vmul.f32 v4, v1  }
0x153: {  	v2 =	vld [tilespmem:s17+$0x5040];
	[tilespmem:s10+$0x9050] =	vst v3;
	v9 =	vmul.f32 v9, v1  }
0x154: {  	v3 =	vld [tilespmem:s17+$0x5050];
	[tilespmem:s10+$0x9060] =	vst v4;
	v61 =	vmul.f32 v7, v1  }
0x155: {  	v62 =	vld [tilespmem:s17+$0x5060];
	v8 =	vmul.f32 v8, v1;
	[tilespmem:s17+$0x9070] =	vst v9  }
0x156: {  	[tilespmem:s17+$0x9000] =	vst v61;
	v63 =	vmul.f32 v6, v1  }
0x157: {  	[tilespmem:s17+$0x9010] =	vst v8;
	v5 =	vmul.f32 v5, v1  }
0x158: {  	[tilespmem:s17+$0x9020] =	vst v63;
	v2 =	vmul.f32 v2, v1  }
.Ltmp5:
0x159: {  	[tilespmem:s17+$0x9030] =	vst v5;
	v3 =	vmul.f32 v3, v1;
	(pc) =	sbr.rel @p0 .LBB2_11-.Ltmp5, $4  }
0x15a: {  	[tilespmem:s17+$0x9040] =	vst v2;
	v2 =	vmul.f32 v62, v1  }
0x15b: {  	[tilespmem:s17+$0x9050] =	vst v3  }
0x15c: {  	[tilespmem:s17+$0x9060] =	vst v2;
	s17 =	simm.s32 $0x0  }
0x15d: {  	[hbm4b:s6+s17] =	stream.linear.scatter [tilespmem:s30], [sflag:$0x3], $0x2000, $0x38;
	[tilespmem:$0xD080] =	vst v63  }
0x15e: {  	s10 =	sshra.s32 s17, $0x2;
	s17 =	sadd.s32 $0x200, s17  }
.LBB2_9:
0x15f: {  	p5 =	sne.s32 s17, $0x7E00;
	[tilespmem:s10+$0x5070] =	vst v0  }
0x160: {  	[tilespmem:s10+$0x5000] =	vst v0  }
0x161: {  	[tilespmem:s10+$0x5010] =	vst v0  }
.Ltmp6:
0x162: {  	[tilespmem:s10+$0x5020] =	vst v0;
	(pc) =	sbr.rel @p5 .LBB2_9-.Ltmp6, $4  }
0x163: {  	[tilespmem:s10+$0x5030] =	vst v0  }
0x164: {  	[tilespmem:s10+$0x5040] =	vst v0  }
0x165: {  	[tilespmem:s10+$0x5050] =	vst v0  }
0x166: {  	[tilespmem:s10+$0x5060] =	vst v0;
	s10 =	sshra.s32 s17, $0x2;
	s17 =	sadd.s32 $0x200, s17  }
0x167: {  	[tilespmem:s10+$0x5070] =	vst v0  }
0x168: {  	[tilespmem:s10+$0x5000] =	vst v0  }
0x169: {  	[tilespmem:s10+$0x5010] =	vst v0  }
0x16a: {  	[tilespmem:s10+$0x5020] =	vst v0  }
0x16b: {  	[tilespmem:s10+$0x5030] =	vst v0  }
0x16c: {  	[tilespmem:s10+$0x5040] =	vst v0  }
0x16d: {  	[tilespmem:s10+$0x5050] =	vst v0  }
0x16e: {  	[tilespmem:s10+$0x5060] =	vst v0;
	s17 =	simm.s32 $0x2000  }
0x16f: {  	[tilespmem:s16], [sflag:$0x1] =	stream.indirect.gather.add.f32 [hbm:s1], $0x80, s17, s15, $0xb8;
	[tilespmem:$0xD080] =	vst v63  }
0x170: {  	s18 =	simm.s32 $0x2080  }
0x171: {  	[tilespmem:s16], [sflag:$0x1] =	stream.indirect.gather.add.f32 [hbm:s1], $0x80, s18, s15, $0xb8;
	[tilespmem:$0xD080] =	vst v63  }
0x172: {  	s17 =	simm.s32 $0x2100  }
0x173: {  	[tilespmem:s16], [sflag:$0x1] =	stream.indirect.gather.add.f32 [hbm:s1], $0x80, s17, s15, $0xb8;
	[tilespmem:$0xD080] =	vst v63  }
0x174: {  	s18 =	simm.s32 $0x2180  }
0x175: {  	[tilespmem:s16], [sflag:$0x1] =	stream.indirect.gather.add.f32 [hbm:s1], $0x80, s18, s15, $0xb8;
	[tilespmem:$0xD080] =	vst v63  }
0x176: {  	s17 =	simm.s32 $0x2200  }
0x177: {  	[tilespmem:s16], [sflag:$0x1] =	stream.indirect.gather.add.f32 [hbm:s1], $0x80, s17, s15, $0xb8;
	[tilespmem:$0xD080] =	vst v63  }
0x178: {  	s18 =	simm.s32 $0x2280  }
0x179: {  	[tilespmem:s16], [sflag:$0x1] =	stream.indirect.gather.add.f32 [hbm:s1], $0x80, s18, s15, $0xb8;
	[tilespmem:$0xD080] =	vst v63  }
0x17a: {  	s17 =	simm.s32 $0x2300  }
0x17b: {  	[tilespmem:s16], [sflag:$0x1] =	stream.indirect.gather.add.f32 [hbm:s1], $0x80, s17, s15, $0xb8;
	[tilespmem:$0xD080] =	vst v63  }
0x17c: {  	s18 =	simm.s32 $0x2380  }
0x17d: {  	[tilespmem:s16], [sflag:$0x1] =	stream.indirect.gather.add.f32 [hbm:s1], $0x80, s18, s15, $0xb8;
	[tilespmem:$0xD080] =	vst v63  }
0x17e: {  	s17 =	simm.s32 $0x2400  }
0x17f: {  	[tilespmem:s16], [sflag:$0x1] =	stream.indirect.gather.add.f32 [hbm:s1], $0x80, s17, s15, $0xb8;
	[tilespmem:$0xD080] =	vst v63  }
0x180: {  	s18 =	simm.s32 $0x2480  }
0x181: {  	[tilespmem:s16], [sflag:$0x1] =	stream.indirect.gather.add.f32 [hbm:s1], $0x80, s18, s15, $0xb8;
	[tilespmem:$0xD080] =	vst v63  }
0x182: {  	s17 =	simm.s32 $0x2500  }
0x183: {  	[tilespmem:s16], [sflag:$0x1] =	stream.indirect.gather.add.f32 [hbm:s1], $0x80, s17, s15, $0xb8;
	[tilespmem:$0xD080] =	vst v63  }
0x184: {  	s18 =	simm.s32 $0x2580  }
0x185: {  	[tilespmem:s16], [sflag:$0x1] =	stream.indirect.gather.add.f32 [hbm:s1], $0x80, s18, s15, $0xb8;
	[tilespmem:$0xD080] =	vst v63  }
0x186: {  	s17 =	simm.s32 $0x2600  }
0x187: {  	[tilespmem:s16], [sflag:$0x1] =	stream.indirect.gather.add.f32 [hbm:s1], $0x80, s17, s15, $0xb8;
	[tilespmem:$0xD080] =	vst v63  }
0x188: {  	s18 =	simm.s32 $0x2680  }
0x189: {  	[tilespmem:s16], [sflag:$0x1] =	stream.indirect.gather.add.f32 [hbm:s1], $0x80, s18, s15, $0xb8;
	[tilespmem:$0xD080] =	vst v63  }
0x18a: {  	s17 =	simm.s32 $0x2700  }
0x18b: {  	[tilespmem:s16], [sflag:$0x1] =	stream.indirect.gather.add.f32 [hbm:s1], $0x80, s17, s15, $0xb8;
	[tilespmem:$0xD080] =	vst v63  }
0x18c: {  	s18 =	simm.s32 $0x2780  }
0x18d: {  	[tilespmem:s16], [sflag:$0x1] =	stream.indirect.gather.add.f32 [hbm:s1], $0x80, s18, s15, $0xb8;
	[tilespmem:$0xD080] =	vst v63  }
0x18e: {  	s17 =	simm.s32 $0x2800  }
0x18f: {  	[tilespmem:s16], [sflag:$0x1] =	stream.indirect.gather.add.f32 [hbm:s1], $0x80, s17, s15, $0xb8;
	[tilespmem:$0xD080] =	vst v63  }
0x190: {  	s18 =	simm.s32 $0x2880  }
0x191: {  	[tilespmem:s16], [sflag:$0x1] =	stream.indirect.gather.add.f32 [hbm:s1], $0x80, s18, s15, $0xb8;
	[tilespmem:$0xD080] =	vst v63  }
0x192: {  	s17 =	simm.s32 $0x2900  }
0x193: {  	[tilespmem:s16], [sflag:$0x1] =	stream.indirect.gather.add.f32 [hbm:s1], $0x80, s17, s15, $0xb8;
	[tilespmem:$0xD080] =	vst v63  }
0x194: {  	s18 =	simm.s32 $0x2980  }
0x195: {  	[tilespmem:s16], [sflag:$0x1] =	stream.indirect.gather.add.f32 [hbm:s1], $0x80, s18, s15, $0xb8;
	[tilespmem:$0xD080] =	vst v63  }
0x196: {  	s17 =	simm.s32 $0x2A00  }
0x197: {  	[tilespmem:s16], [sflag:$0x1] =	stream.indirect.gather.add.f32 [hbm:s1], $0x80, s17, s15, $0xb8;
	[tilespmem:$0xD080] =	vst v63  }
0x198: {  	s18 =	simm.s32 $0x2A80  }
0x199: {  	[tilespmem:s16], [sflag:$0x1] =	stream.indirect.gather.add.f32 [hbm:s1], $0x80, s18, s15, $0xb8;
	[tilespmem:$0xD080] =	vst v63  }
0x19a: {  	s17 =	simm.s32 $0x2B00  }
0x19b: {  	[tilespmem:s16], [sflag:$0x1] =	stream.indirect.gather.add.f32 [hbm:s1], $0x80, s17, s15, $0xb8;
	[tilespmem:$0xD080] =	vst v63  }
0x19c: {  	s18 =	simm.s32 $0x2B80  }
0x19d: {  	[tilespmem:s16], [sflag:$0x1] =	stream.indirect.gather.add.f32 [hbm:s1], $0x80, s18, s15, $0xb8;
	[tilespmem:$0xD080] =	vst v63  }
0x19e: {  	s17 =	simm.s32 $0x2C00  }
0x19f: {  	[tilespmem:s16], [sflag:$0x1] =	stream.indirect.gather.add.f32 [hbm:s1], $0x80, s17, s15, $0xb8;
	[tilespmem:$0xD080] =	vst v63  }
0x1a0: {  	s18 =	simm.s32 $0x2C80  }
0x1a1: {  	[tilespmem:s16], [sflag:$0x1] =	stream.indirect.gather.add.f32 [hbm:s1], $0x80, s18, s15, $0xb8;
	[tilespmem:$0xD080] =	vst v63  }
0x1a2: {  	s17 =	simm.s32 $0x2D00  }
0x1a3: {  	[tilespmem:s16], [sflag:$0x1] =	stream.indirect.gather.add.f32 [hbm:s1], $0x80, s17, s15, $0xb8;
	[tilespmem:$0xD080] =	vst v63  }
0x1a4: {  	s18 =	simm.s32 $0x2D80  }
0x1a5: {  	[tilespmem:s16], [sflag:$0x1] =	stream.indirect.gather.add.f32 [hbm:s1], $0x80, s18, s15, $0xb8;
	[tilespmem:$0xD080] =	vst v63  }
0x1a6: {  	s17 =	simm.s32 $0x2E00  }
0x1a7: {  	[tilespmem:s16], [sflag:$0x1] =	stream.indirect.gather.add.f32 [hbm:s1], $0x80, s17, s15, $0xb8;
	[tilespmem:$0xD080] =	vst v63  }
0x1a8: {  	s18 =	simm.s32 $0x2E80  }
0x1a9: {  	[tilespmem:s16], [sflag:$0x1] =	stream.indirect.gather.add.f32 [hbm:s1], $0x80, s18, s15, $0xb8;
	[tilespmem:$0xD080] =	vst v63  }
0x1aa: {  	s17 =	simm.s32 $0x2F00  }
0x1ab: {  	[tilespmem:s16], [sflag:$0x1] =	stream.indirect.gather.add.f32 [hbm:s1], $0x80, s17, s15, $0xb8;
	[tilespmem:$0xD080] =	vst v63  }
0x1ac: {  	s18 =	simm.s32 $0x2F80  }
0x1ad: {  	[tilespmem:s16], [sflag:$0x1] =	stream.indirect.gather.add.f32 [hbm:s1], $0x80, s18, s15, $0xb8;
	[tilespmem:$0xD080] =	vst v63  }
.LBB2_11:
0x1ae: {  	_ =	swait.ge [sflag:s31], $0x2000  }
0x1af: {  	[sflag:s31] =	ssyncset.done $0x0  }
0x1b0: {  	[sflag:s31] =	ssyncadd.s32 $0xFFFFE000  }
0x1b1: {  	_ =	swait.ge [sflag:s31], $0x2000  }
0x1b2: {  	[sflag:s31] =	ssyncset.done $0x0  }
0x1b3: {  	[sflag:s31] =	ssyncadd.s32 $0xFFFFE000  }
0x1b4: {  	_ =	swait.ge [sflag:s31], $0x2000  }
0x1b5: {  	[sflag:s31] =	ssyncset.done $0x0  }
0x1b6: {  	[sflag:s31] =	ssyncadd.s32 $0xFFFFE000  }
0x1b7: {  	_ =	swait.ge [sflag:s31], $0x2000  }
0x1b8: {  	[sflag:s31] =	ssyncset.done $0x0  }
0x1b9: {  	[sflag:s31] =	ssyncadd.s32 $0xFFFFE000  }
0x1ba: {  	_ =	swait.ge [sflag:s31], $0x2000  }
0x1bb: {  	[sflag:s31] =	ssyncset.done $0x0  }
0x1bc: {  	[sflag:s31] =	ssyncadd.s32 $0xFFFFE000  }
0x1bd: {  	_ =	swait.ge [sflag:s31], $0x2000  }
0x1be: {  	[sflag:s31] =	ssyncset.done $0x0  }
0x1bf: {  	[sflag:s31] =	ssyncadd.s32 $0xFFFFE000  }
0x1c0: {  	_ =	swait.ge [sflag:s31], $0x2000  }
0x1c1: {  	[sflag:s31] =	ssyncset.done $0x0  }
0x1c2: {  	[sflag:s31] =	ssyncadd.s32 $0xFFFFE000  }
0x1c3: {  	_ =	swait.ge [sflag:s31], $0x2000  }
0x1c4: {  	[sflag:s31] =	ssyncset.done $0x0  }
0x1c5: {  	[sflag:s31] =	ssyncadd.s32 $0xFFFFE000  }
0x1c6: {  	_ =	swait.ge [sflag:s31], $0x2000  }
0x1c7: {  	[sflag:s31] =	ssyncset.done $0x0  }
0x1c8: {  	[sflag:s31] =	ssyncadd.s32 $0xFFFFE000  }
0x1c9: {  	_ =	swait.ge [sflag:s31], $0x2000  }
0x1ca: {  	[sflag:s31] =	ssyncset.done $0x0  }
0x1cb: {  	[sflag:s31] =	ssyncadd.s32 $0xFFFFE000  }
0x1cc: {  	_ =	swait.ge [sflag:s31], $0x2000  }
0x1cd: {  	[sflag:s31] =	ssyncset.done $0x0  }
0x1ce: {  	[sflag:s31] =	ssyncadd.s32 $0xFFFFE000  }
0x1cf: {  	_ =	swait.ge [sflag:s31], $0x2000  }
0x1d0: {  	[sflag:s31] =	ssyncset.done $0x0  }
0x1d1: {  	[sflag:s31] =	ssyncadd.s32 $0xFFFFE000  }
0x1d2: {  	_ =	swait.ge [sflag:s31], $0x2000  }
0x1d3: {  	[sflag:s31] =	ssyncset.done $0x0  }
0x1d4: {  	[sflag:s31] =	ssyncadd.s32 $0xFFFFE000  }
0x1d5: {  	_ =	swait.ge [sflag:s31], $0x2000  }
0x1d6: {  	[sflag:s31] =	ssyncset.done $0x0  }
0x1d7: {  	[sflag:s31] =	ssyncadd.s32 $0xFFFFE000  }
0x1d8: {  	_ =	swait.ge [sflag:s31], $0x2000  }
0x1d9: {  	[sflag:s31] =	ssyncset.done $0x0  }
0x1da: {  	[sflag:s31] =	ssyncadd.s32 $0xFFFFE000  }
0x1db: {  	_ =	swait.ge [sflag:s31], $0x2000  }
0x1dc: {  	[sflag:s31] =	ssyncset.done $0x0  }
0x1dd: {  	[sflag:s31] =	ssyncadd.s32 $0xFFFFE000  }
0x1de: {  	_ =	swait.ge [sflag:s31], $0x2000  }
0x1df: {  	[sflag:s31] =	ssyncset.done $0x0  }
0x1e0: {  	[sflag:s31] =	ssyncadd.s32 $0xFFFFE000  }
0x1e1: {  	_ =	swait.ge [sflag:s31], $0x2000  }
0x1e2: {  	[sflag:s31] =	ssyncset.done $0x0  }
0x1e3: {  	[sflag:s31] =	ssyncadd.s32 $0xFFFFE000  }
0x1e4: {  	_ =	swait.ge [sflag:s31], $0x2000  }
0x1e5: {  	[sflag:s31] =	ssyncset.done $0x0  }
0x1e6: {  	[sflag:s31] =	ssyncadd.s32 $0xFFFFE000  }
0x1e7: {  	_ =	swait.ge [sflag:s31], $0x2000  }
0x1e8: {  	[sflag:s31] =	ssyncset.done $0x0  }
0x1e9: {  	[sflag:s31] =	ssyncadd.s32 $0xFFFFE000  }
0x1ea: {  	_ =	swait.ge [sflag:s31], $0x2000  }
0x1eb: {  	[sflag:s31] =	ssyncset.done $0x0  }
0x1ec: {  	[sflag:s31] =	ssyncadd.s32 $0xFFFFE000  }
0x1ed: {  	_ =	swait.ge [sflag:s31], $0x2000  }
0x1ee: {  	[sflag:s31] =	ssyncset.done $0x0  }
0x1ef: {  	[sflag:s31] =	ssyncadd.s32 $0xFFFFE000  }
0x1f0: {  	_ =	swait.ge [sflag:s31], $0x2000  }
0x1f1: {  	[sflag:s31] =	ssyncset.done $0x0  }
0x1f2: {  	[sflag:s31] =	ssyncadd.s32 $0xFFFFE000  }
0x1f3: {  	_ =	swait.ge [sflag:s31], $0x2000  }
0x1f4: {  	[sflag:s31] =	ssyncset.done $0x0  }
0x1f5: {  	[sflag:s31] =	ssyncadd.s32 $0xFFFFE000  }
0x1f6: {  	_ =	swait.ge [sflag:s31], $0x2000  }
0x1f7: {  	[sflag:s31] =	ssyncset.done $0x0  }
0x1f8: {  	[sflag:s31] =	ssyncadd.s32 $0xFFFFE000  }
0x1f9: {  	_ =	swait.ge [sflag:s31], $0x2000  }
0x1fa: {  	[sflag:s31] =	ssyncset.done $0x0  }
0x1fb: {  	[sflag:s31] =	ssyncadd.s32 $0xFFFFE000  }
0x1fc: {  	_ =	swait.ge [sflag:s31], $0x2000  }
0x1fd: {  	[sflag:s31] =	ssyncset.done $0x0  }
0x1fe: {  	[sflag:s31] =	ssyncadd.s32 $0xFFFFE000  }
0x1ff: {  	_ =	swait.ge [sflag:s31], $0x2000  }
0x200: {  	[sflag:s31] =	ssyncset.done $0x0  }
0x201: {  	[sflag:s31] =	ssyncadd.s32 $0xFFFFE000  }
0x202: {  	_ =	swait.ge [sflag:s31], $0x2000  }
0x203: {  	[sflag:s31] =	ssyncset.done $0x0  }
0x204: {  	[sflag:s31] =	ssyncadd.s32 $0xFFFFE000  }
0x205: {  	_ =	swait.ge [sflag:s31], $0x2000  }
0x206: {  	[sflag:s31] =	ssyncset.done $0x0  }
0x207: {  	[sflag:s31] =	ssyncadd.s32 $0xFFFFE000  }
0x208: {  	_ =	swait.ge [sflag:s31], $0x2000  }
0x209: {  	[sflag:s31] =	ssyncset.done $0x0  }
0x20a: {  	[sflag:s31] =	ssyncadd.s32 $0xFFFFE000  }
0x20b: {  	_ =	swait.ge [sflag:s31], $0x2000  }
0x20c: {  	[sflag:s31] =	ssyncset.done $0x0  }
0x20d: {  	s10 =	simm.s32 $0x0;
	[sflag:s31] =	ssyncadd.s32 $0xFFFFE000  }
0x20e: {  	v3 =	vld [tilespmem:s10+$0x7070]  }
0x20f: {  	v7 =	vld [tilespmem:s10+$0x7000]  }
0x210: {  	v8 =	vld [tilespmem:s10+$0x7010]  }
0x211: {  	v6 =	vld [tilespmem:s10+$0x7020]  }
0x212: {  	v5 =	vld [tilespmem:s10+$0x7030]  }
0x213: {  	v2 =	vld [tilespmem:s10+$0x7040];
	v9 =	vmul.f32 v3, v1  }
0x214: {  	v3 =	vld [tilespmem:s10+$0x7050];
	v7 =	vmul.f32 v7, v1  }
0x215: {  	s17 =	simm.s32 $0x80;
	s18 =	simm.s32 $0x400;
	v4 =	vld [tilespmem:s10+$0x7060];
	v8 =	vmul.f32 v8, v1;
	[tilespmem:s10+$0xB070] =	vst v9  }
.LBB2_12:
0x216: {  	p5 =	sne.s32 s18, $0x7E00;
	v9 =	vld [tilespmem:s17+$0x7070];
	[tilespmem:s10+$0xB000] =	vst v7;
	v6 =	vmul.f32 v6, v1  }
0x217: {  	v7 =	vld [tilespmem:s17+$0x7000];
	[tilespmem:s10+$0xB010] =	vst v8;
	v5 =	vmul.f32 v5, v1  }
0x218: {  	v8 =	vld [tilespmem:s17+$0x7010];
	[tilespmem:s10+$0xB020] =	vst v6;
	v2 =	vmul.f32 v2, v1  }
.Ltmp7:
0x219: {  	v6 =	vld [tilespmem:s17+$0x7020];
	[tilespmem:s10+$0xB030] =	vst v5;
	v3 =	vmul.f32 v3, v1;
	(pc) =	sbr.rel @p5 .LBB2_12-.Ltmp7, $4  }
0x21a: {  	v5 =	vld [tilespmem:s17+$0x7030];
	[tilespmem:s10+$0xB040] =	vst v2;
	v4 =	vmul.f32 v4, v1  }
0x21b: {  	v2 =	vld [tilespmem:s17+$0x7040];
	v9 =	vmul.f32 v9, v1;
	[tilespmem:s10+$0xB050] =	vst v3  }
0x21c: {  	v7 =	vmul.f32 v7, v1;
	v3 =	vld [tilespmem:s17+$0x7050];
	[tilespmem:s10+$0xB060] =	vst v4;
	s10 =	smov.u32 s17  }
0x21d: {  	s17 =	sshra.s32 s18, $0x2;
	s18 =	sadd.s32 $0x200, s18;
	v8 =	vmul.f32 v8, v1;
	v4 =	vld [tilespmem:s10+$0x7060];
	[tilespmem:s10+$0xB070] =	vst v9  }
0x21e: {  	v9 =	vld [tilespmem:s17+$0x7070];
	[tilespmem:s10+$0xB000] =	vst v7;
	v6 =	vmul.f32 v6, v1  }
0x21f: {  	v7 =	vld [tilespmem:s17+$0x7000];
	[tilespmem:s10+$0xB010] =	vst v8;
	v5 =	vmul.f32 v5, v1  }
0x220: {  	v8 =	vld [tilespmem:s17+$0x7010];
	[tilespmem:s10+$0xB020] =	vst v6;
	v2 =	vmul.f32 v2, v1  }
0x221: {  	v6 =	vld [tilespmem:s17+$0x7020];
	[tilespmem:s10+$0xB030] =	vst v5;
	v3 =	vmul.f32 v3, v1  }
0x222: {  	v5 =	vld [tilespmem:s17+$0x7030];
	[tilespmem:s10+$0xB040] =	vst v2;
	v4 =	vmul.f32 v4, v1  }
0x223: {  	v2 =	vld [tilespmem:s17+$0x7040];
	[tilespmem:s10+$0xB050] =	vst v3;
	v9 =	vmul.f32 v9, v1  }
0x224: {  	v3 =	vld [tilespmem:s17+$0x7050];
	[tilespmem:s10+$0xB060] =	vst v4;
	v61 =	vmul.f32 v7, v1  }
0x225: {  	v62 =	vld [tilespmem:s17+$0x7060];
	v8 =	vmul.f32 v8, v1;
	[tilespmem:s17+$0xB070] =	vst v9  }
0x226: {  	[tilespmem:s17+$0xB000] =	vst v61;
	v63 =	vmul.f32 v6, v1  }
0x227: {  	[tilespmem:s17+$0xB010] =	vst v8;
	v5 =	vmul.f32 v5, v1  }
0x228: {  	[tilespmem:s17+$0xB020] =	vst v63;
	v2 =	vmul.f32 v2, v1  }
0x229: {  	[tilespmem:s17+$0xB030] =	vst v5;
	v3 =	vmul.f32 v3, v1  }
0x22a: {  	[tilespmem:s17+$0xB040] =	vst v2;
	v2 =	vmul.f32 v62, v1  }
0x22b: {  	[tilespmem:s17+$0xB050] =	vst v3  }
.Ltmp8:
0x22c: {  	s10 =	simm.s32 @!p0 $0x0;
	[tilespmem:s17+$0xB060] =	vst v2;
	s17 =	simm.s32 @!p0 $0xB000;
	(pc) =	sbr.rel @!p0 .LBB2_14-.Ltmp8, $4  }
0x22d: {  	[hbm4b:s7+s10] =	stream.linear.scatter @!p0 [tilespmem:s17], [sflag:$0x4], $0x2000, $0x38;
	[tilespmem:$0xD080] =	vst v63  }
0x22e: {  	s10 =	simm.s32 @!p1 $0x0;
	s17 =	simm.s32 @!p1 $0xB000  }
0x22f: {  	[hbm4b:s8+s10] =	stream.linear.scatter @!p1 [tilespmem:s17], [sflag:$0x4], $0x800, $0x38;
	[tilespmem:$0xD080] =	vst v63  }
0x230: {  	s17 =	simm.s32 $0x0  }
.Ltmp9:
0x231: {  	(pc) =	sbr.rel .LBB2_19-.Ltmp9, $4  }
0x232: {  	_ = 	snop  }
0x233: {  	_ =	swait.ge [sflag:s2], $0x2000  }
0x234: {  	[sflag:s2] =	ssyncset.done $0x0  }
0x235: {  	[sflag:s2] =	ssyncadd.s32 $0xFFFFE000  }
.LBB2_14:
0x236: {  	s10 =	sshra.s32 s17, $0x2;
	s17 =	sadd.s32 $0x200, s17  }
.LBB2_15:
0x237: {  	p5 =	sne.s32 s17, $0x7E00;
	[tilespmem:s10+$0x7070] =	vst v0  }
0x238: {  	[tilespmem:s10+$0x7000] =	vst v0  }
0x239: {  	[tilespmem:s10+$0x7010] =	vst v0  }
.Ltmp10:
0x23a: {  	[tilespmem:s10+$0x7020] =	vst v0;
	(pc) =	sbr.rel @p5 .LBB2_15-.Ltmp10, $4  }
0x23b: {  	[tilespmem:s10+$0x7030] =	vst v0  }
0x23c: {  	[tilespmem:s10+$0x7040] =	vst v0  }
0x23d: {  	[tilespmem:s10+$0x7050] =	vst v0  }
0x23e: {  	[tilespmem:s10+$0x7060] =	vst v0;
	s10 =	sshra.s32 s17, $0x2;
	s17 =	sadd.s32 $0x200, s17  }
0x23f: {  	[tilespmem:s10+$0x7070] =	vst v0  }
0x240: {  	[tilespmem:s10+$0x7000] =	vst v0  }
0x241: {  	[tilespmem:s10+$0x7010] =	vst v0  }
0x242: {  	[tilespmem:s10+$0x7020] =	vst v0  }
0x243: {  	[tilespmem:s10+$0x7030] =	vst v0  }
0x244: {  	[tilespmem:s10+$0x7040] =	vst v0  }
0x245: {  	[tilespmem:s10+$0x7050] =	vst v0  }
0x246: {  	[tilespmem:s10+$0x7060] =	vst v0;
	s17 =	simm.s32 $0x3000  }
0x247: {  	[tilespmem:s0], [sflag:$0x2] =	stream.indirect.gather.add.f32 [hbm:s1], $0x80, s17, s15, $0xb8;
	[tilespmem:$0xD080] =	vst v63  }
0x248: {  	s18 =	simm.s32 $0x3080  }
0x249: {  	[tilespmem:s0], [sflag:$0x2] =	stream.indirect.gather.add.f32 [hbm:s1], $0x80, s18, s15, $0xb8;
	[tilespmem:$0xD080] =	vst v63  }
0x24a: {  	s17 =	simm.s32 $0x3100  }
0x24b: {  	[tilespmem:s0], [sflag:$0x2] =	stream.indirect.gather.add.f32 [hbm:s1], $0x80, s17, s15, $0xb8;
	[tilespmem:$0xD080] =	vst v63  }
0x24c: {  	s18 =	simm.s32 $0x3180  }
0x24d: {  	[tilespmem:s0], [sflag:$0x2] =	stream.indirect.gather.add.f32 [hbm:s1], $0x80, s18, s15, $0xb8;
	[tilespmem:$0xD080] =	vst v63  }
0x24e: {  	s17 =	simm.s32 $0x3200  }
0x24f: {  	[tilespmem:s0], [sflag:$0x2] =	stream.indirect.gather.add.f32 [hbm:s1], $0x80, s17, s15, $0xb8;
	[tilespmem:$0xD080] =	vst v63  }
0x250: {  	s18 =	simm.s32 $0x3280  }
0x251: {  	[tilespmem:s0], [sflag:$0x2] =	stream.indirect.gather.add.f32 [hbm:s1], $0x80, s18, s15, $0xb8;
	[tilespmem:$0xD080] =	vst v63  }
0x252: {  	s17 =	simm.s32 $0x3300  }
0x253: {  	[tilespmem:s0], [sflag:$0x2] =	stream.indirect.gather.add.f32 [hbm:s1], $0x80, s17, s15, $0xb8;
	[tilespmem:$0xD080] =	vst v63  }
0x254: {  	s18 =	simm.s32 $0x3380  }
0x255: {  	[tilespmem:s0], [sflag:$0x2] =	stream.indirect.gather.add.f32 [hbm:s1], $0x80, s18, s15, $0xb8;
	[tilespmem:$0xD080] =	vst v63  }
0x256: {  	s17 =	simm.s32 $0x3400  }
0x257: {  	[tilespmem:s0], [sflag:$0x2] =	stream.indirect.gather.add.f32 [hbm:s1], $0x80, s17, s15, $0xb8;
	[tilespmem:$0xD080] =	vst v63  }
0x258: {  	s18 =	simm.s32 $0x3480  }
0x259: {  	[tilespmem:s0], [sflag:$0x2] =	stream.indirect.gather.add.f32 [hbm:s1], $0x80, s18, s15, $0xb8;
	[tilespmem:$0xD080] =	vst v63  }
0x25a: {  	s17 =	simm.s32 $0x3500  }
0x25b: {  	[tilespmem:s0], [sflag:$0x2] =	stream.indirect.gather.add.f32 [hbm:s1], $0x80, s17, s15, $0xb8;
	[tilespmem:$0xD080] =	vst v63  }
0x25c: {  	s18 =	simm.s32 $0x3580  }
0x25d: {  	[tilespmem:s0], [sflag:$0x2] =	stream.indirect.gather.add.f32 [hbm:s1], $0x80, s18, s15, $0xb8;
	[tilespmem:$0xD080] =	vst v63  }
0x25e: {  	s17 =	simm.s32 $0x3600  }
0x25f: {  	[tilespmem:s0], [sflag:$0x2] =	stream.indirect.gather.add.f32 [hbm:s1], $0x80, s17, s15, $0xb8;
	[tilespmem:$0xD080] =	vst v63  }
0x260: {  	s18 =	simm.s32 $0x3680  }
0x261: {  	[tilespmem:s0], [sflag:$0x2] =	stream.indirect.gather.add.f32 [hbm:s1], $0x80, s18, s15, $0xb8;
	[tilespmem:$0xD080] =	vst v63  }
0x262: {  	s17 =	simm.s32 $0x3700  }
0x263: {  	[tilespmem:s0], [sflag:$0x2] =	stream.indirect.gather.add.f32 [hbm:s1], $0x80, s17, s15, $0xb8;
	[tilespmem:$0xD080] =	vst v63  }
0x264: {  	s18 =	simm.s32 $0x3780  }
0x265: {  	[tilespmem:s0], [sflag:$0x2] =	stream.indirect.gather.add.f32 [hbm:s1], $0x80, s18, s15, $0xb8;
	[tilespmem:$0xD080] =	vst v63  }
0x266: {  	s17 =	simm.s32 $0x3800  }
0x267: {  	[tilespmem:s0], [sflag:$0x2] =	stream.indirect.gather.add.f32 [hbm:s1], $0x80, s17, s15, $0xb8;
	[tilespmem:$0xD080] =	vst v63  }
0x268: {  	s18 =	simm.s32 $0x3880  }
0x269: {  	[tilespmem:s0], [sflag:$0x2] =	stream.indirect.gather.add.f32 [hbm:s1], $0x80, s18, s15, $0xb8;
	[tilespmem:$0xD080] =	vst v63  }
0x26a: {  	s17 =	simm.s32 $0x3900  }
0x26b: {  	[tilespmem:s0], [sflag:$0x2] =	stream.indirect.gather.add.f32 [hbm:s1], $0x80, s17, s15, $0xb8;
	[tilespmem:$0xD080] =	vst v63  }
0x26c: {  	s18 =	simm.s32 $0x3980  }
0x26d: {  	[tilespmem:s0], [sflag:$0x2] =	stream.indirect.gather.add.f32 [hbm:s1], $0x80, s18, s15, $0xb8;
	[tilespmem:$0xD080] =	vst v63  }
0x26e: {  	s17 =	simm.s32 $0x3A00  }
0x26f: {  	[tilespmem:s0], [sflag:$0x2] =	stream.indirect.gather.add.f32 [hbm:s1], $0x80, s17, s15, $0xb8;
	[tilespmem:$0xD080] =	vst v63  }
0x270: {  	s18 =	simm.s32 $0x3A80  }
0x271: {  	[tilespmem:s0], [sflag:$0x2] =	stream.indirect.gather.add.f32 [hbm:s1], $0x80, s18, s15, $0xb8;
	[tilespmem:$0xD080] =	vst v63  }
0x272: {  	s17 =	simm.s32 $0x3B00  }
0x273: {  	[tilespmem:s0], [sflag:$0x2] =	stream.indirect.gather.add.f32 [hbm:s1], $0x80, s17, s15, $0xb8;
	[tilespmem:$0xD080] =	vst v63  }
0x274: {  	s18 =	simm.s32 $0x3B80  }
0x275: {  	[tilespmem:s0], [sflag:$0x2] =	stream.indirect.gather.add.f32 [hbm:s1], $0x80, s18, s15, $0xb8;
	[tilespmem:$0xD080] =	vst v63  }
0x276: {  	s17 =	simm.s32 $0x3C00  }
0x277: {  	[tilespmem:s0], [sflag:$0x2] =	stream.indirect.gather.add.f32 [hbm:s1], $0x80, s17, s15, $0xb8;
	[tilespmem:$0xD080] =	vst v63  }
0x278: {  	s18 =	simm.s32 $0x3C80  }
0x279: {  	[tilespmem:s0], [sflag:$0x2] =	stream.indirect.gather.add.f32 [hbm:s1], $0x80, s18, s15, $0xb8;
	[tilespmem:$0xD080] =	vst v63  }
0x27a: {  	s17 =	simm.s32 $0x3D00  }
0x27b: {  	[tilespmem:s0], [sflag:$0x2] =	stream.indirect.gather.add.f32 [hbm:s1], $0x80, s17, s15, $0xb8;
	[tilespmem:$0xD080] =	vst v63  }
0x27c: {  	s18 =	simm.s32 $0x3D80  }
0x27d: {  	[tilespmem:s0], [sflag:$0x2] =	stream.indirect.gather.add.f32 [hbm:s1], $0x80, s18, s15, $0xb8;
	[tilespmem:$0xD080] =	vst v63  }
0x27e: {  	s17 =	simm.s32 $0x3E00  }
0x27f: {  	[tilespmem:s0], [sflag:$0x2] =	stream.indirect.gather.add.f32 [hbm:s1], $0x80, s17, s15, $0xb8;
	[tilespmem:$0xD080] =	vst v63  }
0x280: {  	s18 =	simm.s32 $0x3E80  }
0x281: {  	[tilespmem:s0], [sflag:$0x2] =	stream.indirect.gather.add.f32 [hbm:s1], $0x80, s18, s15, $0xb8;
	[tilespmem:$0xD080] =	vst v63  }
0x282: {  	s17 =	simm.s32 $0x3F00  }
0x283: {  	[tilespmem:s0], [sflag:$0x2] =	stream.indirect.gather.add.f32 [hbm:s1], $0x80, s17, s15, $0xb8;
	[tilespmem:$0xD080] =	vst v63  }
0x284: {  	s18 =	simm.s32 $0x3F80  }
0x285: {  	[tilespmem:s0], [sflag:$0x2] =	stream.indirect.gather.add.f32 [hbm:s1], $0x80, s18, s15, $0xb8;
	[tilespmem:$0xD080] =	vst v63  }
0x286: {  	_ =	swait.ge [sflag:s29], $0x2000  }
0x287: {  	[sflag:s29] =	ssyncset.done $0x0  }
0x288: {  	[sflag:s29] =	ssyncadd.s32 $0xFFFFE000  }
0x289: {  	_ =	swait.ge [sflag:s29], $0x2000  }
0x28a: {  	[sflag:s29] =	ssyncset.done $0x0  }
0x28b: {  	[sflag:s29] =	ssyncadd.s32 $0xFFFFE000  }
0x28c: {  	_ =	swait.ge [sflag:s29], $0x2000  }
0x28d: {  	[sflag:s29] =	ssyncset.done $0x0  }
0x28e: {  	[sflag:s29] =	ssyncadd.s32 $0xFFFFE000  }
0x28f: {  	_ =	swait.ge [sflag:s29], $0x2000  }
0x290: {  	[sflag:s29] =	ssyncset.done $0x0  }
0x291: {  	[sflag:s29] =	ssyncadd.s32 $0xFFFFE000  }
0x292: {  	_ =	swait.ge [sflag:s29], $0x2000  }
0x293: {  	[sflag:s29] =	ssyncset.done $0x0  }
0x294: {  	[sflag:s29] =	ssyncadd.s32 $0xFFFFE000  }
0x295: {  	_ =	swait.ge [sflag:s29], $0x2000  }
0x296: {  	[sflag:s29] =	ssyncset.done $0x0  }
0x297: {  	[sflag:s29] =	ssyncadd.s32 $0xFFFFE000  }
0x298: {  	_ =	swait.ge [sflag:s29], $0x2000  }
0x299: {  	[sflag:s29] =	ssyncset.done $0x0  }
0x29a: {  	[sflag:s29] =	ssyncadd.s32 $0xFFFFE000  }
0x29b: {  	_ =	swait.ge [sflag:s29], $0x2000  }
0x29c: {  	[sflag:s29] =	ssyncset.done $0x0  }
0x29d: {  	[sflag:s29] =	ssyncadd.s32 $0xFFFFE000  }
0x29e: {  	_ =	swait.ge [sflag:s29], $0x2000  }
0x29f: {  	[sflag:s29] =	ssyncset.done $0x0  }
0x2a0: {  	[sflag:s29] =	ssyncadd.s32 $0xFFFFE000  }
0x2a1: {  	_ =	swait.ge [sflag:s29], $0x2000  }
0x2a2: {  	[sflag:s29] =	ssyncset.done $0x0  }
0x2a3: {  	[sflag:s29] =	ssyncadd.s32 $0xFFFFE000  }
0x2a4: {  	_ =	swait.ge [sflag:s29], $0x2000  }
0x2a5: {  	[sflag:s29] =	ssyncset.done $0x0  }
0x2a6: {  	[sflag:s29] =	ssyncadd.s32 $0xFFFFE000  }
0x2a7: {  	_ =	swait.ge [sflag:s29], $0x2000  }
0x2a8: {  	[sflag:s29] =	ssyncset.done $0x0  }
0x2a9: {  	[sflag:s29] =	ssyncadd.s32 $0xFFFFE000  }
0x2aa: {  	_ =	swait.ge [sflag:s29], $0x2000  }
0x2ab: {  	[sflag:s29] =	ssyncset.done $0x0  }
0x2ac: {  	[sflag:s29] =	ssyncadd.s32 $0xFFFFE000  }
0x2ad: {  	_ =	swait.ge [sflag:s29], $0x2000  }
0x2ae: {  	[sflag:s29] =	ssyncset.done $0x0  }
0x2af: {  	[sflag:s29] =	ssyncadd.s32 $0xFFFFE000  }
0x2b0: {  	_ =	swait.ge [sflag:s29], $0x2000  }
0x2b1: {  	[sflag:s29] =	ssyncset.done $0x0  }
0x2b2: {  	[sflag:s29] =	ssyncadd.s32 $0xFFFFE000  }
0x2b3: {  	_ =	swait.ge [sflag:s29], $0x2000  }
0x2b4: {  	[sflag:s29] =	ssyncset.done $0x0  }
0x2b5: {  	[sflag:s29] =	ssyncadd.s32 $0xFFFFE000  }
0x2b6: {  	_ =	swait.ge [sflag:s29], $0x2000  }
0x2b7: {  	[sflag:s29] =	ssyncset.done $0x0  }
0x2b8: {  	[sflag:s29] =	ssyncadd.s32 $0xFFFFE000  }
0x2b9: {  	_ =	swait.ge [sflag:s29], $0x2000  }
0x2ba: {  	[sflag:s29] =	ssyncset.done $0x0  }
0x2bb: {  	[sflag:s29] =	ssyncadd.s32 $0xFFFFE000  }
0x2bc: {  	_ =	swait.ge [sflag:s29], $0x2000  }
0x2bd: {  	[sflag:s29] =	ssyncset.done $0x0  }
0x2be: {  	[sflag:s29] =	ssyncadd.s32 $0xFFFFE000  }
0x2bf: {  	_ =	swait.ge [sflag:s29], $0x2000  }
0x2c0: {  	[sflag:s29] =	ssyncset.done $0x0  }
0x2c1: {  	[sflag:s29] =	ssyncadd.s32 $0xFFFFE000  }
0x2c2: {  	_ =	swait.ge [sflag:s29], $0x2000  }
0x2c3: {  	[sflag:s29] =	ssyncset.done $0x0  }
0x2c4: {  	[sflag:s29] =	ssyncadd.s32 $0xFFFFE000  }
0x2c5: {  	_ =	swait.ge [sflag:s29], $0x2000  }
0x2c6: {  	[sflag:s29] =	ssyncset.done $0x0  }
0x2c7: {  	[sflag:s29] =	ssyncadd.s32 $0xFFFFE000  }
0x2c8: {  	_ =	swait.ge [sflag:s29], $0x2000  }
0x2c9: {  	[sflag:s29] =	ssyncset.done $0x0  }
0x2ca: {  	[sflag:s29] =	ssyncadd.s32 $0xFFFFE000  }
0x2cb: {  	_ =	swait.ge [sflag:s29], $0x2000  }
0x2cc: {  	[sflag:s29] =	ssyncset.done $0x0  }
0x2cd: {  	[sflag:s29] =	ssyncadd.s32 $0xFFFFE000  }
0x2ce: {  	_ =	swait.ge [sflag:s29], $0x2000  }
0x2cf: {  	[sflag:s29] =	ssyncset.done $0x0  }
0x2d0: {  	[sflag:s29] =	ssyncadd.s32 $0xFFFFE000  }
0x2d1: {  	_ =	swait.ge [sflag:s29], $0x2000  }
0x2d2: {  	[sflag:s29] =	ssyncset.done $0x0  }
0x2d3: {  	[sflag:s29] =	ssyncadd.s32 $0xFFFFE000  }
0x2d4: {  	_ =	swait.ge [sflag:s29], $0x2000  }
0x2d5: {  	[sflag:s29] =	ssyncset.done $0x0  }
0x2d6: {  	[sflag:s29] =	ssyncadd.s32 $0xFFFFE000  }
0x2d7: {  	_ =	swait.ge [sflag:s29], $0x2000  }
0x2d8: {  	[sflag:s29] =	ssyncset.done $0x0  }
0x2d9: {  	[sflag:s29] =	ssyncadd.s32 $0xFFFFE000  }
0x2da: {  	_ =	swait.ge [sflag:s29], $0x2000  }
0x2db: {  	[sflag:s29] =	ssyncset.done $0x0  }
0x2dc: {  	[sflag:s29] =	ssyncadd.s32 $0xFFFFE000  }
0x2dd: {  	_ =	swait.ge [sflag:s29], $0x2000  }
0x2de: {  	[sflag:s29] =	ssyncset.done $0x0  }
0x2df: {  	[sflag:s29] =	ssyncadd.s32 $0xFFFFE000  }
0x2e0: {  	_ =	swait.ge [sflag:s29], $0x2000  }
0x2e1: {  	[sflag:s29] =	ssyncset.done $0x0  }
0x2e2: {  	[sflag:s29] =	ssyncadd.s32 $0xFFFFE000  }
0x2e3: {  	_ =	swait.ge [sflag:s29], $0x2000  }
0x2e4: {  	[sflag:s29] =	ssyncset.done $0x0  }
0x2e5: {  	[sflag:s29] =	ssyncadd.s32 $0xFFFFE000  }
0x2e6: {  	_ =	swait.ge [sflag:s2], $0x2000  }
0x2e7: {  	[sflag:s2] =	ssyncset.done $0x0  }
0x2e8: {  	s10 =	simm.s32 $0x0;
	[sflag:s2] =	ssyncadd.s32 $0xFFFFE000  }
0x2e9: {  	v3 =	vld [tilespmem:s10+$0x5070]  }
0x2ea: {  	v7 =	vld [tilespmem:s10+$0x5000]  }
0x2eb: {  	v8 =	vld [tilespmem:s10+$0x5010]  }
0x2ec: {  	v6 =	vld [tilespmem:s10+$0x5020]  }
0x2ed: {  	v5 =	vld [tilespmem:s10+$0x5030]  }
0x2ee: {  	v2 =	vld [tilespmem:s10+$0x5040];
	v9 =	vmul.f32 v3, v1  }
0x2ef: {  	v3 =	vld [tilespmem:s10+$0x5050];
	v7 =	vmul.f32 v7, v1  }
0x2f0: {  	s17 =	simm.s32 $0x80;
	s18 =	simm.s32 $0x400;
	v4 =	vld [tilespmem:s10+$0x5060];
	v8 =	vmul.f32 v8, v1;
	[tilespmem:s10+$0x9070] =	vst v9  }
.LBB2_17:
0x2f1: {  	p5 =	seq.s32 s18, $0x7E00;
	v9 =	vld [tilespmem:s17+$0x5070];
	[tilespmem:s10+$0x9000] =	vst v7;
	v6 =	vmul.f32 v6, v1  }
0x2f2: {  	v7 =	vld [tilespmem:s17+$0x5000];
	[tilespmem:s10+$0x9010] =	vst v8;
	v5 =	vmul.f32 v5, v1  }
0x2f3: {  	v8 =	vld [tilespmem:s17+$0x5010];
	[tilespmem:s10+$0x9020] =	vst v6;
	v2 =	vmul.f32 v2, v1  }
.Ltmp11:
0x2f4: {  	v6 =	vld [tilespmem:s17+$0x5020];
	[tilespmem:s10+$0x9030] =	vst v5;
	v3 =	vmul.f32 v3, v1;
	(pc) =	sbr.rel @!p5 .LBB2_17-.Ltmp11, $4  }
0x2f5: {  	v5 =	vld [tilespmem:s17+$0x5030];
	[tilespmem:s10+$0x9040] =	vst v2;
	v4 =	vmul.f32 v4, v1  }
0x2f6: {  	v2 =	vld [tilespmem:s17+$0x5040];
	v9 =	vmul.f32 v9, v1;
	[tilespmem:s10+$0x9050] =	vst v3  }
0x2f7: {  	v7 =	vmul.f32 v7, v1;
	v3 =	vld [tilespmem:s17+$0x5050];
	[tilespmem:s10+$0x9060] =	vst v4;
	s10 =	smov.u32 s17  }
0x2f8: {  	s17 =	sshra.s32 s18, $0x2;
	s18 =	sadd.s32 $0x200, s18;
	v8 =	vmul.f32 v8, v1;
	v4 =	vld [tilespmem:s10+$0x5060];
	[tilespmem:s10+$0x9070] =	vst v9  }
0x2f9: {  	v9 =	vld [tilespmem:s17+$0x5070];
	[tilespmem:s10+$0x9000] =	vst v7;
	v6 =	vmul.f32 v6, v1  }
0x2fa: {  	v7 =	vld [tilespmem:s17+$0x5000];
	[tilespmem:s10+$0x9010] =	vst v8;
	v5 =	vmul.f32 v5, v1  }
0x2fb: {  	v8 =	vld [tilespmem:s17+$0x5010];
	[tilespmem:s10+$0x9020] =	vst v6;
	v2 =	vmul.f32 v2, v1  }
0x2fc: {  	v6 =	vld [tilespmem:s17+$0x5020];
	[tilespmem:s10+$0x9030] =	vst v5;
	v3 =	vmul.f32 v3, v1  }
0x2fd: {  	v5 =	vld [tilespmem:s17+$0x5030];
	[tilespmem:s10+$0x9040] =	vst v2;
	v4 =	vmul.f32 v4, v1  }
0x2fe: {  	v2 =	vld [tilespmem:s17+$0x5040];
	[tilespmem:s10+$0x9050] =	vst v3;
	v9 =	vmul.f32 v9, v1  }
0x2ff: {  	v3 =	vld [tilespmem:s17+$0x5050];
	[tilespmem:s10+$0x9060] =	vst v4;
	v61 =	vmul.f32 v7, v1  }
0x300: {  	v62 =	vld [tilespmem:s17+$0x5060];
	v8 =	vmul.f32 v8, v1;
	[tilespmem:s17+$0x9070] =	vst v9  }
0x301: {  	[tilespmem:s17+$0x9000] =	vst v61;
	v63 =	vmul.f32 v6, v1  }
0x302: {  	[tilespmem:s17+$0x9010] =	vst v8;
	v5 =	vmul.f32 v5, v1  }
0x303: {  	[tilespmem:s17+$0x9020] =	vst v63;
	v2 =	vmul.f32 v2, v1  }
0x304: {  	[tilespmem:s17+$0x9030] =	vst v5;
	v3 =	vmul.f32 v3, v1  }
0x305: {  	[tilespmem:s17+$0x9040] =	vst v2;
	v2 =	vmul.f32 v62, v1  }
0x306: {  	[tilespmem:s17+$0x9050] =	vst v3  }
0x307: {  	s18 =	rddreg [dreg:$0x4];
	[tilespmem:s17+$0x9060] =	vst v2  }
0x308: {  	[hbm4b:s18+s3] =	stream.linear.scatter [tilespmem:s30], [sflag:$0x3], $0x2000, $0x38;
	[tilespmem:$0xD080] =	vst v63  }
.LBB2_19:
.Ltmp12:
0x309: {  	(pc) =	sbr.rel @p0 .LBB2_23-.Ltmp12, $4  }
0x30a: {  	_ = 	snop  }
0x30b: {  	s10 =	simm.s32 @!p2 $0x0;
	s17 =	simm.s32 @!p2 $0x9000  }
0x30c: {  	[hbm4b:s8+s10] =	stream.linear.scatter @!p2 [tilespmem:s17], [sflag:$0x3], $0x800, $0x38;
	[tilespmem:$0xD080] =	vst v63  }
0x30d: {  	s17 =	simm.s32 $0x0  }
0x30e: {  	s10 =	sshra.s32 s17, $0x2;
	s17 =	sadd.s32 $0x200, s17  }
.LBB2_21:
0x30f: {  	p5 =	sne.s32 s17, $0x7E00;
	[tilespmem:s10+$0x5070] =	vst v0  }
0x310: {  	[tilespmem:s10+$0x5000] =	vst v0  }
0x311: {  	[tilespmem:s10+$0x5010] =	vst v0  }
.Ltmp13:
0x312: {  	[tilespmem:s10+$0x5020] =	vst v0;
	(pc) =	sbr.rel @p5 .LBB2_21-.Ltmp13, $4  }
0x313: {  	[tilespmem:s10+$0x5030] =	vst v0  }
0x314: {  	[tilespmem:s10+$0x5040] =	vst v0  }
0x315: {  	[tilespmem:s10+$0x5050] =	vst v0  }
0x316: {  	[tilespmem:s10+$0x5060] =	vst v0;
	s10 =	sshra.s32 s17, $0x2;
	s17 =	sadd.s32 $0x200, s17  }
0x317: {  	[tilespmem:s10+$0x5070] =	vst v0  }
0x318: {  	[tilespmem:s10+$0x5000] =	vst v0  }
0x319: {  	[tilespmem:s10+$0x5010] =	vst v0  }
0x31a: {  	[tilespmem:s10+$0x5020] =	vst v0  }
0x31b: {  	[tilespmem:s10+$0x5030] =	vst v0  }
0x31c: {  	[tilespmem:s10+$0x5040] =	vst v0  }
0x31d: {  	[tilespmem:s10+$0x5050] =	vst v0  }
0x31e: {  	[tilespmem:s10+$0x5060] =	vst v0;
	s17 =	simm.s32 $0x4000  }
0x31f: {  	[tilespmem:s16], [sflag:$0x1] =	stream.indirect.gather.add.f32 [hbm:s1], $0x80, s17, s15, $0xb8;
	[tilespmem:$0xD080] =	vst v63  }
0x320: {  	s18 =	simm.s32 $0x4080  }
0x321: {  	[tilespmem:s16], [sflag:$0x1] =	stream.indirect.gather.add.f32 [hbm:s1], $0x80, s18, s15, $0xb8;
	[tilespmem:$0xD080] =	vst v63  }
0x322: {  	s17 =	simm.s32 $0x4100  }
0x323: {  	[tilespmem:s16], [sflag:$0x1] =	stream.indirect.gather.add.f32 [hbm:s1], $0x80, s17, s15, $0xb8;
	[tilespmem:$0xD080] =	vst v63  }
0x324: {  	s18 =	simm.s32 $0x4180  }
0x325: {  	[tilespmem:s16], [sflag:$0x1] =	stream.indirect.gather.add.f32 [hbm:s1], $0x80, s18, s15, $0xb8;
	[tilespmem:$0xD080] =	vst v63  }
0x326: {  	s17 =	simm.s32 $0x4200  }
0x327: {  	[tilespmem:s16], [sflag:$0x1] =	stream.indirect.gather.add.f32 [hbm:s1], $0x80, s17, s15, $0xb8;
	[tilespmem:$0xD080] =	vst v63  }
0x328: {  	s18 =	simm.s32 $0x4280  }
0x329: {  	[tilespmem:s16], [sflag:$0x1] =	stream.indirect.gather.add.f32 [hbm:s1], $0x80, s18, s15, $0xb8;
	[tilespmem:$0xD080] =	vst v63  }
0x32a: {  	s17 =	simm.s32 $0x4300  }
0x32b: {  	[tilespmem:s16], [sflag:$0x1] =	stream.indirect.gather.add.f32 [hbm:s1], $0x80, s17, s15, $0xb8;
	[tilespmem:$0xD080] =	vst v63  }
0x32c: {  	s18 =	simm.s32 $0x4380  }
0x32d: {  	[tilespmem:s16], [sflag:$0x1] =	stream.indirect.gather.add.f32 [hbm:s1], $0x80, s18, s15, $0xb8;
	[tilespmem:$0xD080] =	vst v63  }
0x32e: {  	s17 =	simm.s32 $0x4400  }
0x32f: {  	[tilespmem:s16], [sflag:$0x1] =	stream.indirect.gather.add.f32 [hbm:s1], $0x80, s17, s15, $0xb8;
	[tilespmem:$0xD080] =	vst v63  }
0x330: {  	s18 =	simm.s32 $0x4480  }
0x331: {  	[tilespmem:s16], [sflag:$0x1] =	stream.indirect.gather.add.f32 [hbm:s1], $0x80, s18, s15, $0xb8;
	[tilespmem:$0xD080] =	vst v63  }
0x332: {  	s17 =	simm.s32 $0x4500  }
0x333: {  	[tilespmem:s16], [sflag:$0x1] =	stream.indirect.gather.add.f32 [hbm:s1], $0x80, s17, s15, $0xb8;
	[tilespmem:$0xD080] =	vst v63  }
0x334: {  	s18 =	simm.s32 $0x4580  }
0x335: {  	[tilespmem:s16], [sflag:$0x1] =	stream.indirect.gather.add.f32 [hbm:s1], $0x80, s18, s15, $0xb8;
	[tilespmem:$0xD080] =	vst v63  }
0x336: {  	s17 =	simm.s32 $0x4600  }
0x337: {  	[tilespmem:s16], [sflag:$0x1] =	stream.indirect.gather.add.f32 [hbm:s1], $0x80, s17, s15, $0xb8;
	[tilespmem:$0xD080] =	vst v63  }
0x338: {  	s18 =	simm.s32 $0x4680  }
0x339: {  	[tilespmem:s16], [sflag:$0x1] =	stream.indirect.gather.add.f32 [hbm:s1], $0x80, s18, s15, $0xb8;
	[tilespmem:$0xD080] =	vst v63  }
0x33a: {  	s17 =	simm.s32 $0x4700  }
0x33b: {  	[tilespmem:s16], [sflag:$0x1] =	stream.indirect.gather.add.f32 [hbm:s1], $0x80, s17, s15, $0xb8;
	[tilespmem:$0xD080] =	vst v63  }
0x33c: {  	s18 =	simm.s32 $0x4780  }
0x33d: {  	[tilespmem:s16], [sflag:$0x1] =	stream.indirect.gather.add.f32 [hbm:s1], $0x80, s18, s15, $0xb8;
	[tilespmem:$0xD080] =	vst v63  }
0x33e: {  	s17 =	simm.s32 $0x4800  }
0x33f: {  	[tilespmem:s16], [sflag:$0x1] =	stream.indirect.gather.add.f32 [hbm:s1], $0x80, s17, s15, $0xb8;
	[tilespmem:$0xD080] =	vst v63  }
0x340: {  	s18 =	simm.s32 $0x4880  }
0x341: {  	[tilespmem:s16], [sflag:$0x1] =	stream.indirect.gather.add.f32 [hbm:s1], $0x80, s18, s15, $0xb8;
	[tilespmem:$0xD080] =	vst v63  }
0x342: {  	s17 =	simm.s32 $0x4900  }
0x343: {  	[tilespmem:s16], [sflag:$0x1] =	stream.indirect.gather.add.f32 [hbm:s1], $0x80, s17, s15, $0xb8;
	[tilespmem:$0xD080] =	vst v63  }
0x344: {  	s18 =	simm.s32 $0x4980  }
0x345: {  	[tilespmem:s16], [sflag:$0x1] =	stream.indirect.gather.add.f32 [hbm:s1], $0x80, s18, s15, $0xb8;
	[tilespmem:$0xD080] =	vst v63  }
0x346: {  	s17 =	simm.s32 $0x4A00  }
0x347: {  	[tilespmem:s16], [sflag:$0x1] =	stream.indirect.gather.add.f32 [hbm:s1], $0x80, s17, s15, $0xb8;
	[tilespmem:$0xD080] =	vst v63  }
0x348: {  	s18 =	simm.s32 $0x4A80  }
0x349: {  	[tilespmem:s16], [sflag:$0x1] =	stream.indirect.gather.add.f32 [hbm:s1], $0x80, s18, s15, $0xb8;
	[tilespmem:$0xD080] =	vst v63  }
0x34a: {  	s17 =	simm.s32 $0x4B00  }
0x34b: {  	[tilespmem:s16], [sflag:$0x1] =	stream.indirect.gather.add.f32 [hbm:s1], $0x80, s17, s15, $0xb8;
	[tilespmem:$0xD080] =	vst v63  }
0x34c: {  	s18 =	simm.s32 $0x4B80  }
0x34d: {  	[tilespmem:s16], [sflag:$0x1] =	stream.indirect.gather.add.f32 [hbm:s1], $0x80, s18, s15, $0xb8;
	[tilespmem:$0xD080] =	vst v63  }
0x34e: {  	s17 =	simm.s32 $0x4C00  }
0x34f: {  	[tilespmem:s16], [sflag:$0x1] =	stream.indirect.gather.add.f32 [hbm:s1], $0x80, s17, s15, $0xb8;
	[tilespmem:$0xD080] =	vst v63  }
0x350: {  	s18 =	simm.s32 $0x4C80  }
0x351: {  	[tilespmem:s16], [sflag:$0x1] =	stream.indirect.gather.add.f32 [hbm:s1], $0x80, s18, s15, $0xb8;
	[tilespmem:$0xD080] =	vst v63  }
0x352: {  	s17 =	simm.s32 $0x4D00  }
0x353: {  	[tilespmem:s16], [sflag:$0x1] =	stream.indirect.gather.add.f32 [hbm:s1], $0x80, s17, s15, $0xb8;
	[tilespmem:$0xD080] =	vst v63  }
0x354: {  	s18 =	simm.s32 $0x4D80  }
0x355: {  	[tilespmem:s16], [sflag:$0x1] =	stream.indirect.gather.add.f32 [hbm:s1], $0x80, s18, s15, $0xb8;
	[tilespmem:$0xD080] =	vst v63  }
0x356: {  	s17 =	simm.s32 $0x4E00  }
0x357: {  	[tilespmem:s16], [sflag:$0x1] =	stream.indirect.gather.add.f32 [hbm:s1], $0x80, s17, s15, $0xb8;
	[tilespmem:$0xD080] =	vst v63  }
0x358: {  	s18 =	simm.s32 $0x4E80  }
0x359: {  	[tilespmem:s16], [sflag:$0x1] =	stream.indirect.gather.add.f32 [hbm:s1], $0x80, s18, s15, $0xb8;
	[tilespmem:$0xD080] =	vst v63  }
0x35a: {  	s17 =	simm.s32 $0x4F00  }
0x35b: {  	[tilespmem:s16], [sflag:$0x1] =	stream.indirect.gather.add.f32 [hbm:s1], $0x80, s17, s15, $0xb8;
	[tilespmem:$0xD080] =	vst v63  }
0x35c: {  	s18 =	simm.s32 $0x4F80  }
0x35d: {  	[tilespmem:s16], [sflag:$0x1] =	stream.indirect.gather.add.f32 [hbm:s1], $0x80, s18, s15, $0xb8;
	[tilespmem:$0xD080] =	vst v63  }
0x35e: {  	_ =	swait.ge [sflag:s31], $0x2000  }
0x35f: {  	[sflag:s31] =	ssyncset.done $0x0  }
0x360: {  	[sflag:s31] =	ssyncadd.s32 $0xFFFFE000  }
0x361: {  	_ =	swait.ge [sflag:s31], $0x2000  }
0x362: {  	[sflag:s31] =	ssyncset.done $0x0  }
0x363: {  	[sflag:s31] =	ssyncadd.s32 $0xFFFFE000  }
0x364: {  	_ =	swait.ge [sflag:s31], $0x2000  }
0x365: {  	[sflag:s31] =	ssyncset.done $0x0  }
0x366: {  	[sflag:s31] =	ssyncadd.s32 $0xFFFFE000  }
0x367: {  	_ =	swait.ge [sflag:s31], $0x2000  }
0x368: {  	[sflag:s31] =	ssyncset.done $0x0  }
0x369: {  	[sflag:s31] =	ssyncadd.s32 $0xFFFFE000  }
0x36a: {  	_ =	swait.ge [sflag:s31], $0x2000  }
0x36b: {  	[sflag:s31] =	ssyncset.done $0x0  }
0x36c: {  	[sflag:s31] =	ssyncadd.s32 $0xFFFFE000  }
0x36d: {  	_ =	swait.ge [sflag:s31], $0x2000  }
0x36e: {  	[sflag:s31] =	ssyncset.done $0x0  }
0x36f: {  	[sflag:s31] =	ssyncadd.s32 $0xFFFFE000  }
0x370: {  	_ =	swait.ge [sflag:s31], $0x2000  }
0x371: {  	[sflag:s31] =	ssyncset.done $0x0  }
0x372: {  	[sflag:s31] =	ssyncadd.s32 $0xFFFFE000  }
0x373: {  	_ =	swait.ge [sflag:s31], $0x2000  }
0x374: {  	[sflag:s31] =	ssyncset.done $0x0  }
0x375: {  	[sflag:s31] =	ssyncadd.s32 $0xFFFFE000  }
0x376: {  	_ =	swait.ge [sflag:s31], $0x2000  }
0x377: {  	[sflag:s31] =	ssyncset.done $0x0  }
0x378: {  	[sflag:s31] =	ssyncadd.s32 $0xFFFFE000  }
0x379: {  	_ =	swait.ge [sflag:s31], $0x2000  }
0x37a: {  	[sflag:s31] =	ssyncset.done $0x0  }
0x37b: {  	[sflag:s31] =	ssyncadd.s32 $0xFFFFE000  }
0x37c: {  	_ =	swait.ge [sflag:s31], $0x2000  }
0x37d: {  	[sflag:s31] =	ssyncset.done $0x0  }
0x37e: {  	[sflag:s31] =	ssyncadd.s32 $0xFFFFE000  }
0x37f: {  	_ =	swait.ge [sflag:s31], $0x2000  }
0x380: {  	[sflag:s31] =	ssyncset.done $0x0  }
0x381: {  	[sflag:s31] =	ssyncadd.s32 $0xFFFFE000  }
0x382: {  	_ =	swait.ge [sflag:s31], $0x2000  }
0x383: {  	[sflag:s31] =	ssyncset.done $0x0  }
0x384: {  	[sflag:s31] =	ssyncadd.s32 $0xFFFFE000  }
0x385: {  	_ =	swait.ge [sflag:s31], $0x2000  }
0x386: {  	[sflag:s31] =	ssyncset.done $0x0  }
0x387: {  	[sflag:s31] =	ssyncadd.s32 $0xFFFFE000  }
0x388: {  	_ =	swait.ge [sflag:s31], $0x2000  }
0x389: {  	[sflag:s31] =	ssyncset.done $0x0  }
0x38a: {  	[sflag:s31] =	ssyncadd.s32 $0xFFFFE000  }
0x38b: {  	_ =	swait.ge [sflag:s31], $0x2000  }
0x38c: {  	[sflag:s31] =	ssyncset.done $0x0  }
0x38d: {  	[sflag:s31] =	ssyncadd.s32 $0xFFFFE000  }
0x38e: {  	_ =	swait.ge [sflag:s31], $0x2000  }
0x38f: {  	[sflag:s31] =	ssyncset.done $0x0  }
0x390: {  	[sflag:s31] =	ssyncadd.s32 $0xFFFFE000  }
0x391: {  	_ =	swait.ge [sflag:s31], $0x2000  }
0x392: {  	[sflag:s31] =	ssyncset.done $0x0  }
0x393: {  	[sflag:s31] =	ssyncadd.s32 $0xFFFFE000  }
0x394: {  	_ =	swait.ge [sflag:s31], $0x2000  }
0x395: {  	[sflag:s31] =	ssyncset.done $0x0  }
0x396: {  	[sflag:s31] =	ssyncadd.s32 $0xFFFFE000  }
0x397: {  	_ =	swait.ge [sflag:s31], $0x2000  }
0x398: {  	[sflag:s31] =	ssyncset.done $0x0  }
0x399: {  	[sflag:s31] =	ssyncadd.s32 $0xFFFFE000  }
0x39a: {  	_ =	swait.ge [sflag:s31], $0x2000  }
0x39b: {  	[sflag:s31] =	ssyncset.done $0x0  }
0x39c: {  	[sflag:s31] =	ssyncadd.s32 $0xFFFFE000  }
0x39d: {  	_ =	swait.ge [sflag:s31], $0x2000  }
0x39e: {  	[sflag:s31] =	ssyncset.done $0x0  }
0x39f: {  	[sflag:s31] =	ssyncadd.s32 $0xFFFFE000  }
0x3a0: {  	_ =	swait.ge [sflag:s31], $0x2000  }
0x3a1: {  	[sflag:s31] =	ssyncset.done $0x0  }
0x3a2: {  	[sflag:s31] =	ssyncadd.s32 $0xFFFFE000  }
0x3a3: {  	_ =	swait.ge [sflag:s31], $0x2000  }
0x3a4: {  	[sflag:s31] =	ssyncset.done $0x0  }
0x3a5: {  	[sflag:s31] =	ssyncadd.s32 $0xFFFFE000  }
0x3a6: {  	_ =	swait.ge [sflag:s31], $0x2000  }
0x3a7: {  	[sflag:s31] =	ssyncset.done $0x0  }
0x3a8: {  	[sflag:s31] =	ssyncadd.s32 $0xFFFFE000  }
0x3a9: {  	_ =	swait.ge [sflag:s31], $0x2000  }
0x3aa: {  	[sflag:s31] =	ssyncset.done $0x0  }
0x3ab: {  	[sflag:s31] =	ssyncadd.s32 $0xFFFFE000  }
0x3ac: {  	_ =	swait.ge [sflag:s31], $0x2000  }
0x3ad: {  	[sflag:s31] =	ssyncset.done $0x0  }
0x3ae: {  	[sflag:s31] =	ssyncadd.s32 $0xFFFFE000  }
0x3af: {  	_ =	swait.ge [sflag:s31], $0x2000  }
0x3b0: {  	[sflag:s31] =	ssyncset.done $0x0  }
0x3b1: {  	[sflag:s31] =	ssyncadd.s32 $0xFFFFE000  }
0x3b2: {  	_ =	swait.ge [sflag:s31], $0x2000  }
0x3b3: {  	[sflag:s31] =	ssyncset.done $0x0  }
0x3b4: {  	[sflag:s31] =	ssyncadd.s32 $0xFFFFE000  }
0x3b5: {  	_ =	swait.ge [sflag:s31], $0x2000  }
0x3b6: {  	[sflag:s31] =	ssyncset.done $0x0  }
0x3b7: {  	[sflag:s31] =	ssyncadd.s32 $0xFFFFE000  }
0x3b8: {  	_ =	swait.ge [sflag:s31], $0x2000  }
0x3b9: {  	[sflag:s31] =	ssyncset.done $0x0  }
0x3ba: {  	[sflag:s31] =	ssyncadd.s32 $0xFFFFE000  }
0x3bb: {  	_ =	swait.ge [sflag:s31], $0x2000  }
0x3bc: {  	[sflag:s31] =	ssyncset.done $0x0  }
0x3bd: {  	[sflag:s31] =	ssyncadd.s32 $0xFFFFE000  }
0x3be: {  	_ =	swait.ge [sflag:s13], $0x2000  }
0x3bf: {  	[sflag:s13] =	ssyncset.done $0x0  }
0x3c0: {  	[sflag:s13] =	ssyncadd.s32 $0xFFFFE000  }
.LBB2_23:
.Ltmp14:
0x3c1: {  	(pc) =	sbr.rel @p0 .LBB2_27-.Ltmp14, $4  }
0x3c2: {  	s10 =	simm.s32 @!p1 $0x4  }
0x3c3: {  	_ =	swait.ge @!p1 [sflag:s10], $0x800  }
0x3c4: {  	[sflag:s10] =	ssyncset.done @!p1 $0x0  }
0x3c5: {  	[sflag:s10] =	ssyncadd.s32 @!p1 $0xFFFFF800  }
0x3c6: {  	s10 =	simm.s32 $0x0  }
0x3c7: {  	v3 =	vld [tilespmem:s10+$0x7070]  }
0x3c8: {  	v7 =	vld [tilespmem:s10+$0x7000]  }
0x3c9: {  	v8 =	vld [tilespmem:s10+$0x7010]  }
0x3ca: {  	v6 =	vld [tilespmem:s10+$0x7020]  }
0x3cb: {  	v5 =	vld [tilespmem:s10+$0x7030]  }
0x3cc: {  	v2 =	vld [tilespmem:s10+$0x7040];
	v9 =	vmul.f32 v3, v1  }
0x3cd: {  	v3 =	vld [tilespmem:s10+$0x7050];
	v7 =	vmul.f32 v7, v1  }
0x3ce: {  	s17 =	simm.s32 $0x80;
	s18 =	simm.s32 $0x400;
	v4 =	vld [tilespmem:s10+$0x7060];
	v8 =	vmul.f32 v8, v1;
	[tilespmem:s10+$0xB070] =	vst v9  }
.LBB2_25:
0x3cf: {  	p5 =	sne.s32 s18, $0x7E00;
	v9 =	vld [tilespmem:s17+$0x7070];
	[tilespmem:s10+$0xB000] =	vst v7;
	v6 =	vmul.f32 v6, v1  }
0x3d0: {  	v7 =	vld [tilespmem:s17+$0x7000];
	[tilespmem:s10+$0xB010] =	vst v8;
	v5 =	vmul.f32 v5, v1  }
0x3d1: {  	v8 =	vld [tilespmem:s17+$0x7010];
	[tilespmem:s10+$0xB020] =	vst v6;
	v2 =	vmul.f32 v2, v1  }
.Ltmp15:
0x3d2: {  	v6 =	vld [tilespmem:s17+$0x7020];
	[tilespmem:s10+$0xB030] =	vst v5;
	v3 =	vmul.f32 v3, v1;
	(pc) =	sbr.rel @p5 .LBB2_25-.Ltmp15, $4  }
0x3d3: {  	v5 =	vld [tilespmem:s17+$0x7030];
	[tilespmem:s10+$0xB040] =	vst v2;
	v4 =	vmul.f32 v4, v1  }
0x3d4: {  	v2 =	vld [tilespmem:s17+$0x7040];
	v9 =	vmul.f32 v9, v1;
	[tilespmem:s10+$0xB050] =	vst v3  }
0x3d5: {  	v7 =	vmul.f32 v7, v1;
	v3 =	vld [tilespmem:s17+$0x7050];
	[tilespmem:s10+$0xB060] =	vst v4;
	s10 =	smov.u32 s17  }
0x3d6: {  	s17 =	sshra.s32 s18, $0x2;
	s18 =	sadd.s32 $0x200, s18;
	v8 =	vmul.f32 v8, v1;
	v4 =	vld [tilespmem:s10+$0x7060];
	[tilespmem:s10+$0xB070] =	vst v9  }
0x3d7: {  	v9 =	vld [tilespmem:s17+$0x7070];
	[tilespmem:s10+$0xB000] =	vst v7;
	v6 =	vmul.f32 v6, v1  }
0x3d8: {  	v7 =	vld [tilespmem:s17+$0x7000];
	[tilespmem:s10+$0xB010] =	vst v8;
	v5 =	vmul.f32 v5, v1  }
0x3d9: {  	v8 =	vld [tilespmem:s17+$0x7010];
	[tilespmem:s10+$0xB020] =	vst v6;
	v2 =	vmul.f32 v2, v1  }
0x3da: {  	v6 =	vld [tilespmem:s17+$0x7020];
	[tilespmem:s10+$0xB030] =	vst v5;
	v3 =	vmul.f32 v3, v1  }
0x3db: {  	v5 =	vld [tilespmem:s17+$0x7030];
	[tilespmem:s10+$0xB040] =	vst v2;
	v4 =	vmul.f32 v4, v1  }
0x3dc: {  	v2 =	vld [tilespmem:s17+$0x7040];
	[tilespmem:s10+$0xB050] =	vst v3;
	v9 =	vmul.f32 v9, v1  }
0x3dd: {  	v3 =	vld [tilespmem:s17+$0x7050];
	[tilespmem:s10+$0xB060] =	vst v4;
	v61 =	vmul.f32 v7, v1  }
0x3de: {  	v62 =	vld [tilespmem:s17+$0x7060];
	v8 =	vmul.f32 v8, v1;
	[tilespmem:s17+$0xB070] =	vst v9  }
0x3df: {  	[tilespmem:s17+$0xB000] =	vst v61;
	v63 =	vmul.f32 v6, v1  }
0x3e0: {  	[tilespmem:s17+$0xB010] =	vst v8;
	v5 =	vmul.f32 v5, v1  }
0x3e1: {  	[tilespmem:s17+$0xB020] =	vst v63;
	v2 =	vmul.f32 v2, v1  }
0x3e2: {  	[tilespmem:s17+$0xB030] =	vst v5;
	v3 =	vmul.f32 v3, v1  }
0x3e3: {  	[tilespmem:s17+$0xB040] =	vst v2;
	v2 =	vmul.f32 v62, v1  }
0x3e4: {  	[tilespmem:s17+$0xB050] =	vst v3  }
0x3e5: {  	s18 =	simm.s32 $0xB000;
	[tilespmem:s17+$0xB060] =	vst v2;
	s17 =	rddreg [dreg:$0x5]  }
0x3e6: {  	[hbm4b:s17+s3] =	stream.linear.scatter [tilespmem:s18], [sflag:$0x4], $0x2000, $0x38;
	[tilespmem:$0xD080] =	vst v63  }
.LBB2_27:
.Ltmp16:
0x3e7: {  	(pc) =	sbr.rel @p0 .LBB2_29-.Ltmp16, $3  }
0x3e8: {  	_ =	sdelay $0x1  }
0x3e9: {  	s10 =	simm.s32 @!p3 $0x0;
	s17 =	simm.s32 @!p3 $0xB000  }
0x3ea: {  	[hbm4b:s8+s10] =	stream.linear.scatter @!p3 [tilespmem:s17], [sflag:$0x4], $0x800, $0x38;
	[tilespmem:$0xD080] =	vst v63  }
0x3eb: {  	_ =	swait.ge [sflag:s29], $0x2000  }
0x3ec: {  	[sflag:s29] =	ssyncset.done $0x0  }
0x3ed: {  	[sflag:s29] =	ssyncadd.s32 $0xFFFFE000  }
0x3ee: {  	_ =	swait.ge [sflag:s29], $0x2000  }
0x3ef: {  	[sflag:s29] =	ssyncset.done $0x0  }
0x3f0: {  	[sflag:s29] =	ssyncadd.s32 $0xFFFFE000  }
0x3f1: {  	_ =	swait.ge [sflag:s29], $0x2000  }
0x3f2: {  	[sflag:s29] =	ssyncset.done $0x0  }
0x3f3: {  	[sflag:s29] =	ssyncadd.s32 $0xFFFFE000  }
0x3f4: {  	_ =	swait.ge [sflag:s29], $0x2000  }
0x3f5: {  	[sflag:s29] =	ssyncset.done $0x0  }
0x3f6: {  	[sflag:s29] =	ssyncadd.s32 $0xFFFFE000  }
0x3f7: {  	_ =	swait.ge [sflag:s29], $0x2000  }
0x3f8: {  	[sflag:s29] =	ssyncset.done $0x0  }
0x3f9: {  	[sflag:s29] =	ssyncadd.s32 $0xFFFFE000  }
0x3fa: {  	_ =	swait.ge [sflag:s29], $0x2000  }
0x3fb: {  	[sflag:s29] =	ssyncset.done $0x0  }
0x3fc: {  	[sflag:s29] =	ssyncadd.s32 $0xFFFFE000  }
0x3fd: {  	_ =	swait.ge [sflag:s29], $0x2000  }
0x3fe: {  	[sflag:s29] =	ssyncset.done $0x0  }
0x3ff: {  	[sflag:s29] =	ssyncadd.s32 $0xFFFFE000  }
0x400: {  	_ =	swait.ge [sflag:s29], $0x2000  }
0x401: {  	[sflag:s29] =	ssyncset.done $0x0  }
0x402: {  	[sflag:s29] =	ssyncadd.s32 $0xFFFFE000  }
0x403: {  	_ =	swait.ge [sflag:s29], $0x2000  }
0x404: {  	[sflag:s29] =	ssyncset.done $0x0  }
0x405: {  	[sflag:s29] =	ssyncadd.s32 $0xFFFFE000  }
0x406: {  	_ =	swait.ge [sflag:s29], $0x2000  }
0x407: {  	[sflag:s29] =	ssyncset.done $0x0  }
0x408: {  	[sflag:s29] =	ssyncadd.s32 $0xFFFFE000  }
0x409: {  	_ =	swait.ge [sflag:s29], $0x2000  }
0x40a: {  	[sflag:s29] =	ssyncset.done $0x0  }
0x40b: {  	[sflag:s29] =	ssyncadd.s32 $0xFFFFE000  }
0x40c: {  	_ =	swait.ge [sflag:s29], $0x2000  }
0x40d: {  	[sflag:s29] =	ssyncset.done $0x0  }
0x40e: {  	[sflag:s29] =	ssyncadd.s32 $0xFFFFE000  }
0x40f: {  	_ =	swait.ge [sflag:s29], $0x2000  }
0x410: {  	[sflag:s29] =	ssyncset.done $0x0  }
0x411: {  	[sflag:s29] =	ssyncadd.s32 $0xFFFFE000  }
0x412: {  	_ =	swait.ge [sflag:s29], $0x2000  }
0x413: {  	[sflag:s29] =	ssyncset.done $0x0  }
0x414: {  	[sflag:s29] =	ssyncadd.s32 $0xFFFFE000  }
0x415: {  	_ =	swait.ge [sflag:s29], $0x2000  }
0x416: {  	[sflag:s29] =	ssyncset.done $0x0  }
0x417: {  	[sflag:s29] =	ssyncadd.s32 $0xFFFFE000  }
0x418: {  	_ =	swait.ge [sflag:s29], $0x2000  }
0x419: {  	[sflag:s29] =	ssyncset.done $0x0  }
0x41a: {  	[sflag:s29] =	ssyncadd.s32 $0xFFFFE000  }
0x41b: {  	_ =	swait.ge [sflag:s29], $0x2000  }
0x41c: {  	[sflag:s29] =	ssyncset.done $0x0  }
0x41d: {  	[sflag:s29] =	ssyncadd.s32 $0xFFFFE000  }
0x41e: {  	_ =	swait.ge [sflag:s29], $0x2000  }
0x41f: {  	[sflag:s29] =	ssyncset.done $0x0  }
0x420: {  	[sflag:s29] =	ssyncadd.s32 $0xFFFFE000  }
0x421: {  	_ =	swait.ge [sflag:s29], $0x2000  }
0x422: {  	[sflag:s29] =	ssyncset.done $0x0  }
0x423: {  	[sflag:s29] =	ssyncadd.s32 $0xFFFFE000  }
0x424: {  	_ =	swait.ge [sflag:s29], $0x2000  }
0x425: {  	[sflag:s29] =	ssyncset.done $0x0  }
0x426: {  	[sflag:s29] =	ssyncadd.s32 $0xFFFFE000  }
0x427: {  	_ =	swait.ge [sflag:s29], $0x2000  }
0x428: {  	[sflag:s29] =	ssyncset.done $0x0  }
0x429: {  	[sflag:s29] =	ssyncadd.s32 $0xFFFFE000  }
0x42a: {  	_ =	swait.ge [sflag:s29], $0x2000  }
0x42b: {  	[sflag:s29] =	ssyncset.done $0x0  }
0x42c: {  	[sflag:s29] =	ssyncadd.s32 $0xFFFFE000  }
0x42d: {  	_ =	swait.ge [sflag:s29], $0x2000  }
0x42e: {  	[sflag:s29] =	ssyncset.done $0x0  }
0x42f: {  	[sflag:s29] =	ssyncadd.s32 $0xFFFFE000  }
0x430: {  	_ =	swait.ge [sflag:s29], $0x2000  }
0x431: {  	[sflag:s29] =	ssyncset.done $0x0  }
0x432: {  	[sflag:s29] =	ssyncadd.s32 $0xFFFFE000  }
0x433: {  	_ =	swait.ge [sflag:s29], $0x2000  }
0x434: {  	[sflag:s29] =	ssyncset.done $0x0  }
0x435: {  	[sflag:s29] =	ssyncadd.s32 $0xFFFFE000  }
0x436: {  	_ =	swait.ge [sflag:s29], $0x2000  }
0x437: {  	[sflag:s29] =	ssyncset.done $0x0  }
0x438: {  	[sflag:s29] =	ssyncadd.s32 $0xFFFFE000  }
0x439: {  	_ =	swait.ge [sflag:s29], $0x2000  }
0x43a: {  	[sflag:s29] =	ssyncset.done $0x0  }
0x43b: {  	[sflag:s29] =	ssyncadd.s32 $0xFFFFE000  }
0x43c: {  	_ =	swait.ge [sflag:s29], $0x2000  }
0x43d: {  	[sflag:s29] =	ssyncset.done $0x0  }
0x43e: {  	[sflag:s29] =	ssyncadd.s32 $0xFFFFE000  }
0x43f: {  	_ =	swait.ge [sflag:s29], $0x2000  }
0x440: {  	[sflag:s29] =	ssyncset.done $0x0  }
0x441: {  	[sflag:s29] =	ssyncadd.s32 $0xFFFFE000  }
0x442: {  	_ =	swait.ge [sflag:s29], $0x2000  }
0x443: {  	[sflag:s29] =	ssyncset.done $0x0  }
0x444: {  	[sflag:s29] =	ssyncadd.s32 $0xFFFFE000  }
0x445: {  	_ =	swait.ge [sflag:s29], $0x2000  }
0x446: {  	[sflag:s29] =	ssyncset.done $0x0  }
0x447: {  	[sflag:s29] =	ssyncadd.s32 $0xFFFFE000  }
0x448: {  	_ =	swait.ge [sflag:s29], $0x2000  }
0x449: {  	[sflag:s29] =	ssyncset.done $0x0  }
0x44a: {  	[sflag:s29] =	ssyncadd.s32 $0xFFFFE000  }
0x44b: {  	_ =	swait.ge [sflag:s2], $0x2000  }
0x44c: {  	[sflag:s2] =	ssyncset.done $0x0  }
0x44d: {  	[sflag:s2] =	ssyncadd.s32 $0xFFFFE000  }
.LBB2_29:
.Ltmp17:
0x44e: {  	(pc) =	sbr.rel @p0 .LBB2_33-.Ltmp17, $4  }
0x44f: {  	s10 =	simm.s32 @!p2 $0x3  }
0x450: {  	_ =	swait.ge @!p2 [sflag:s10], $0x800  }
0x451: {  	[sflag:s10] =	ssyncset.done @!p2 $0x0  }
0x452: {  	[sflag:s10] =	ssyncadd.s32 @!p2 $0xFFFFF800  }
0x453: {  	s10 =	simm.s32 $0x0  }
0x454: {  	v3 =	vld [tilespmem:s10+$0x5070]  }
0x455: {  	v7 =	vld [tilespmem:s10+$0x5000]  }
0x456: {  	v8 =	vld [tilespmem:s10+$0x5010]  }
0x457: {  	v6 =	vld [tilespmem:s10+$0x5020]  }
0x458: {  	v5 =	vld [tilespmem:s10+$0x5030]  }
0x459: {  	v2 =	vld [tilespmem:s10+$0x5040];
	v9 =	vmul.f32 v3, v1  }
0x45a: {  	v3 =	vld [tilespmem:s10+$0x5050];
	v7 =	vmul.f32 v7, v1  }
0x45b: {  	s17 =	simm.s32 $0x80;
	s18 =	simm.s32 $0x400;
	v4 =	vld [tilespmem:s10+$0x5060];
	v8 =	vmul.f32 v8, v1;
	[tilespmem:s10+$0x9070] =	vst v9  }
.LBB2_31:
0x45c: {  	p5 =	sne.s32 s18, $0x7E00;
	v9 =	vld [tilespmem:s17+$0x5070];
	[tilespmem:s10+$0x9000] =	vst v7;
	v6 =	vmul.f32 v6, v1  }
0x45d: {  	v5 =	vmul.f32 v5, v1;
	v7 =	vld [tilespmem:s17+$0x5000];
	[tilespmem:s10+$0x9010] =	vst v8  }
0x45e: {  	v2 =	vmul.f32 v2, v1;
	v8 =	vld [tilespmem:s17+$0x5010];
	[tilespmem:s10+$0x9020] =	vst v6  }
.Ltmp18:
0x45f: {  	v3 =	vmul.f32 v3, v1;
	v6 =	vld [tilespmem:s17+$0x5020];
	[tilespmem:s10+$0x9030] =	vst v5;
	(pc) =	sbr.rel @p5 .LBB2_31-.Ltmp18, $4  }
0x460: {  	v4 =	vmul.f32 v4, v1;
	v5 =	vld [tilespmem:s17+$0x5030];
	[tilespmem:s10+$0x9040] =	vst v2  }
0x461: {  	v2 =	vld [tilespmem:s17+$0x5040];
	v9 =	vmul.f32 v9, v1;
	[tilespmem:s10+$0x9050] =	vst v3  }
0x462: {  	v7 =	vmul.f32 v7, v1;
	v3 =	vld [tilespmem:s17+$0x5050];
	[tilespmem:s10+$0x9060] =	vst v4;
	s10 =	smov.u32 s17  }
0x463: {  	s17 =	sshra.s32 s18, $0x2;
	s18 =	sadd.s32 $0x200, s18;
	v8 =	vmul.f32 v8, v1;
	v4 =	vld [tilespmem:s10+$0x5060];
	[tilespmem:s10+$0x9070] =	vst v9  }
.Ltmp19:
0x464: {  	_ = 	snop;
	(pc) =	sbr.rel .LBB2_32-.Ltmp19, $1  }
0x465: {  	_ =	sdelay $0x3  }
.LBB2_34:
0x466: {  	_ =	sfence.sel $0x180000  }
0x467: {  	[bflag:$0x0] =	sbarrier.arrive $0xFFFF  }
0x468: {  	_ =	strace $0x90000047  }
0x469: {  	s0 =	stileid.u32;
	[bflag:$0x2] =	sbarrier.arrive $0xFFFF  }
0x46a: {  	p0 =	sne.s32 s0, $0x0;
	s0 =	rddreg [dreg:$0x3]  }
0x46b: {  	s0 =	sadd.s32 @!p0 $0x100000, s0  }
0x46c: {  	[sflag:s0] =	ssyncadd.tile.s32 @!p0 $0x1;
	_ =	shalt  }
.Lfunc_end2:
_tile_overlayer_lowered:
.L_overlay_start_2:
0x46d: {  	(tag) =	ssettag $0x2  }
0x46e: {  	s0 =	rddreg [dreg:$0x0];
	s2 =	stileid.u32  }
0x46f: {  	s1 =	rddreg [dreg:$0x1];
	p0 =	sne.s32 s2, $0x0  }
0x470: {  	s3 =	rddreg [dreg:$0x2];
	[bflag:$0x3] =	sbarrier.arrive $0xFFFF;
	s2 =	simm.s32 @!p0 $0x1C05  }
0x471: {  	[timem:s3], [sflag:s2] =	dma.local @!p0 [hbm:s0], s1  }
0x472: {  	s0 =	simm.s32 @!p0 $0x5  }
0x473: {  	_ =	swait.ge @!p0 [sflag:s0], s1  }
0x474: {  	s1 =	ssub.s32 @!p0 $0x0, s1;
	[sflag:s0] =	ssyncset.done @!p0 $0x0  }
0x475: {  	[sflag:s0] =	ssyncadd.s32 @!p0 s1  }
0x476: {  	[bflag:$0x3] =	sbarrier.arrive $0xFFFF  }
0x477: {  	_ =	shalt  }

</sc_bundles>
